<compile_context>
chip_gen: v7x
topology: tpu7x:2x2x1
jax: 0.10.2.dev20260603
libtpu: 0.0.44.dev20260713+nightly
codegen_flags: <defaults>
</compile_context>

<pallas_src>
import functools

import jax
import jax.numpy as jnp
from jax import lax
from jax.experimental import pallas as pl
from jax.experimental.pallas import tpu as pltpu
from jax.experimental.pallas import tpu_sc as plsc

GR = 256
LANES = 16
C = 1024
NC = 2
NS = 16
NW = NC * NS


def _axis_terms(p):
    p = jnp.minimum(jnp.maximum(p, 0.0), 1.0 - 1e-6)
    gc = p * float(GR)
    gc = jnp.minimum(jnp.maximum(gc, 0.0), float(GR - 1))
    i0 = gc.astype(jnp.int32)
    i1 = jnp.minimum(i0 + 1, GR - 1)
    d = gc - i0.astype(jnp.float32)
    return i0, i1, d


def _make_sc_interp(npad, niter):
    mesh = plsc.VectorSubcoreMesh(core_axis_name="c", subcore_axis_name="s")

    @functools.partial(
        pl.kernel,
        mesh=mesh,
        compiler_params=pltpu.CompilerParams(needs_layout_passes=False),
        out_type=jax.ShapeDtypeStruct((npad,), jnp.float32),
        scratch_types=[
            pltpu.VMEM((3 * C,), jnp.float32),
            pltpu.VMEM((3 * C,), jnp.float32),
            pltpu.VMEM((8 * C,), jnp.int32),
            pltpu.VMEM((8 * C,), jnp.int32),
            pltpu.VMEM((3 * C,), jnp.float32),
            pltpu.VMEM((3 * C,), jnp.float32),
            pltpu.VMEM((8 * C,), jnp.float32),
            pltpu.VMEM((8 * C,), jnp.float32),
            pltpu.VMEM((C,), jnp.float32),
            pltpu.SemaphoreType.DMA,
            pltpu.SemaphoreType.DMA,
            pltpu.SemaphoreType.DMA,
            pltpu.SemaphoreType.DMA,
        ],
    )
    def sc_interp(xs_hbm, ys_hbm, zs_hbm, gridf_hbm, out_hbm, pts_v0, pts_v1, idx_v0,
                  idx_v1, wt_v0, wt_v1, val_v0, val_v1, out_v, sem_p0,
                  sem_p1, sem_g0, sem_g1):
        pts_v = (pts_v0, pts_v1)
        idx_v = (idx_v0, idx_v1)
        wt_v = (wt_v0, wt_v1)
        val_v = (val_v0, val_v1)
        sem_p = (sem_p0, sem_p1)
        sem_g = (sem_g0, sem_g1)
        wid = lax.axis_index("s") * NC + lax.axis_index("c")

        def chunk_base(t):
            return jnp.minimum((wid + NW * t) * C, npad - C)

        def pts_copy(t, b):
            base = chunk_base(t)
            return [
                pltpu.make_async_copy(src.at[pl.ds(base, C)],
                                      pts_v[b].at[pl.ds(i * C, C)], sem_p[b])
                for i, src in enumerate((xs_hbm, ys_hbm, zs_hbm))
            ]

        def pts_start(t, b):
            for cp in pts_copy(t, b):
                cp.start()

        def pts_wait(t, b):
            for cp in pts_copy(t, b):
                cp.wait()

        def gather_copy(k, b):
            return pltpu.make_async_copy(
                gridf_hbm.at[idx_v[b].at[pl.ds(k * C, C)]],
                val_v[b].at[pl.ds(k * C, C)], sem_g[b])

        def compute_idx(b):
            iv, wv, pv = idx_v[b], wt_v[b], pts_v[b]

            def vec_body(j, carry2):
                sb = j * LANES
                px = pv[pl.ds(sb, LANES)]
                py = pv[pl.ds(C + sb, LANES)]
                pz = pv[pl.ds(2 * C + sb, LANES)]
                x0, x1, xd = _axis_terms(px)
                y0, y1, yd = _axis_terms(py)
                z0, z1, zd = _axis_terms(pz)
                x0s = x0 << 16
                x1s = x1 << 16
                y0s = y0 << 8
                y1s = y1 << 8
                b00 = x0s + y0s
                b01 = x0s + y1s
                b10 = x1s + y0s
                b11 = x1s + y1s
                iv[pl.ds(0 * C + sb, LANES)] = b00 + z0
                iv[pl.ds(1 * C + sb, LANES)] = b00 + z1
                iv[pl.ds(2 * C + sb, LANES)] = b01 + z0
                iv[pl.ds(3 * C + sb, LANES)] = b01 + z1
                iv[pl.ds(4 * C + sb, LANES)] = b10 + z0
                iv[pl.ds(5 * C + sb, LANES)] = b10 + z1
                iv[pl.ds(6 * C + sb, LANES)] = b11 + z0
                iv[pl.ds(7 * C + sb, LANES)] = b11 + z1
                wv[pl.ds(0 * C + sb, LANES)] = xd
                wv[pl.ds(1 * C + sb, LANES)] = yd
                wv[pl.ds(2 * C + sb, LANES)] = zd
                return carry2

            lax.fori_loop(0, C // LANES, vec_body, 0)

        def combine_out(t, b):
            vv, wv = val_v[b], wt_v[b]
            for k in range(8):
                gather_copy(k, b).wait()

            def mix_body(j, carry2):
                sb = j * LANES
                v000 = vv[pl.ds(0 * C + sb, LANES)]
                v001 = vv[pl.ds(1 * C + sb, LANES)]
                v010 = vv[pl.ds(2 * C + sb, LANES)]
                v011 = vv[pl.ds(3 * C + sb, LANES)]
                v100 = vv[pl.ds(4 * C + sb, LANES)]
                v101 = vv[pl.ds(5 * C + sb, LANES)]
                v110 = vv[pl.ds(6 * C + sb, LANES)]
                v111 = vv[pl.ds(7 * C + sb, LANES)]
                xd = wv[pl.ds(0 * C + sb, LANES)]
                yd = wv[pl.ds(1 * C + sb, LANES)]
                zd = wv[pl.ds(2 * C + sb, LANES)]
                c00 = v000 + (v100 - v000) * xd
                c01 = v001 + (v101 - v001) * xd
                c10 = v010 + (v110 - v010) * xd
                c11 = v011 + (v111 - v011) * xd
                c0 = c00 + (c10 - c00) * yd
                c1 = c01 + (c11 - c01) * yd
                out_v[pl.ds(sb, LANES)] = c0 + (c1 - c0) * zd
                return carry2

            lax.fori_loop(0, C // LANES, mix_body, 0)
            pltpu.sync_copy(out_v, out_hbm.at[pl.ds(chunk_base(t), C)])

        def half_iter(t, cur):
            nxt = 1 - cur
            pts_wait(t, cur)
            compute_idx(cur)
            for k in range(8):
                gather_copy(k, cur).start()

            @pl.when(t + 1 < niter)
            def _():
                pts_start(t + 1, nxt)

            @pl.when(t >= 1)
            def _():
                combine_out(t - 1, nxt)

        pts_start(0, 0)

        def pair_body(tt, carry):
            half_iter(2 * tt, 0)
            half_iter(2 * tt + 1, 1)
            return carry

        lax.fori_loop(0, niter // 2, pair_body, 0)
        if niter % 2:
            half_iter(niter - 1, 0)
        last = niter - 1
        combine_out(last, last % 2)

    return sc_interp


def kernel(points, grid):
    npts = points.shape[0]
    niter = -(-npts // (C * NW))
    xs, ys, zs = points[:, 0], points[:, 1], points[:, 2]
    gridf = grid.reshape(-1)
    return _make_sc_interp(npts, niter)(xs, ys, zs, gridf)

# --- scband reference (transcript-rebuilt; emitter-appended) ---
"""Pipeline reference for scband-vis-co-grids-68470368633420 (READ-ONLY COPY).

The authoritative reference and input builder live on the scoring server;
editing this copy changes nothing except your own understanding.
"""

import jax, jax.numpy as jnp
import numpy as np

GRID_RES = 256
H = 1.0 / GRID_RES
N_POINTS = 1000000


def setup_inputs(seed: int = 0) -> dict:
    key = jax.random.key(seed)
    k1, k2 = jax.random.split(key)
    points = jax.random.uniform(k1, (N_POINTS, 3), dtype=jnp.float32)
    # learned parameter: SDF voxel grid (nn.Parameter in the torch module)
    grid = jax.random.normal(k2, (GRID_RES, GRID_RES, GRID_RES), dtype=jnp.float32) * 0.1
    return {"points": points, "grid": grid}


def reference(points, grid):
    # Faithful port of VisCoGrids.trilinear_interpolate (forward pass)
    points = jnp.clip(points, 0.0, 1.0 - 1e-6)
    grid_coords = points / H
    grid_coords = jnp.clip(grid_coords, 0.0, GRID_RES - 1)
    i0 = jnp.floor(grid_coords).astype(jnp.int32)
    i1 = jnp.minimum(i0 + 1, GRID_RES - 1)
    x0, y0, z0 = i0[:, 0], i0[:, 1], i0[:, 2]
    x1, y1, z1 = i1[:, 0], i1[:, 1], i1[:, 2]
    xd = grid_coords[:, 0] - x0.astype(jnp.float32)
    yd = grid_coords[:, 1] - y0.astype(jnp.float32)
    zd = grid_coords[:, 2] - z0.astype(jnp.float32)
    c000 = grid[x0, y0, z0]
    c001 = grid[x0, y0, z1]
    c010 = grid[x0, y1, z0]
    c011 = grid[x0, y1, z1]
    c100 = grid[x1, y0, z0]
    c101 = grid[x1, y0, z1]
    c110 = grid[x1, y1, z0]
    c111 = grid[x1, y1, z1]
    c00 = c000 * (1 - xd) + c100 * xd
    c01 = c001 * (1 - xd) + c101 * xd
    c10 = c010 * (1 - xd) + c110 * xd
    c11 = c011 * (1 - xd) + c111 * xd
    c0 = c00 * (1 - yd) + c10 * yd
    c1 = c01 * (1 - yd) + c11 * yd
    values = c0 * (1 - zd) + c1 * zd
    return values

if __name__ == "__main__":
    import jax
    _d = setup_inputs()
    print(jax.jit(kernel)(*tuple(_d.values())))

</pallas_src>

<mosaic_0001>
#map = affine_map<(d0, d1) -> (0)>
module attributes {stable_mosaic.version = 14 : i64} {
  func.func @sc_interp(%arg0: i32, %arg1: i32, %arg2: memref<1000000xf32, #tpu.memory_space<hbm>>, %arg3: memref<1000000xf32, #tpu.memory_space<hbm>>, %arg4: memref<1000000xf32, #tpu.memory_space<hbm>>, %arg5: memref<16777216xf32, #tpu.memory_space<hbm>>, %arg6: memref<1000000xf32, #tpu.memory_space<hbm>>, %arg7: memref<3072xf32, #tpu.memory_space<vmem>>, %arg8: memref<3072xf32, #tpu.memory_space<vmem>>, %arg9: memref<8192xi32, #tpu.memory_space<vmem>>, %arg10: memref<8192xi32, #tpu.memory_space<vmem>>, %arg11: memref<3072xf32, #tpu.memory_space<vmem>>, %arg12: memref<3072xf32, #tpu.memory_space<vmem>>, %arg13: memref<8192xf32, #tpu.memory_space<vmem>>, %arg14: memref<8192xf32, #tpu.memory_space<vmem>>, %arg15: memref<1024xf32, #tpu.memory_space<vmem>>, %arg16: memref<!tpu.dma_semaphore, #tpu.memory_space<semaphore_mem>>, %arg17: memref<!tpu.dma_semaphore, #tpu.memory_space<semaphore_mem>>, %arg18: memref<!tpu.dma_semaphore, #tpu.memory_space<semaphore_mem>>, %arg19: memref<!tpu.dma_semaphore, #tpu.memory_space<semaphore_mem>>) attributes {dimension_semantics = [#tpu.dimension_semantics<core_parallel>, #tpu.dimension_semantics<subcore_parallel>], iteration_bounds = array<i64: 2, 16>, scalar_prefetch = 0 : i64, scratch_operands = 13 : i64, tpu.core_type = #tpu.core_type<sc_vector_subcore>, window_params = [{transform_indices = #map}, {transform_indices = #map}, {transform_indices = #map}, {transform_indices = #map}, {transform_indices = #map}]} {
    %mul3A = arith.constant 2 : i32
    %mul3A_0 = arith.muli %arg1, %mul3A : i32
    %add3A = arith.addi %mul3A_0, %arg0 : i32
    %add3A_1 = arith.constant 0 : i32
    %add3A_2 = arith.addi %add3A, %add3A_1 : i32
    %mul3A_3 = arith.constant 1024 : i32
    %mul3A_4 = arith.muli %add3A_2, %mul3A_3 : i32
    %min3A = arith.constant 998976 : i32
    %min3A_5 = arith.minsi %mul3A_4, %min3A : i32
    %dma_start3A = arith.constant 0 : i32
    %dma_start3A_6 = tpu.memref_slice %arg7[%dma_start3A] : memref<3072xf32, #tpu.memory_space<vmem>> -> memref<1024xf32, #tpu.memory_space<vmem>>
    %dma_start3A_7 = tpu.memref_slice %arg2[%min3A_5] : memref<1000000xf32, #tpu.memory_space<hbm>> -> memref<1024xf32, #tpu.memory_space<hbm>>
    %dma_start3A_8 = arith.constant 0 : i32
    %dma_start3A_9 = tpu.memref_slice %arg7[%dma_start3A_8] : memref<3072xf32, #tpu.memory_space<vmem>> -> memref<1024xf32, #tpu.memory_space<vmem>>
    %dma_start3A_10 = tpu.memref_slice %arg2[%min3A_5] : memref<1000000xf32, #tpu.memory_space<hbm>> -> memref<1024xf32, #tpu.memory_space<hbm>>
    tpu.enqueue_dma source(%dma_start3A_10 : memref<1024xf32, #tpu.memory_space<hbm>>) target(%dma_start3A_9 : memref<1024xf32, #tpu.memory_space<vmem>>) target_semaphore(%arg16 : memref<!tpu.dma_semaphore, #tpu.memory_space<semaphore_mem>>)
    %dma_start3A_11 = arith.constant 1024 : i32
    %dma_start3A_12 = tpu.memref_slice %arg7[%dma_start3A_11] : memref<3072xf32, #tpu.memory_space<vmem>> -> memref<1024xf32, #tpu.memory_space<vmem>>
    %dma_start3A_13 = tpu.memref_slice %arg3[%min3A_5] : memref<1000000xf32, #tpu.memory_space<hbm>> -> memref<1024xf32, #tpu.memory_space<hbm>>
    %dma_start3A_14 = arith.constant 1024 : i32
    %dma_start3A_15 = tpu.memref_slice %arg7[%dma_start3A_14] : memref<3072xf32, #tpu.memory_space<vmem>> -> memref<1024xf32, #tpu.memory_space<vmem>>
    %dma_start3A_16 = tpu.memref_slice %arg3[%min3A_5] : memref<1000000xf32, #tpu.memory_space<hbm>> -> memref<1024xf32, #tpu.memory_space<hbm>>
    tpu.enqueue_dma source(%dma_start3A_16 : memref<1024xf32, #tpu.memory_space<hbm>>) target(%dma_start3A_15 : memref<1024xf32, #tpu.memory_space<vmem>>) target_semaphore(%arg16 : memref<!tpu.dma_semaphore, #tpu.memory_space<semaphore_mem>>)
    %dma_start3A_17 = arith.constant 2048 : i32
    %dma_start3A_18 = tpu.memref_slice %arg7[%dma_start3A_17] : memref<3072xf32, #tpu.memory_space<vmem>> -> memref<1024xf32, #tpu.memory_space<vmem>>
    %dma_start3A_19 = tpu.memref_slice %arg4[%min3A_5] : memref<1000000xf32, #tpu.memory_space<hbm>> -> memref<1024xf32, #tpu.memory_space<hbm>>
    %dma_start3A_20 = arith.constant 2048 : i32
    %dma_start3A_21 = tpu.memref_slice %arg7[%dma_start3A_20] : memref<3072xf32, #tpu.memory_space<vmem>> -> memref<1024xf32, #tpu.memory_space<vmem>>
    %dma_start3A_22 = tpu.memref_slice %arg4[%min3A_5] : memref<1000000xf32, #tpu.memory_space<hbm>> -> memref<1024xf32, #tpu.memory_space<hbm>>
    tpu.enqueue_dma source(%dma_start3A_22 : memref<1024xf32, #tpu.memory_space<hbm>>) target(%dma_start3A_21 : memref<1024xf32, #tpu.memory_space<vmem>>) target_semaphore(%arg16 : memref<!tpu.dma_semaphore, #tpu.memory_space<semaphore_mem>>)
    %scan3A = arith.constant 0 : i32
    %scan3A_23 = arith.constant 0 : i32
    %scan3A_24 = arith.constant 15 : i32
    %scan3A_25 = arith.addi %scan3A_23, %scan3A_24 : i32
    %scan3A_26 = arith.constant 1 : i32
    scf.for %scan3A_225 = %scan3A_23 to %scan3A_25 step %scan3A_26  : i32 {
      %mul3A_226 = arith.constant 2 : i32
      %mul3A_227 = arith.muli %mul3A_226, %scan3A_225 : i32
      %mul3A_228 = arith.constant 32 : i32
      %mul3A_229 = arith.muli %mul3A_228, %mul3A_227 : i32
      %add3A_230 = arith.addi %add3A, %mul3A_229 : i32
      %mul3A_231 = arith.constant 1024 : i32
      %mul3A_232 = arith.muli %add3A_230, %mul3A_231 : i32
      %min3A_233 = arith.constant 998976 : i32
      %min3A_234 = arith.minsi %mul3A_232, %min3A_233 : i32
      %dma_wait3A_235 = arith.constant 0 : i32
      %dma_wait3A_236 = tpu.memref_slice %arg7[%dma_wait3A_235] : memref<3072xf32, #tpu.memory_space<vmem>> -> memref<1024xf32, #tpu.memory_space<vmem>>
      %dma_wait3A_237 = tpu.memref_slice %arg2[%min3A_234] : memref<1000000xf32, #tpu.memory_space<hbm>> -> memref<1024xf32, #tpu.memory_space<hbm>>
      %dma_wait3A_238 = arith.constant 0 : i32
      %dma_wait3A_239 = tpu.memref_slice %arg7[%dma_wait3A_238] : memref<3072xf32, #tpu.memory_space<vmem>> -> memref<1024xf32, #tpu.memory_space<vmem>>
      %dma_wait3A_240 = tpu.memref_slice %arg2[%min3A_234] : memref<1000000xf32, #tpu.memory_space<hbm>> -> memref<1024xf32, #tpu.memory_space<hbm>>
      tpu.wait_dma2 semaphore(%arg16 : memref<!tpu.dma_semaphore, #tpu.memory_space<semaphore_mem>>) src(%dma_wait3A_240 : memref<1024xf32, #tpu.memory_space<hbm>>) dst(%dma_wait3A_239 : memref<1024xf32, #tpu.memory_space<vmem>>)
      %dma_wait3A_241 = arith.constant 1024 : i32
      %dma_wait3A_242 = tpu.memref_slice %arg7[%dma_wait3A_241] : memref<3072xf32, #tpu.memory_space<vmem>> -> memref<1024xf32, #tpu.memory_space<vmem>>
      %dma_wait3A_243 = tpu.memref_slice %arg3[%min3A_234] : memref<1000000xf32, #tpu.memory_space<hbm>> -> memref<1024xf32, #tpu.memory_space<hbm>>
      %dma_wait3A_244 = arith.constant 1024 : i32
      %dma_wait3A_245 = tpu.memref_slice %arg7[%dma_wait3A_244] : memref<3072xf32, #tpu.memory_space<vmem>> -> memref<1024xf32, #tpu.memory_space<vmem>>
      %dma_wait3A_246 = tpu.memref_slice %arg3[%min3A_234] : memref<1000000xf32, #tpu.memory_space<hbm>> -> memref<1024xf32, #tpu.memory_space<hbm>>
      tpu.wait_dma2 semaphore(%arg16 : memref<!tpu.dma_semaphore, #tpu.memory_space<semaphore_mem>>) src(%dma_wait3A_246 : memref<1024xf32, #tpu.memory_space<hbm>>) dst(%dma_wait3A_245 : memref<1024xf32, #tpu.memory_space<vmem>>)
      %dma_wait3A_247 = arith.constant 2048 : i32
      %dma_wait3A_248 = tpu.memref_slice %arg7[%dma_wait3A_247] : memref<3072xf32, #tpu.memory_space<vmem>> -> memref<1024xf32, #tpu.memory_space<vmem>>
      %dma_wait3A_249 = tpu.memref_slice %arg4[%min3A_234] : memref<1000000xf32, #tpu.memory_space<hbm>> -> memref<1024xf32, #tpu.memory_space<hbm>>
      %dma_wait3A_250 = arith.constant 2048 : i32
      %dma_wait3A_251 = tpu.memref_slice %arg7[%dma_wait3A_250] : memref<3072xf32, #tpu.memory_space<vmem>> -> memref<1024xf32, #tpu.memory_space<vmem>>
      %dma_wait3A_252 = tpu.memref_slice %arg4[%min3A_234] : memref<1000000xf32, #tpu.memory_space<hbm>> -> memref<1024xf32, #tpu.memory_space<hbm>>
      tpu.wait_dma2 semaphore(%arg16 : memref<!tpu.dma_semaphore, #tpu.memory_space<semaphore_mem>>) src(%dma_wait3A_252 : memref<1024xf32, #tpu.memory_space<hbm>>) dst(%dma_wait3A_251 : memref<1024xf32, #tpu.memory_space<vmem>>)
      %scan3A_253 = arith.constant 0 : i32
      %scan3A_254 = arith.constant 0 : i32
      %scan3A_255 = arith.constant 64 : i32
      %scan3A_256 = arith.addi %scan3A_254, %scan3A_255 : i32
      %scan3A_257 = arith.constant 1 : i32
      scf.for %scan3A_410 = %scan3A_254 to %scan3A_256 step %scan3A_257  : i32 {
        %mul3A_411 = arith.constant 16 : i32
        %mul3A_412 = arith.muli %scan3A_410, %mul3A_411 : i32
        %get3A = arith.index_cast %mul3A_412 : i32 to index
        %get3A_413 = tpu.vector_load %arg7[%get3A] {strides = array<i32>} : memref<3072xf32, #tpu.memory_space<vmem>>, vector<16xf32>,
        %add3A_414 = arith.constant 1024 : i32
        %add3A_415 = arith.addi %add3A_414, %mul3A_412 : i32
        %get3A_416 = arith.index_cast %add3A_415 : i32 to index
        %get3A_417 = tpu.vector_load %arg7[%get3A_416] {strides = array<i32>} : memref<3072xf32, #tpu.memory_space<vmem>>, vector<16xf32>,
        %add3A_418 = arith.constant 2048 : i32
        %add3A_419 = arith.addi %add3A_418, %mul3A_412 : i32
        %get3A_420 = arith.index_cast %add3A_419 : i32 to index
        %get3A_421 = tpu.vector_load %arg7[%get3A_420] {strides = array<i32>} : memref<3072xf32, #tpu.memory_space<vmem>>, vector<16xf32>,
        %max3A = arith.constant 0.000000e+00 : f32
        %max3A_422 = vector.broadcast %max3A : f32 to vector<16xf32>
        %max3A_423 = arith.maximumf %get3A_413, %max3A_422 : vector<16xf32>
        %min3A_424 = arith.constant 0.999998986 : f32
        %min3A_425 = vector.broadcast %min3A_424 : f32 to vector<16xf32>
        %min3A_426 = arith.minimumf %max3A_423, %min3A_425 : vector<16xf32>
        %mul3A_427 = arith.constant 2.560000e+02 : f32
        %mul3A_428 = vector.broadcast %mul3A_427 : f32 to vector<16xf32>
        %mul3A_429 = arith.mulf %min3A_426, %mul3A_428 : vector<16xf32>
        %max3A_430 = arith.constant 0.000000e+00 : f32
        %max3A_431 = vector.broadcast %max3A_430 : f32 to vector<16xf32>
        %max3A_432 = arith.maximumf %mul3A_429, %max3A_431 : vector<16xf32>
        %min3A_433 = arith.constant 2.550000e+02 : f32
        %min3A_434 = vector.broadcast %min3A_433 : f32 to vector<16xf32>
        %min3A_435 = arith.minimumf %max3A_432, %min3A_434 : vector<16xf32>
        %convert_element_type3A_436 = arith.fptosi %min3A_435 : vector<16xf32> to vector<16xi32>
        %add3A_437 = arith.constant 1 : i32
        %add3A_438 = vector.broadcast %add3A_437 : i32 to vector<16xi32>
        %add3A_439 = arith.addi %convert_element_type3A_436, %add3A_438 : vector<16xi32>
        %min3A_440 = arith.constant 255 : i32
        %min3A_441 = vector.broadcast %min3A_440 : i32 to vector<16xi32>
        %min3A_442 = arith.minsi %add3A_439, %min3A_441 : vector<16xi32>
        %convert_element_type3A_443 = arith.sitofp %convert_element_type3A_436 : vector<16xi32> to vector<16xf32>
        %sub3A = arith.subf %min3A_435, %convert_element_type3A_443 : vector<16xf32>
        %max3A_444 = arith.constant 0.000000e+00 : f32
        %max3A_445 = vector.broadcast %max3A_444 : f32 to vector<16xf32>
        %max3A_446 = arith.maximumf %get3A_417, %max3A_445 : vector<16xf32>
        %min3A_447 = arith.constant 0.999998986 : f32
        %min3A_448 = vector.broadcast %min3A_447 : f32 to vector<16xf32>
        %min3A_449 = arith.minimumf %max3A_446, %min3A_448 : vector<16xf32>
        %mul3A_450 = arith.constant 2.560000e+02 : f32
        %mul3A_451 = vector.broadcast %mul3A_450 : f32 to vector<16xf32>
        %mul3A_452 = arith.mulf %min3A_449, %mul3A_451 : vector<16xf32>
        %max3A_453 = arith.constant 0.000000e+00 : f32
        %max3A_454 = vector.broadcast %max3A_453 : f32 to vector<16xf32>
        %max3A_455 = arith.maximumf %mul3A_452, %max3A_454 : vector<16xf32>
        %min3A_456 = arith.constant 2.550000e+02 : f32
        %min3A_457 = vector.broadcast %min3A_456 : f32 to vector<16xf32>
        %min3A_458 = arith.minimumf %max3A_455, %min3A_457 : vector<16xf32>
        %convert_element_type3A_459 = arith.fptosi %min3A_458 : vector<16xf32> to vector<16xi32>
        %add3A_460 = arith.constant 1 : i32
        %add3A_461 = vector.broadcast %add3A_460 : i32 to vector<16xi32>
        %add3A_462 = arith.addi %convert_element_type3A_459, %add3A_461 : vector<16xi32>
        %min3A_463 = arith.constant 255 : i32
        %min3A_464 = vector.broadcast %min3A_463 : i32 to vector<16xi32>
        %min3A_465 = arith.minsi %add3A_462, %min3A_464 : vector<16xi32>
        %convert_element_type3A_466 = arith.sitofp %convert_element_type3A_459 : vector<16xi32> to vector<16xf32>
        %sub3A_467 = arith.subf %min3A_458, %convert_element_type3A_466 : vector<16xf32>
        %max3A_468 = arith.constant 0.000000e+00 : f32
        %max3A_469 = vector.broadcast %max3A_468 : f32 to vector<16xf32>
        %max3A_470 = arith.maximumf %get3A_421, %max3A_469 : vector<16xf32>
        %min3A_471 = arith.constant 0.999998986 : f32
        %min3A_472 = vector.broadcast %min3A_471 : f32 to vector<16xf32>
        %min3A_473 = arith.minimumf %max3A_470, %min3A_472 : vector<16xf32>
        %mul3A_474 = arith.constant 2.560000e+02 : f32
        %mul3A_475 = vector.broadcast %mul3A_474 : f32 to vector<16xf32>
        %mul3A_476 = arith.mulf %min3A_473, %mul3A_475 : vector<16xf32>
        %max3A_477 = arith.constant 0.000000e+00 : f32
        %max3A_478 = vector.broadcast %max3A_477 : f32 to vector<16xf32>
        %max3A_479 = arith.maximumf %mul3A_476, %max3A_478 : vector<16xf32>
        %min3A_480 = arith.constant 2.550000e+02 : f32
        %min3A_481 = vector.broadcast %min3A_480 : f32 to vector<16xf32>
        %min3A_482 = arith.minimumf %max3A_479, %min3A_481 : vector<16xf32>
        %convert_element_type3A_483 = arith.fptosi %min3A_482 : vector<16xf32> to vector<16xi32>
        %add3A_484 = arith.constant 1 : i32
        %add3A_485 = vector.broadcast %add3A_484 : i32 to vector<16xi32>
        %add3A_486 = arith.addi %convert_element_type3A_483, %add3A_485 : vector<16xi32>
        %min3A_487 = arith.constant 255 : i32
        %min3A_488 = vector.broadcast %min3A_487 : i32 to vector<16xi32>
        %min3A_489 = arith.minsi %add3A_486, %min3A_488 : vector<16xi32>
        %convert_element_type3A_490 = arith.sitofp %convert_element_type3A_483 : vector<16xi32> to vector<16xf32>
        %sub3A_491 = arith.subf %min3A_482, %convert_element_type3A_490 : vector<16xf32>
        %shift_left3A = arith.constant 16 : i32
        %shift_left3A_492 = vector.broadcast %shift_left3A : i32 to vector<16xi32>
        %shift_left3A_493 = arith.shli %convert_element_type3A_436, %shift_left3A_492 : vector<16xi32>
        %shift_left3A_494 = arith.constant 16 : i32
        %shift_left3A_495 = vector.broadcast %shift_left3A_494 : i32 to vector<16xi32>
        %shift_left3A_496 = arith.shli %min3A_442, %shift_left3A_495 : vector<16xi32>
        %shift_left3A_497 = arith.constant 8 : i32
        %shift_left3A_498 = vector.broadcast %shift_left3A_497 : i32 to vector<16xi32>
        %shift_left3A_499 = arith.shli %convert_element_type3A_459, %shift_left3A_498 : vector<16xi32>
        %shift_left3A_500 = arith.constant 8 : i32
        %shift_left3A_501 = vector.broadcast %shift_left3A_500 : i32 to vector<16xi32>
        %shift_left3A_502 = arith.shli %min3A_465, %shift_left3A_501 : vector<16xi32>
        %add3A_503 = arith.addi %shift_left3A_493, %shift_left3A_499 : vector<16xi32>
        %add3A_504 = arith.addi %shift_left3A_493, %shift_left3A_502 : vector<16xi32>
        %add3A_505 = arith.addi %shift_left3A_496, %shift_left3A_499 : vector<16xi32>
        %add3A_506 = arith.addi %shift_left3A_496, %shift_left3A_502 : vector<16xi32>
        %add3A_507 = arith.addi %add3A_503, %convert_element_type3A_483 : vector<16xi32>
        %add3A_508 = arith.constant 0 : i32
        %add3A_509 = arith.addi %add3A_508, %mul3A_412 : i32
        %swap3A = arith.index_cast %add3A_509 : i32 to index
        %swap3A_510 = tpu.vector_load %arg9[%swap3A] {strides = array<i32>} : memref<8192xi32, #tpu.memory_space<vmem>>, vector<16xi32>,
        tpu.vector_store %arg9[%swap3A], %add3A_507 {strides = array<i32>} : memref<8192xi32, #tpu.memory_space<vmem>>, vector<16xi32>,
        %add3A_511 = arith.addi %add3A_503, %min3A_489 : vector<16xi32>
        %add3A_512 = arith.constant 1024 : i32
        %add3A_513 = arith.addi %add3A_512, %mul3A_412 : i32
        %swap3A_514 = arith.index_cast %add3A_513 : i32 to index
        %swap3A_515 = tpu.vector_load %arg9[%swap3A_514] {strides = array<i32>} : memref<8192xi32, #tpu.memory_space<vmem>>, vector<16xi32>,
        tpu.vector_store %arg9[%swap3A_514], %add3A_511 {strides = array<i32>} : memref<8192xi32, #tpu.memory_space<vmem>>, vector<16xi32>,
        %add3A_516 = arith.addi %add3A_504, %convert_element_type3A_483 : vector<16xi32>
        %add3A_517 = arith.constant 2048 : i32
        %add3A_518 = arith.addi %add3A_517, %mul3A_412 : i32
        %swap3A_519 = arith.index_cast %add3A_518 : i32 to index
        %swap3A_520 = tpu.vector_load %arg9[%swap3A_519] {strides = array<i32>} : memref<8192xi32, #tpu.memory_space<vmem>>, vector<16xi32>,
        tpu.vector_store %arg9[%swap3A_519], %add3A_516 {strides = array<i32>} : memref<8192xi32, #tpu.memory_space<vmem>>, vector<16xi32>,
        %add3A_521 = arith.addi %add3A_504, %min3A_489 : vector<16xi32>
        %add3A_522 = arith.constant 3072 : i32
        %add3A_523 = arith.addi %add3A_522, %mul3A_412 : i32
        %swap3A_524 = arith.index_cast %add3A_523 : i32 to index
        %swap3A_525 = tpu.vector_load %arg9[%swap3A_524] {strides = array<i32>} : memref<8192xi32, #tpu.memory_space<vmem>>, vector<16xi32>,
        tpu.vector_store %arg9[%swap3A_524], %add3A_521 {strides = array<i32>} : memref<8192xi32, #tpu.memory_space<vmem>>, vector<16xi32>,
        %add3A_526 = arith.addi %add3A_505, %convert_element_type3A_483 : vector<16xi32>
        %add3A_527 = arith.constant 4096 : i32
        %add3A_528 = arith.addi %add3A_527, %mul3A_412 : i32
        %swap3A_529 = arith.index_cast %add3A_528 : i32 to index
        %swap3A_530 = tpu.vector_load %arg9[%swap3A_529] {strides = array<i32>} : memref<8192xi32, #tpu.memory_space<vmem>>, vector<16xi32>,
        tpu.vector_store %arg9[%swap3A_529], %add3A_526 {strides = array<i32>} : memref<8192xi32, #tpu.memory_space<vmem>>, vector<16xi32>,
        %add3A_531 = arith.addi %add3A_505, %min3A_489 : vector<16xi32>
        %add3A_532 = arith.constant 5120 : i32
        %add3A_533 = arith.addi %add3A_532, %mul3A_412 : i32
        %swap3A_534 = arith.index_cast %add3A_533 : i32 to index
        %swap3A_535 = tpu.vector_load %arg9[%swap3A_534] {strides = array<i32>} : memref<8192xi32, #tpu.memory_space<vmem>>, vector<16xi32>,
        tpu.vector_store %arg9[%swap3A_534], %add3A_531 {strides = array<i32>} : memref<8192xi32, #tpu.memory_space<vmem>>, vector<16xi32>,
        %add3A_536 = arith.addi %add3A_506, %convert_element_type3A_483 : vector<16xi32>
        %add3A_537 = arith.constant 6144 : i32
        %add3A_538 = arith.addi %add3A_537, %mul3A_412 : i32
        %swap3A_539 = arith.index_cast %add3A_538 : i32 to index
        %swap3A_540 = tpu.vector_load %arg9[%swap3A_539] {strides = array<i32>} : memref<8192xi32, #tpu.memory_space<vmem>>, vector<16xi32>,
        tpu.vector_store %arg9[%swap3A_539], %add3A_536 {strides = array<i32>} : memref<8192xi32, #tpu.memory_space<vmem>>, vector<16xi32>,
        %add3A_541 = arith.addi %add3A_506, %min3A_489 : vector<16xi32>
        %add3A_542 = arith.constant 7168 : i32
        %add3A_543 = arith.addi %add3A_542, %mul3A_412 : i32
        %swap3A_544 = arith.index_cast %add3A_543 : i32 to index
        %swap3A_545 = tpu.vector_load %arg9[%swap3A_544] {strides = array<i32>} : memref<8192xi32, #tpu.memory_space<vmem>>, vector<16xi32>,
        tpu.vector_store %arg9[%swap3A_544], %add3A_541 {strides = array<i32>} : memref<8192xi32, #tpu.memory_space<vmem>>, vector<16xi32>,
        %add3A_546 = arith.constant 0 : i32
        %add3A_547 = arith.addi %add3A_546, %mul3A_412 : i32
        %swap3A_548 = arith.index_cast %add3A_547 : i32 to index
        %swap3A_549 = tpu.vector_load %arg11[%swap3A_548] {strides = array<i32>} : memref<3072xf32, #tpu.memory_space<vmem>>, vector<16xf32>,
        tpu.vector_store %arg11[%swap3A_548], %sub3A {strides = array<i32>} : memref<3072xf32, #tpu.memory_space<vmem>>, vector<16xf32>,
        %add3A_550 = arith.constant 1024 : i32
        %add3A_551 = arith.addi %add3A_550, %mul3A_412 : i32
        %swap3A_552 = arith.index_cast %add3A_551 : i32 to index
        %swap3A_553 = tpu.vector_load %arg11[%swap3A_552] {strides = array<i32>} : memref<3072xf32, #tpu.memory_space<vmem>>, vector<16xf32>,
        tpu.vector_store %arg11[%swap3A_552], %sub3A_467 {strides = array<i32>} : memref<3072xf32, #tpu.memory_space<vmem>>, vector<16xf32>,
        %add3A_554 = arith.constant 2048 : i32
        %add3A_555 = arith.addi %add3A_554, %mul3A_412 : i32
        %swap3A_556 = arith.index_cast %add3A_555 : i32 to index
        %swap3A_557 = tpu.vector_load %arg11[%swap3A_556] {strides = array<i32>} : memref<3072xf32, #tpu.memory_space<vmem>>, vector<16xf32>,
        tpu.vector_store %arg11[%swap3A_556], %sub3A_491 {strides = array<i32>} : memref<3072xf32, #tpu.memory_space<vmem>>, vector<16xf32>,
      }
      %scan3A_258 = arith.constant 64 : i32
      %dma_start3A_259 = arith.constant 0 : i32
      %dma_start3A_260 = tpu.memref_slice %arg13[%dma_start3A_259] : memref<8192xf32, #tpu.memory_space<vmem>> -> memref<1024xf32, #tpu.memory_space<vmem>>
      %dma_start3A_261 = arith.constant 0 : i32
      %dma_start3A_262 = tpu.memref_slice %arg9[%dma_start3A_261] : memref<8192xi32, #tpu.memory_space<vmem>> -> memref<1024xi32, #tpu.memory_space<vmem>>
      %dma_start3A_263 = arith.constant 0 : i32
      %dma_start3A_264 = tpu.memref_slice %arg5[%dma_start3A_263] : memref<16777216xf32, #tpu.memory_space<hbm>> -> memref<16777216xf32, #tpu.memory_space<hbm>>
      tpu.enqueue_indirect_dma source(%dma_start3A_264 : memref<16777216xf32, #tpu.memory_space<hbm>>) target(%dma_start3A_260 : memref<1024xf32, #tpu.memory_space<vmem>>) offsets(%dma_start3A_262 : memref<1024xi32, #tpu.memory_space<vmem>>) semaphore(%arg18 : memref<!tpu.dma_semaphore, #tpu.memory_space<semaphore_mem>>)
      %dma_start3A_265 = arith.constant 1024 : i32
      %dma_start3A_266 = tpu.memref_slice %arg13[%dma_start3A_265] : memref<8192xf32, #tpu.memory_space<vmem>> -> memref<1024xf32, #tpu.memory_space<vmem>>
      %dma_start3A_267 = arith.constant 1024 : i32
      %dma_start3A_268 = tpu.memref_slice %arg9[%dma_start3A_267] : memref<8192xi32, #tpu.memory_space<vmem>> -> memref<1024xi32, #tpu.memory_space<vmem>>
      %dma_start3A_269 = arith.constant 0 : i32
      %dma_start3A_270 = tpu.memref_slice %arg5[%dma_start3A_269] : memref<16777216xf32, #tpu.memory_space<hbm>> -> memref<16777216xf32, #tpu.memory_space<hbm>>
      tpu.enqueue_indirect_dma source(%dma_start3A_270 : memref<16777216xf32, #tpu.memory_space<hbm>>) target(%dma_start3A_266 : memref<1024xf32, #tpu.memory_space<vmem>>) offsets(%dma_start3A_268 : memref<1024xi32, #tpu.memory_space<vmem>>) semaphore(%arg18 : memref<!tpu.dma_semaphore, #tpu.memory_space<semaphore_mem>>)
      %dma_start3A_271 = arith.constant 2048 : i32
      %dma_start3A_272 = tpu.memref_slice %arg13[%dma_start3A_271] : memref<8192xf32, #tpu.memory_space<vmem>> -> memref<1024xf32, #tpu.memory_space<vmem>>
      %dma_start3A_273 = arith.constant 2048 : i32
      %dma_start3A_274 = tpu.memref_slice %arg9[%dma_start3A_273] : memref<8192xi32, #tpu.memory_space<vmem>> -> memref<1024xi32, #tpu.memory_space<vmem>>
      %dma_start3A_275 = arith.constant 0 : i32
      %dma_start3A_276 = tpu.memref_slice %arg5[%dma_start3A_275] : memref<16777216xf32, #tpu.memory_space<hbm>> -> memref<16777216xf32, #tpu.memory_space<hbm>>
      tpu.enqueue_indirect_dma source(%dma_start3A_276 : memref<16777216xf32, #tpu.memory_space<hbm>>) target(%dma_start3A_272 : memref<1024xf32, #tpu.memory_space<vmem>>) offsets(%dma_start3A_274 : memref<1024xi32, #tpu.memory_space<vmem>>) semaphore(%arg18 : memref<!tpu.dma_semaphore, #tpu.memory_space<semaphore_mem>>)
      %dma_start3A_277 = arith.constant 3072 : i32
      %dma_start3A_278 = tpu.memref_slice %arg13[%dma_start3A_277] : memref<8192xf32, #tpu.memory_space<vmem>> -> memref<1024xf32, #tpu.memory_space<vmem>>
      %dma_start3A_279 = arith.constant 3072 : i32
      %dma_start3A_280 = tpu.memref_slice %arg9[%dma_start3A_279] : memref<8192xi32, #tpu.memory_space<vmem>> -> memref<1024xi32, #tpu.memory_space<vmem>>
      %dma_start3A_281 = arith.constant 0 : i32
      %dma_start3A_282 = tpu.memref_slice %arg5[%dma_start3A_281] : memref<16777216xf32, #tpu.memory_space<hbm>> -> memref<16777216xf32, #tpu.memory_space<hbm>>
      tpu.enqueue_indirect_dma source(%dma_start3A_282 : memref<16777216xf32, #tpu.memory_space<hbm>>) target(%dma_start3A_278 : memref<1024xf32, #tpu.memory_space<vmem>>) offsets(%dma_start3A_280 : memref<1024xi32, #tpu.memory_space<vmem>>) semaphore(%arg18 : memref<!tpu.dma_semaphore, #tpu.memory_space<semaphore_mem>>)
      %dma_start3A_283 = arith.constant 4096 : i32
      %dma_start3A_284 = tpu.memref_slice %arg13[%dma_start3A_283] : memref<8192xf32, #tpu.memory_space<vmem>> -> memref<1024xf32, #tpu.memory_space<vmem>>
      %dma_start3A_285 = arith.constant 4096 : i32
      %dma_start3A_286 = tpu.memref_slice %arg9[%dma_start3A_285] : memref<8192xi32, #tpu.memory_space<vmem>> -> memref<1024xi32, #tpu.memory_space<vmem>>
      %dma_start3A_287 = arith.constant 0 : i32
      %dma_start3A_288 = tpu.memref_slice %arg5[%dma_start3A_287] : memref<16777216xf32, #tpu.memory_space<hbm>> -> memref<16777216xf32, #tpu.memory_space<hbm>>
      tpu.enqueue_indirect_dma source(%dma_start3A_288 : memref<16777216xf32, #tpu.memory_space<hbm>>) target(%dma_start3A_284 : memref<1024xf32, #tpu.memory_space<vmem>>) offsets(%dma_start3A_286 : memref<1024xi32, #tpu.memory_space<vmem>>) semaphore(%arg18 : memref<!tpu.dma_semaphore, #tpu.memory_space<semaphore_mem>>)
      %dma_start3A_289 = arith.constant 5120 : i32
      %dma_start3A_290 = tpu.memref_slice %arg13[%dma_start3A_289] : memref<8192xf32, #tpu.memory_space<vmem>> -> memref<1024xf32, #tpu.memory_space<vmem>>
      %dma_start3A_291 = arith.constant 5120 : i32
      %dma_start3A_292 = tpu.memref_slice %arg9[%dma_start3A_291] : memref<8192xi32, #tpu.memory_space<vmem>> -> memref<1024xi32, #tpu.memory_space<vmem>>
      %dma_start3A_293 = arith.constant 0 : i32
      %dma_start3A_294 = tpu.memref_slice %arg5[%dma_start3A_293] : memref<16777216xf32, #tpu.memory_space<hbm>> -> memref<16777216xf32, #tpu.memory_space<hbm>>
      tpu.enqueue_indirect_dma source(%dma_start3A_294 : memref<16777216xf32, #tpu.memory_space<hbm>>) target(%dma_start3A_290 : memref<1024xf32, #tpu.memory_space<vmem>>) offsets(%dma_start3A_292 : memref<1024xi32, #tpu.memory_space<vmem>>) semaphore(%arg18 : memref<!tpu.dma_semaphore, #tpu.memory_space<semaphore_mem>>)
      %dma_start3A_295 = arith.constant 6144 : i32
      %dma_start3A_296 = tpu.memref_slice %arg13[%dma_start3A_295] : memref<8192xf32, #tpu.memory_space<vmem>> -> memref<1024xf32, #tpu.memory_space<vmem>>
      %dma_start3A_297 = arith.constant 6144 : i32
      %dma_start3A_298 = tpu.memref_slice %arg9[%dma_start3A_297] : memref<8192xi32, #tpu.memory_space<vmem>> -> memref<1024xi32, #tpu.memory_space<vmem>>
      %dma_start3A_299 = arith.constant 0 : i32
      %dma_start3A_300 = tpu.memref_slice %arg5[%dma_start3A_299] : memref<16777216xf32, #tpu.memory_space<hbm>> -> memref<16777216xf32, #tpu.memory_space<hbm>>
      tpu.enqueue_indirect_dma source(%dma_start3A_300 : memref<16777216xf32, #tpu.memory_space<hbm>>) target(%dma_start3A_296 : memref<1024xf32, #tpu.memory_space<vmem>>) offsets(%dma_start3A_298 : memref<1024xi32, #tpu.memory_space<vmem>>) semaphore(%arg18 : memref<!tpu.dma_semaphore, #tpu.memory_space<semaphore_mem>>)
      %dma_start3A_301 = arith.constant 7168 : i32
      %dma_start3A_302 = tpu.memref_slice %arg13[%dma_start3A_301] : memref<8192xf32, #tpu.memory_space<vmem>> -> memref<1024xf32, #tpu.memory_space<vmem>>
      %dma_start3A_303 = arith.constant 7168 : i32
      %dma_start3A_304 = tpu.memref_slice %arg9[%dma_start3A_303] : memref<8192xi32, #tpu.memory_space<vmem>> -> memref<1024xi32, #tpu.memory_space<vmem>>
      %dma_start3A_305 = arith.constant 0 : i32
      %dma_start3A_306 = tpu.memref_slice %arg5[%dma_start3A_305] : memref<16777216xf32, #tpu.memory_space<hbm>> -> memref<16777216xf32, #tpu.memory_space<hbm>>
      tpu.enqueue_indirect_dma source(%dma_start3A_306 : memref<16777216xf32, #tpu.memory_space<hbm>>) target(%dma_start3A_302 : memref<1024xf32, #tpu.memory_space<vmem>>) offsets(%dma_start3A_304 : memref<1024xi32, #tpu.memory_space<vmem>>) semaphore(%arg18 : memref<!tpu.dma_semaphore, #tpu.memory_space<semaphore_mem>>)
      %add3A_307 = arith.constant 1 : i32
      %add3A_308 = arith.addi %mul3A_227, %add3A_307 : i32
      %lt3A = arith.constant 31 : i32
      %lt3A_309 = arith.cmpi slt, %add3A_308, %lt3A : i32
      %convert_element_type3A = arith.extui %lt3A_309 : i1 to i32
      %cond3A = arith.constant 0 : i32
      %cond3A_310 = arith.cmpi ne, %convert_element_type3A, %cond3A : i32
      scf.if %cond3A_310 {
        %add3A_410 = arith.constant 1 : i32
        %add3A_411 = arith.addi %mul3A_227, %add3A_410 : i32
        %mul3A_412 = arith.constant 32 : i32
        %mul3A_413 = arith.muli %mul3A_412, %add3A_411 : i32
        %add3A_414 = arith.addi %add3A, %mul3A_413 : i32
        %mul3A_415 = arith.constant 1024 : i32
        %mul3A_416 = arith.muli %add3A_414, %mul3A_415 : i32
        %min3A_417 = arith.constant 998976 : i32
        %min3A_418 = arith.minsi %mul3A_416, %min3A_417 : i32
        %dma_start3A_419 = arith.constant 0 : i32
        %dma_start3A_420 = tpu.memref_slice %arg8[%dma_start3A_419] : memref<3072xf32, #tpu.memory_space<vmem>> -> memref<1024xf32, #tpu.memory_space<vmem>>
        %dma_start3A_421 = tpu.memref_slice %arg2[%min3A_418] : memref<1000000xf32, #tpu.memory_space<hbm>> -> memref<1024xf32, #tpu.memory_space<hbm>>
        %dma_start3A_422 = arith.constant 0 : i32
        %dma_start3A_423 = tpu.memref_slice %arg8[%dma_start3A_422] : memref<3072xf32, #tpu.memory_space<vmem>> -> memref<1024xf32, #tpu.memory_space<vmem>>
        %dma_start3A_424 = tpu.memref_slice %arg2[%min3A_418] : memref<1000000xf32, #tpu.memory_space<hbm>> -> memref<1024xf32, #tpu.memory_space<hbm>>
        tpu.enqueue_dma source(%dma_start3A_424 : memref<1024xf32, #tpu.memory_space<hbm>>) target(%dma_start3A_423 : memref<1024xf32, #tpu.memory_space<vmem>>) target_semaphore(%arg17 : memref<!tpu.dma_semaphore, #tpu.memory_space<semaphore_mem>>)
        %dma_start3A_425 = arith.constant 1024 : i32
        %dma_start3A_426 = tpu.memref_slice %arg8[%dma_start3A_425] : memref<3072xf32, #tpu.memory_space<vmem>> -> memref<1024xf32, #tpu.memory_space<vmem>>
        %dma_start3A_427 = tpu.memref_slice %arg3[%min3A_418] : memref<1000000xf32, #tpu.memory_space<hbm>> -> memref<1024xf32, #tpu.memory_space<hbm>>
        %dma_start3A_428 = arith.constant 1024 : i32
        %dma_start3A_429 = tpu.memref_slice %arg8[%dma_start3A_428] : memref<3072xf32, #tpu.memory_space<vmem>> -> memref<1024xf32, #tpu.memory_space<vmem>>
        %dma_start3A_430 = tpu.memref_slice %arg3[%min3A_418] : memref<1000000xf32, #tpu.memory_space<hbm>> -> memref<1024xf32, #tpu.memory_space<hbm>>
        tpu.enqueue_dma source(%dma_start3A_430 : memref<1024xf32, #tpu.memory_space<hbm>>) target(%dma_start3A_429 : memref<1024xf32, #tpu.memory_space<vmem>>) target_semaphore(%arg17 : memref<!tpu.dma_semaphore, #tpu.memory_space<semaphore_mem>>)
        %dma_start3A_431 = arith.constant 2048 : i32
        %dma_start3A_432 = tpu.memref_slice %arg8[%dma_start3A_431] : memref<3072xf32, #tpu.memory_space<vmem>> -> memref<1024xf32, #tpu.memory_space<vmem>>
        %dma_start3A_433 = tpu.memref_slice %arg4[%min3A_418] : memref<1000000xf32, #tpu.memory_space<hbm>> -> memref<1024xf32, #tpu.memory_space<hbm>>
        %dma_start3A_434 = arith.constant 2048 : i32
        %dma_start3A_435 = tpu.memref_slice %arg8[%dma_start3A_434] : memref<3072xf32, #tpu.memory_space<vmem>> -> memref<1024xf32, #tpu.memory_space<vmem>>
        %dma_start3A_436 = tpu.memref_slice %arg4[%min3A_418] : memref<1000000xf32, #tpu.memory_space<hbm>> -> memref<1024xf32, #tpu.memory_space<hbm>>
        tpu.enqueue_dma source(%dma_start3A_436 : memref<1024xf32, #tpu.memory_space<hbm>>) target(%dma_start3A_435 : memref<1024xf32, #tpu.memory_space<vmem>>) target_semaphore(%arg17 : memref<!tpu.dma_semaphore, #tpu.memory_space<semaphore_mem>>)
      } else {
      }
      %ge3A = arith.constant 1 : i32
      %ge3A_311 = arith.cmpi sge, %mul3A_227, %ge3A : i32
      %convert_element_type3A_312 = arith.extui %ge3A_311 : i1 to i32
      %cond3A_313 = arith.constant 0 : i32
      %cond3A_314 = arith.cmpi ne, %convert_element_type3A_312, %cond3A_313 : i32
      scf.if %cond3A_314 {
        %sub3A = arith.constant 1 : i32
        %sub3A_410 = arith.subi %mul3A_227, %sub3A : i32
        %dma_wait3A_411 = arith.constant 0 : i32
        %dma_wait3A_412 = tpu.memref_slice %arg14[%dma_wait3A_411] : memref<8192xf32, #tpu.memory_space<vmem>> -> memref<1024xf32, #tpu.memory_space<vmem>>
        %dma_wait3A_413 = arith.constant 0 : i32
        %dma_wait3A_414 = tpu.memref_slice %arg10[%dma_wait3A_413] : memref<8192xi32, #tpu.memory_space<vmem>> -> memref<1024xi32, #tpu.memory_space<vmem>>
        %dma_wait3A_415 = arith.constant 0 : i32
        %dma_wait3A_416 = tpu.memref_slice %arg5[%dma_wait3A_415] : memref<16777216xf32, #tpu.memory_space<hbm>> -> memref<16777216xf32, #tpu.memory_space<hbm>>
        tpu.wait_indirect_dma semaphore(%arg19 : memref<!tpu.dma_semaphore, #tpu.memory_space<semaphore_mem>>) src(%dma_wait3A_416 : memref<16777216xf32, #tpu.memory_space<hbm>>) dst(%dma_wait3A_412 : memref<1024xf32, #tpu.memory_space<vmem>>)
        %dma_wait3A_417 = arith.constant 1024 : i32
        %dma_wait3A_418 = tpu.memref_slice %arg14[%dma_wait3A_417] : memref<8192xf32, #tpu.memory_space<vmem>> -> memref<1024xf32, #tpu.memory_space<vmem>>
        %dma_wait3A_419 = arith.constant 1024 : i32
        %dma_wait3A_420 = tpu.memref_slice %arg10[%dma_wait3A_419] : memref<8192xi32, #tpu.memory_space<vmem>> -> memref<1024xi32, #tpu.memory_space<vmem>>
        %dma_wait3A_421 = arith.constant 0 : i32
        %dma_wait3A_422 = tpu.memref_slice %arg5[%dma_wait3A_421] : memref<16777216xf32, #tpu.memory_space<hbm>> -> memref<16777216xf32, #tpu.memory_space<hbm>>
        tpu.wait_indirect_dma semaphore(%arg19 : memref<!tpu.dma_semaphore, #tpu.memory_space<semaphore_mem>>) src(%dma_wait3A_422 : memref<16777216xf32, #tpu.memory_space<hbm>>) dst(%dma_wait3A_418 : memref<1024xf32, #tpu.memory_space<vmem>>)
        %dma_wait3A_423 = arith.constant 2048 : i32
        %dma_wait3A_424 = tpu.memref_slice %arg14[%dma_wait3A_423] : memref<8192xf32, #tpu.memory_space<vmem>> -> memref<1024xf32, #tpu.memory_space<vmem>>
        %dma_wait3A_425 = arith.constant 2048 : i32
        %dma_wait3A_426 = tpu.memref_slice %arg10[%dma_wait3A_425] : memref<8192xi32, #tpu.memory_space<vmem>> -> memref<1024xi32, #tpu.memory_space<vmem>>
        %dma_wait3A_427 = arith.constant 0 : i32
        %dma_wait3A_428 = tpu.memref_slice %arg5[%dma_wait3A_427] : memref<16777216xf32, #tpu.memory_space<hbm>> -> memref<16777216xf32, #tpu.memory_space<hbm>>
        tpu.wait_indirect_dma semaphore(%arg19 : memref<!tpu.dma_semaphore, #tpu.memory_space<semaphore_mem>>) src(%dma_wait3A_428 : memref<16777216xf32, #tpu.memory_space<hbm>>) dst(%dma_wait3A_424 : memref<1024xf32, #tpu.memory_space<vmem>>)
        %dma_wait3A_429 = arith.constant 3072 : i32
        %dma_wait3A_430 = tpu.memref_slice %arg14[%dma_wait3A_429] : memref<8192xf32, #tpu.memory_space<vmem>> -> memref<1024xf32, #tpu.memory_space<vmem>>
        %dma_wait3A_431 = arith.constant 3072 : i32
        %dma_wait3A_432 = tpu.memref_slice %arg10[%dma_wait3A_431] : memref<8192xi32, #tpu.memory_space<vmem>> -> memref<1024xi32, #tpu.memory_space<vmem>>
        %dma_wait3A_433 = arith.constant 0 : i32
        %dma_wait3A_434 = tpu.memref_slice %arg5[%dma_wait3A_433] : memref<16777216xf32, #tpu.memory_space<hbm>> -> memref<16777216xf32, #tpu.memory_space<hbm>>
        tpu.wait_indirect_dma semaphore(%arg19 : memref<!tpu.dma_semaphore, #tpu.memory_space<semaphore_mem>>) src(%dma_wait3A_434 : memref<16777216xf32, #tpu.memory_space<hbm>>) dst(%dma_wait3A_430 : memref<1024xf32, #tpu.memory_space<vmem>>)
        %dma_wait3A_435 = arith.constant 4096 : i32
        %dma_wait3A_436 = tpu.memref_slice %arg14[%dma_wait3A_435] : memref<8192xf32, #tpu.memory_space<vmem>> -> memref<1024xf32, #tpu.memory_space<vmem>>
        %dma_wait3A_437 = arith.constant 4096 : i32
        %dma_wait3A_438 = tpu.memref_slice %arg10[%dma_wait3A_437] : memref<8192xi32, #tpu.memory_space<vmem>> -> memref<1024xi32, #tpu.memory_space<vmem>>
        %dma_wait3A_439 = arith.constant 0 : i32
        %dma_wait3A_440 = tpu.memref_slice %arg5[%dma_wait3A_439] : memref<16777216xf32, #tpu.memory_space<hbm>> -> memref<16777216xf32, #tpu.memory_space<hbm>>
        tpu.wait_indirect_dma semaphore(%arg19 : memref<!tpu.dma_semaphore, #tpu.memory_space<semaphore_mem>>) src(%dma_wait3A_440 : memref<16777216xf32, #tpu.memory_space<hbm>>) dst(%dma_wait3A_436 : memref<1024xf32, #tpu.memory_space<vmem>>)
        %dma_wait3A_441 = arith.constant 5120 : i32
        %dma_wait3A_442 = tpu.memref_slice %arg14[%dma_wait3A_441] : memref<8192xf32, #tpu.memory_space<vmem>> -> memref<1024xf32, #tpu.memory_space<vmem>>
        %dma_wait3A_443 = arith.constant 5120 : i32
        %dma_wait3A_444 = tpu.memref_slice %arg10[%dma_wait3A_443] : memref<8192xi32, #tpu.memory_space<vmem>> -> memref<1024xi32, #tpu.memory_space<vmem>>
        %dma_wait3A_445 = arith.constant 0 : i32
        %dma_wait3A_446 = tpu.memref_slice %arg5[%dma_wait3A_445] : memref<16777216xf32, #tpu.memory_space<hbm>> -> memref<16777216xf32, #tpu.memory_space<hbm>>
        tpu.wait_indirect_dma semaphore(%arg19 : memref<!tpu.dma_semaphore, #tpu.memory_space<semaphore_mem>>) src(%dma_wait3A_446 : memref<16777216xf32, #tpu.memory_space<hbm>>) dst(%dma_wait3A_442 : memref<1024xf32, #tpu.memory_space<vmem>>)
        %dma_wait3A_447 = arith.constant 6144 : i32
        %dma_wait3A_448 = tpu.memref_slice %arg14[%dma_wait3A_447] : memref<8192xf32, #tpu.memory_space<vmem>> -> memref<1024xf32, #tpu.memory_space<vmem>>
        %dma_wait3A_449 = arith.constant 6144 : i32
        %dma_wait3A_450 = tpu.memref_slice %arg10[%dma_wait3A_449] : memref<8192xi32, #tpu.memory_space<vmem>> -> memref<1024xi32, #tpu.memory_space<vmem>>
        %dma_wait3A_451 = arith.constant 0 : i32
        %dma_wait3A_452 = tpu.memref_slice %arg5[%dma_wait3A_451] : memref<16777216xf32, #tpu.memory_space<hbm>> -> memref<16777216xf32, #tpu.memory_space<hbm>>
        tpu.wait_indirect_dma semaphore(%arg19 : memref<!tpu.dma_semaphore, #tpu.memory_space<semaphore_mem>>) src(%dma_wait3A_452 : memref<16777216xf32, #tpu.memory_space<hbm>>) dst(%dma_wait3A_448 : memref<1024xf32, #tpu.memory_space<vmem>>)
        %dma_wait3A_453 = arith.constant 7168 : i32
        %dma_wait3A_454 = tpu.memref_slice %arg14[%dma_wait3A_453] : memref<8192xf32, #tpu.memory_space<vmem>> -> memref<1024xf32, #tpu.memory_space<vmem>>
        %dma_wait3A_455 = arith.constant 7168 : i32
        %dma_wait3A_456 = tpu.memref_slice %arg10[%dma_wait3A_455] : memref<8192xi32, #tpu.memory_space<vmem>> -> memref<1024xi32, #tpu.memory_space<vmem>>
        %dma_wait3A_457 = arith.constant 0 : i32
        %dma_wait3A_458 = tpu.memref_slice %arg5[%dma_wait3A_457] : memref<16777216xf32, #tpu.memory_space<hbm>> -> memref<16777216xf32, #tpu.memory_space<hbm>>
        tpu.wait_indirect_dma semaphore(%arg19 : memref<!tpu.dma_semaphore, #tpu.memory_space<semaphore_mem>>) src(%dma_wait3A_458 : memref<16777216xf32, #tpu.memory_space<hbm>>) dst(%dma_wait3A_454 : memref<1024xf32, #tpu.memory_space<vmem>>)
        %scan3A_459 = arith.constant 0 : i32
        %scan3A_460 = arith.constant 0 : i32
        %scan3A_461 = arith.constant 64 : i32
        %scan3A_462 = arith.addi %scan3A_460, %scan3A_461 : i32
        %scan3A_463 = arith.constant 1 : i32
        scf.for %scan3A_472 = %scan3A_460 to %scan3A_462 step %scan3A_463  : i32 {
          %mul3A_473 = arith.constant 16 : i32
          %mul3A_474 = arith.muli %scan3A_472, %mul3A_473 : i32
          %add3A_475 = arith.constant 0 : i32
          %add3A_476 = arith.addi %add3A_475, %mul3A_474 : i32
          %get3A = arith.index_cast %add3A_476 : i32 to index
          %get3A_477 = tpu.vector_load %arg14[%get3A] {strides = array<i32>} : memref<8192xf32, #tpu.memory_space<vmem>>, vector<16xf32>,
          %add3A_478 = arith.constant 1024 : i32
          %add3A_479 = arith.addi %add3A_478, %mul3A_474 : i32
          %get3A_480 = arith.index_cast %add3A_479 : i32 to index
          %get3A_481 = tpu.vector_load %arg14[%get3A_480] {strides = array<i32>} : memref<8192xf32, #tpu.memory_space<vmem>>, vector<16xf32>,
          %add3A_482 = arith.constant 2048 : i32
          %add3A_483 = arith.addi %add3A_482, %mul3A_474 : i32
          %get3A_484 = arith.index_cast %add3A_483 : i32 to index
          %get3A_485 = tpu.vector_load %arg14[%get3A_484] {strides = array<i32>} : memref<8192xf32, #tpu.memory_space<vmem>>, vector<16xf32>,
          %add3A_486 = arith.constant 3072 : i32
          %add3A_487 = arith.addi %add3A_486, %mul3A_474 : i32
          %get3A_488 = arith.index_cast %add3A_487 : i32 to index
          %get3A_489 = tpu.vector_load %arg14[%get3A_488] {strides = array<i32>} : memref<8192xf32, #tpu.memory_space<vmem>>, vector<16xf32>,
          %add3A_490 = arith.constant 4096 : i32
          %add3A_491 = arith.addi %add3A_490, %mul3A_474 : i32
          %get3A_492 = arith.index_cast %add3A_491 : i32 to index
          %get3A_493 = tpu.vector_load %arg14[%get3A_492] {strides = array<i32>} : memref<8192xf32, #tpu.memory_space<vmem>>, vector<16xf32>,
          %add3A_494 = arith.constant 5120 : i32
          %add3A_495 = arith.addi %add3A_494, %mul3A_474 : i32
          %get3A_496 = arith.index_cast %add3A_495 : i32 to index
          %get3A_497 = tpu.vector_load %arg14[%get3A_496] {strides = array<i32>} : memref<8192xf32, #tpu.memory_space<vmem>>, vector<16xf32>,
          %add3A_498 = arith.constant 6144 : i32
          %add3A_499 = arith.addi %add3A_498, %mul3A_474 : i32
          %get3A_500 = arith.index_cast %add3A_499 : i32 to index
          %get3A_501 = tpu.vector_load %arg14[%get3A_500] {strides = array<i32>} : memref<8192xf32, #tpu.memory_space<vmem>>, vector<16xf32>,
          %add3A_502 = arith.constant 7168 : i32
          %add3A_503 = arith.addi %add3A_502, %mul3A_474 : i32
          %get3A_504 = arith.index_cast %add3A_503 : i32 to index
          %get3A_505 = tpu.vector_load %arg14[%get3A_504] {strides = array<i32>} : memref<8192xf32, #tpu.memory_space<vmem>>, vector<16xf32>,
          %add3A_506 = arith.constant 0 : i32
          %add3A_507 = arith.addi %add3A_506, %mul3A_474 : i32
          %get3A_508 = arith.index_cast %add3A_507 : i32 to index
          %get3A_509 = tpu.vector_load %arg12[%get3A_508] {strides = array<i32>} : memref<3072xf32, #tpu.memory_space<vmem>>, vector<16xf32>,
          %add3A_510 = arith.constant 1024 : i32
          %add3A_511 = arith.addi %add3A_510, %mul3A_474 : i32
          %get3A_512 = arith.index_cast %add3A_511 : i32 to index
          %get3A_513 = tpu.vector_load %arg12[%get3A_512] {strides = array<i32>} : memref<3072xf32, #tpu.memory_space<vmem>>, vector<16xf32>,
          %add3A_514 = arith.constant 2048 : i32
          %add3A_515 = arith.addi %add3A_514, %mul3A_474 : i32
          %get3A_516 = arith.index_cast %add3A_515 : i32 to index
          %get3A_517 = tpu.vector_load %arg12[%get3A_516] {strides = array<i32>} : memref<3072xf32, #tpu.memory_space<vmem>>, vector<16xf32>,
          %sub3A_518 = arith.subf %get3A_493, %get3A_477 : vector<16xf32>
          %mul3A_519 = arith.mulf %sub3A_518, %get3A_509 : vector<16xf32>
          %add3A_520 = arith.addf %get3A_477, %mul3A_519 : vector<16xf32>
          %sub3A_521 = arith.subf %get3A_497, %get3A_481 : vector<16xf32>
          %mul3A_522 = arith.mulf %sub3A_521, %get3A_509 : vector<16xf32>
          %add3A_523 = arith.addf %get3A_481, %mul3A_522 : vector<16xf32>
          %sub3A_524 = arith.subf %get3A_501, %get3A_485 : vector<16xf32>
          %mul3A_525 = arith.mulf %sub3A_524, %get3A_509 : vector<16xf32>
          %add3A_526 = arith.addf %get3A_485, %mul3A_525 : vector<16xf32>
          %sub3A_527 = arith.subf %get3A_505, %get3A_489 : vector<16xf32>
          %mul3A_528 = arith.mulf %sub3A_527, %get3A_509 : vector<16xf32>
          %add3A_529 = arith.addf %get3A_489, %mul3A_528 : vector<16xf32>
          %sub3A_530 = arith.subf %add3A_526, %add3A_520 : vector<16xf32>
          %mul3A_531 = arith.mulf %sub3A_530, %get3A_513 : vector<16xf32>
          %add3A_532 = arith.addf %add3A_520, %mul3A_531 : vector<16xf32>
          %sub3A_533 = arith.subf %add3A_529, %add3A_523 : vector<16xf32>
          %mul3A_534 = arith.mulf %sub3A_533, %get3A_513 : vector<16xf32>
          %add3A_535 = arith.addf %add3A_523, %mul3A_534 : vector<16xf32>
          %sub3A_536 = arith.subf %add3A_535, %add3A_532 : vector<16xf32>
          %mul3A_537 = arith.mulf %sub3A_536, %get3A_517 : vector<16xf32>
          %add3A_538 = arith.addf %add3A_532, %mul3A_537 : vector<16xf32>
          %swap3A = arith.index_cast %mul3A_474 : i32 to index
          %swap3A_539 = tpu.vector_load %arg15[%swap3A] {strides = array<i32>} : memref<1024xf32, #tpu.memory_space<vmem>>, vector<16xf32>,
          tpu.vector_store %arg15[%swap3A], %add3A_538 {strides = array<i32>} : memref<1024xf32, #tpu.memory_space<vmem>>, vector<16xf32>,
        }
        %scan3A_464 = arith.constant 64 : i32
        %mul3A_465 = arith.constant 32 : i32
        %mul3A_466 = arith.muli %mul3A_465, %sub3A_410 : i32
        %add3A_467 = arith.addi %add3A, %mul3A_466 : i32
        %mul3A_468 = arith.constant 1024 : i32
        %mul3A_469 = arith.muli %add3A_467, %mul3A_468 : i32
        %min3A_470 = arith.constant 998976 : i32
        %min3A_471 = arith.minsi %mul3A_469, %min3A_470 : i32
        "tpu.region"() ({
          %run_scoped3A = tpu.sem_alloc : memref<!tpu.dma_semaphore, #tpu.memory_space<semaphore_mem>>
          %dma_start3A_472 = tpu.memref_slice %arg6[%min3A_471] : memref<1000000xf32, #tpu.memory_space<hbm>> -> memref<1024xf32, #tpu.memory_space<hbm>>
          %dma_start3A_473 = tpu.memref_slice %arg6[%min3A_471] : memref<1000000xf32, #tpu.memory_space<hbm>> -> memref<1024xf32, #tpu.memory_space<hbm>>
          tpu.enqueue_dma source(%arg15 : memref<1024xf32, #tpu.memory_space<vmem>>) target(%dma_start3A_473 : memref<1024xf32, #tpu.memory_space<hbm>>) target_semaphore(%run_scoped3A : memref<!tpu.dma_semaphore, #tpu.memory_space<semaphore_mem>>)
          %dma_wait3A_474 = tpu.memref_slice %arg6[%min3A_471] : memref<1000000xf32, #tpu.memory_space<hbm>> -> memref<1024xf32, #tpu.memory_space<hbm>>
          %dma_wait3A_475 = tpu.memref_slice %arg6[%min3A_471] : memref<1000000xf32, #tpu.memory_space<hbm>> -> memref<1024xf32, #tpu.memory_space<hbm>>
          tpu.wait_dma2 semaphore(%run_scoped3A : memref<!tpu.dma_semaphore, #tpu.memory_space<semaphore_mem>>) src(%arg15 : memref<1024xf32, #tpu.memory_space<vmem>>) dst(%dma_wait3A_475 : memref<1024xf32, #tpu.memory_space<hbm>>)
          tpu.yield
        }) : () -> ()
      } else {
      }
      %mul3A_315 = arith.constant 2 : i32
      %mul3A_316 = arith.muli %mul3A_315, %scan3A_225 : i32
      %add3A_317 = arith.constant 1 : i32
      %add3A_318 = arith.addi %mul3A_316, %add3A_317 : i32
      %mul3A_319 = arith.constant 32 : i32
      %mul3A_320 = arith.muli %mul3A_319, %add3A_318 : i32
      %add3A_321 = arith.addi %add3A, %mul3A_320 : i32
      %mul3A_322 = arith.constant 1024 : i32
      %mul3A_323 = arith.muli %add3A_321, %mul3A_322 : i32
      %min3A_324 = arith.constant 998976 : i32
      %min3A_325 = arith.minsi %mul3A_323, %min3A_324 : i32
      %dma_wait3A_326 = arith.constant 0 : i32
      %dma_wait3A_327 = tpu.memref_slice %arg8[%dma_wait3A_326] : memref<3072xf32, #tpu.memory_space<vmem>> -> memref<1024xf32, #tpu.memory_space<vmem>>
      %dma_wait3A_328 = tpu.memref_slice %arg2[%min3A_325] : memref<1000000xf32, #tpu.memory_space<hbm>> -> memref<1024xf32, #tpu.memory_space<hbm>>
      %dma_wait3A_329 = arith.constant 0 : i32
      %dma_wait3A_330 = tpu.memref_slice %arg8[%dma_wait3A_329] : memref<3072xf32, #tpu.memory_space<vmem>> -> memref<1024xf32, #tpu.memory_space<vmem>>
      %dma_wait3A_331 = tpu.memref_slice %arg2[%min3A_325] : memref<1000000xf32, #tpu.memory_space<hbm>> -> memref<1024xf32, #tpu.memory_space<hbm>>
      tpu.wait_dma2 semaphore(%arg17 : memref<!tpu.dma_semaphore, #tpu.memory_space<semaphore_mem>>) src(%dma_wait3A_331 : memref<1024xf32, #tpu.memory_space<hbm>>) dst(%dma_wait3A_330 : memref<1024xf32, #tpu.memory_space<vmem>>)
      %dma_wait3A_332 = arith.constant 1024 : i32
      %dma_wait3A_333 = tpu.memref_slice %arg8[%dma_wait3A_332] : memref<3072xf32, #tpu.memory_space<vmem>> -> memref<1024xf32, #tpu.memory_space<vmem>>
      %dma_wait3A_334 = tpu.memref_slice %arg3[%min3A_325] : memref<1000000xf32, #tpu.memory_space<hbm>> -> memref<1024xf32, #tpu.memory_space<hbm>>
      %dma_wait3A_335 = arith.constant 1024 : i32
      %dma_wait3A_336 = tpu.memref_slice %arg8[%dma_wait3A_335] : memref<3072xf32, #tpu.memory_space<vmem>> -> memref<1024xf32, #tpu.memory_space<vmem>>
      %dma_wait3A_337 = tpu.memref_slice %arg3[%min3A_325] : memref<1000000xf32, #tpu.memory_space<hbm>> -> memref<1024xf32, #tpu.memory_space<hbm>>
      tpu.wait_dma2 semaphore(%arg17 : memref<!tpu.dma_semaphore, #tpu.memory_space<semaphore_mem>>) src(%dma_wait3A_337 : memref<1024xf32, #tpu.memory_space<hbm>>) dst(%dma_wait3A_336 : memref<1024xf32, #tpu.memory_space<vmem>>)
      %dma_wait3A_338 = arith.constant 2048 : i32
      %dma_wait3A_339 = tpu.memref_slice %arg8[%dma_wait3A_338] : memref<3072xf32, #tpu.memory_space<vmem>> -> memref<1024xf32, #tpu.memory_space<vmem>>
      %dma_wait3A_340 = tpu.memref_slice %arg4[%min3A_325] : memref<1000000xf32, #tpu.memory_space<hbm>> -> memref<1024xf32, #tpu.memory_space<hbm>>
      %dma_wait3A_341 = arith.constant 2048 : i32
      %dma_wait3A_342 = tpu.memref_slice %arg8[%dma_wait3A_341] : memref<3072xf32, #tpu.memory_space<vmem>> -> memref<1024xf32, #tpu.memory_space<vmem>>
      %dma_wait3A_343 = tpu.memref_slice %arg4[%min3A_325] : memref<1000000xf32, #tpu.memory_space<hbm>> -> memref<1024xf32, #tpu.memory_space<hbm>>
      tpu.wait_dma2 semaphore(%arg17 : memref<!tpu.dma_semaphore, #tpu.memory_space<semaphore_mem>>) src(%dma_wait3A_343 : memref<1024xf32, #tpu.memory_space<hbm>>) dst(%dma_wait3A_342 : memref<1024xf32, #tpu.memory_space<vmem>>)
      %scan3A_344 = arith.constant 0 : i32
      %scan3A_345 = arith.constant 0 : i32
      %scan3A_346 = arith.constant 64 : i32
      %scan3A_347 = arith.addi %scan3A_345, %scan3A_346 : i32
      %scan3A_348 = arith.constant 1 : i32
      scf.for %scan3A_410 = %scan3A_345 to %scan3A_347 step %scan3A_348  : i32 {
        %mul3A_411 = arith.constant 16 : i32
        %mul3A_412 = arith.muli %scan3A_410, %mul3A_411 : i32
        %get3A = arith.index_cast %mul3A_412 : i32 to index
        %get3A_413 = tpu.vector_load %arg8[%get3A] {strides = array<i32>} : memref<3072xf32, #tpu.memory_space<vmem>>, vector<16xf32>,
        %add3A_414 = arith.constant 1024 : i32
        %add3A_415 = arith.addi %add3A_414, %mul3A_412 : i32
        %get3A_416 = arith.index_cast %add3A_415 : i32 to index
        %get3A_417 = tpu.vector_load %arg8[%get3A_416] {strides = array<i32>} : memref<3072xf32, #tpu.memory_space<vmem>>, vector<16xf32>,
        %add3A_418 = arith.constant 2048 : i32
        %add3A_419 = arith.addi %add3A_418, %mul3A_412 : i32
        %get3A_420 = arith.index_cast %add3A_419 : i32 to index
        %get3A_421 = tpu.vector_load %arg8[%get3A_420] {strides = array<i32>} : memref<3072xf32, #tpu.memory_space<vmem>>, vector<16xf32>,
        %max3A = arith.constant 0.000000e+00 : f32
        %max3A_422 = vector.broadcast %max3A : f32 to vector<16xf32>
        %max3A_423 = arith.maximumf %get3A_413, %max3A_422 : vector<16xf32>
        %min3A_424 = arith.constant 0.999998986 : f32
        %min3A_425 = vector.broadcast %min3A_424 : f32 to vector<16xf32>
        %min3A_426 = arith.minimumf %max3A_423, %min3A_425 : vector<16xf32>
        %mul3A_427 = arith.constant 2.560000e+02 : f32
        %mul3A_428 = vector.broadcast %mul3A_427 : f32 to vector<16xf32>
        %mul3A_429 = arith.mulf %min3A_426, %mul3A_428 : vector<16xf32>
        %max3A_430 = arith.constant 0.000000e+00 : f32
        %max3A_431 = vector.broadcast %max3A_430 : f32 to vector<16xf32>
        %max3A_432 = arith.maximumf %mul3A_429, %max3A_431 : vector<16xf32>
        %min3A_433 = arith.constant 2.550000e+02 : f32
        %min3A_434 = vector.broadcast %min3A_433 : f32 to vector<16xf32>
        %min3A_435 = arith.minimumf %max3A_432, %min3A_434 : vector<16xf32>
        %convert_element_type3A_436 = arith.fptosi %min3A_435 : vector<16xf32> to vector<16xi32>
        %add3A_437 = arith.constant 1 : i32
        %add3A_438 = vector.broadcast %add3A_437 : i32 to vector<16xi32>
        %add3A_439 = arith.addi %convert_element_type3A_436, %add3A_438 : vector<16xi32>
        %min3A_440 = arith.constant 255 : i32
        %min3A_441 = vector.broadcast %min3A_440 : i32 to vector<16xi32>
        %min3A_442 = arith.minsi %add3A_439, %min3A_441 : vector<16xi32>
        %convert_element_type3A_443 = arith.sitofp %convert_element_type3A_436 : vector<16xi32> to vector<16xf32>
        %sub3A = arith.subf %min3A_435, %convert_element_type3A_443 : vector<16xf32>
        %max3A_444 = arith.constant 0.000000e+00 : f32
        %max3A_445 = vector.broadcast %max3A_444 : f32 to vector<16xf32>
        %max3A_446 = arith.maximumf %get3A_417, %max3A_445 : vector<16xf32>
        %min3A_447 = arith.constant 0.999998986 : f32
        %min3A_448 = vector.broadcast %min3A_447 : f32 to vector<16xf32>
        %min3A_449 = arith.minimumf %max3A_446, %min3A_448 : vector<16xf32>
        %mul3A_450 = arith.constant 2.560000e+02 : f32
        %mul3A_451 = vector.broadcast %mul3A_450 : f32 to vector<16xf32>
        %mul3A_452 = arith.mulf %min3A_449, %mul3A_451 : vector<16xf32>
        %max3A_453 = arith.constant 0.000000e+00 : f32
        %max3A_454 = vector.broadcast %max3A_453 : f32 to vector<16xf32>
        %max3A_455 = arith.maximumf %mul3A_452, %max3A_454 : vector<16xf32>
        %min3A_456 = arith.constant 2.550000e+02 : f32
        %min3A_457 = vector.broadcast %min3A_456 : f32 to vector<16xf32>
        %min3A_458 = arith.minimumf %max3A_455, %min3A_457 : vector<16xf32>
        %convert_element_type3A_459 = arith.fptosi %min3A_458 : vector<16xf32> to vector<16xi32>
        %add3A_460 = arith.constant 1 : i32
        %add3A_461 = vector.broadcast %add3A_460 : i32 to vector<16xi32>
        %add3A_462 = arith.addi %convert_element_type3A_459, %add3A_461 : vector<16xi32>
        %min3A_463 = arith.constant 255 : i32
        %min3A_464 = vector.broadcast %min3A_463 : i32 to vector<16xi32>
        %min3A_465 = arith.minsi %add3A_462, %min3A_464 : vector<16xi32>
        %convert_element_type3A_466 = arith.sitofp %convert_element_type3A_459 : vector<16xi32> to vector<16xf32>
        %sub3A_467 = arith.subf %min3A_458, %convert_element_type3A_466 : vector<16xf32>
        %max3A_468 = arith.constant 0.000000e+00 : f32
        %max3A_469 = vector.broadcast %max3A_468 : f32 to vector<16xf32>
        %max3A_470 = arith.maximumf %get3A_421, %max3A_469 : vector<16xf32>
        %min3A_471 = arith.constant 0.999998986 : f32
        %min3A_472 = vector.broadcast %min3A_471 : f32 to vector<16xf32>
        %min3A_473 = arith.minimumf %max3A_470, %min3A_472 : vector<16xf32>
        %mul3A_474 = arith.constant 2.560000e+02 : f32
        %mul3A_475 = vector.broadcast %mul3A_474 : f32 to vector<16xf32>
        %mul3A_476 = arith.mulf %min3A_473, %mul3A_475 : vector<16xf32>
        %max3A_477 = arith.constant 0.000000e+00 : f32
        %max3A_478 = vector.broadcast %max3A_477 : f32 to vector<16xf32>
        %max3A_479 = arith.maximumf %mul3A_476, %max3A_478 : vector<16xf32>
        %min3A_480 = arith.constant 2.550000e+02 : f32
        %min3A_481 = vector.broadcast %min3A_480 : f32 to vector<16xf32>
        %min3A_482 = arith.minimumf %max3A_479, %min3A_481 : vector<16xf32>
        %convert_element_type3A_483 = arith.fptosi %min3A_482 : vector<16xf32> to vector<16xi32>
        %add3A_484 = arith.constant 1 : i32
        %add3A_485 = vector.broadcast %add3A_484 : i32 to vector<16xi32>
        %add3A_486 = arith.addi %convert_element_type3A_483, %add3A_485 : vector<16xi32>
        %min3A_487 = arith.constant 255 : i32
        %min3A_488 = vector.broadcast %min3A_487 : i32 to vector<16xi32>
        %min3A_489 = arith.minsi %add3A_486, %min3A_488 : vector<16xi32>
        %convert_element_type3A_490 = arith.sitofp %convert_element_type3A_483 : vector<16xi32> to vector<16xf32>
        %sub3A_491 = arith.subf %min3A_482, %convert_element_type3A_490 : vector<16xf32>
        %shift_left3A = arith.constant 16 : i32
        %shift_left3A_492 = vector.broadcast %shift_left3A : i32 to vector<16xi32>
        %shift_left3A_493 = arith.shli %convert_element_type3A_436, %shift_left3A_492 : vector<16xi32>
        %shift_left3A_494 = arith.constant 16 : i32
        %shift_left3A_495 = vector.broadcast %shift_left3A_494 : i32 to vector<16xi32>
        %shift_left3A_496 = arith.shli %min3A_442, %shift_left3A_495 : vector<16xi32>
        %shift_left3A_497 = arith.constant 8 : i32
        %shift_left3A_498 = vector.broadcast %shift_left3A_497 : i32 to vector<16xi32>
        %shift_left3A_499 = arith.shli %convert_element_type3A_459, %shift_left3A_498 : vector<16xi32>
        %shift_left3A_500 = arith.constant 8 : i32
        %shift_left3A_501 = vector.broadcast %shift_left3A_500 : i32 to vector<16xi32>
        %shift_left3A_502 = arith.shli %min3A_465, %shift_left3A_501 : vector<16xi32>
        %add3A_503 = arith.addi %shift_left3A_493, %shift_left3A_499 : vector<16xi32>
        %add3A_504 = arith.addi %shift_left3A_493, %shift_left3A_502 : vector<16xi32>
        %add3A_505 = arith.addi %shift_left3A_496, %shift_left3A_499 : vector<16xi32>
        %add3A_506 = arith.addi %shift_left3A_496, %shift_left3A_502 : vector<16xi32>
        %add3A_507 = arith.addi %add3A_503, %convert_element_type3A_483 : vector<16xi32>
        %add3A_508 = arith.constant 0 : i32
        %add3A_509 = arith.addi %add3A_508, %mul3A_412 : i32
        %swap3A = arith.index_cast %add3A_509 : i32 to index
        %swap3A_510 = tpu.vector_load %arg10[%swap3A] {strides = array<i32>} : memref<8192xi32, #tpu.memory_space<vmem>>, vector<16xi32>,
        tpu.vector_store %arg10[%swap3A], %add3A_507 {strides = array<i32>} : memref<8192xi32, #tpu.memory_space<vmem>>, vector<16xi32>,
        %add3A_511 = arith.addi %add3A_503, %min3A_489 : vector<16xi32>
        %add3A_512 = arith.constant 1024 : i32
        %add3A_513 = arith.addi %add3A_512, %mul3A_412 : i32
        %swap3A_514 = arith.index_cast %add3A_513 : i32 to index
        %swap3A_515 = tpu.vector_load %arg10[%swap3A_514] {strides = array<i32>} : memref<8192xi32, #tpu.memory_space<vmem>>, vector<16xi32>,
        tpu.vector_store %arg10[%swap3A_514], %add3A_511 {strides = array<i32>} : memref<8192xi32, #tpu.memory_space<vmem>>, vector<16xi32>,
        %add3A_516 = arith.addi %add3A_504, %convert_element_type3A_483 : vector<16xi32>
        %add3A_517 = arith.constant 2048 : i32
        %add3A_518 = arith.addi %add3A_517, %mul3A_412 : i32
        %swap3A_519 = arith.index_cast %add3A_518 : i32 to index
        %swap3A_520 = tpu.vector_load %arg10[%swap3A_519] {strides = array<i32>} : memref<8192xi32, #tpu.memory_space<vmem>>, vector<16xi32>,
        tpu.vector_store %arg10[%swap3A_519], %add3A_516 {strides = array<i32>} : memref<8192xi32, #tpu.memory_space<vmem>>, vector<16xi32>,
        %add3A_521 = arith.addi %add3A_504, %min3A_489 : vector<16xi32>
        %add3A_522 = arith.constant 3072 : i32
        %add3A_523 = arith.addi %add3A_522, %mul3A_412 : i32
        %swap3A_524 = arith.index_cast %add3A_523 : i32 to index
        %swap3A_525 = tpu.vector_load %arg10[%swap3A_524] {strides = array<i32>} : memref<8192xi32, #tpu.memory_space<vmem>>, vector<16xi32>,
        tpu.vector_store %arg10[%swap3A_524], %add3A_521 {strides = array<i32>} : memref<8192xi32, #tpu.memory_space<vmem>>, vector<16xi32>,
        %add3A_526 = arith.addi %add3A_505, %convert_element_type3A_483 : vector<16xi32>
        %add3A_527 = arith.constant 4096 : i32
        %add3A_528 = arith.addi %add3A_527, %mul3A_412 : i32
        %swap3A_529 = arith.index_cast %add3A_528 : i32 to index
        %swap3A_530 = tpu.vector_load %arg10[%swap3A_529] {strides = array<i32>} : memref<8192xi32, #tpu.memory_space<vmem>>, vector<16xi32>,
        tpu.vector_store %arg10[%swap3A_529], %add3A_526 {strides = array<i32>} : memref<8192xi32, #tpu.memory_space<vmem>>, vector<16xi32>,
        %add3A_531 = arith.addi %add3A_505, %min3A_489 : vector<16xi32>
        %add3A_532 = arith.constant 5120 : i32
        %add3A_533 = arith.addi %add3A_532, %mul3A_412 : i32
        %swap3A_534 = arith.index_cast %add3A_533 : i32 to index
        %swap3A_535 = tpu.vector_load %arg10[%swap3A_534] {strides = array<i32>} : memref<8192xi32, #tpu.memory_space<vmem>>, vector<16xi32>,
        tpu.vector_store %arg10[%swap3A_534], %add3A_531 {strides = array<i32>} : memref<8192xi32, #tpu.memory_space<vmem>>, vector<16xi32>,
        %add3A_536 = arith.addi %add3A_506, %convert_element_type3A_483 : vector<16xi32>
        %add3A_537 = arith.constant 6144 : i32
        %add3A_538 = arith.addi %add3A_537, %mul3A_412 : i32
        %swap3A_539 = arith.index_cast %add3A_538 : i32 to index
        %swap3A_540 = tpu.vector_load %arg10[%swap3A_539] {strides = array<i32>} : memref<8192xi32, #tpu.memory_space<vmem>>, vector<16xi32>,
        tpu.vector_store %arg10[%swap3A_539], %add3A_536 {strides = array<i32>} : memref<8192xi32, #tpu.memory_space<vmem>>, vector<16xi32>,
        %add3A_541 = arith.addi %add3A_506, %min3A_489 : vector<16xi32>
        %add3A_542 = arith.constant 7168 : i32
        %add3A_543 = arith.addi %add3A_542, %mul3A_412 : i32
        %swap3A_544 = arith.index_cast %add3A_543 : i32 to index
        %swap3A_545 = tpu.vector_load %arg10[%swap3A_544] {strides = array<i32>} : memref<8192xi32, #tpu.memory_space<vmem>>, vector<16xi32>,
        tpu.vector_store %arg10[%swap3A_544], %add3A_541 {strides = array<i32>} : memref<8192xi32, #tpu.memory_space<vmem>>, vector<16xi32>,
        %add3A_546 = arith.constant 0 : i32
        %add3A_547 = arith.addi %add3A_546, %mul3A_412 : i32
        %swap3A_548 = arith.index_cast %add3A_547 : i32 to index
        %swap3A_549 = tpu.vector_load %arg12[%swap3A_548] {strides = array<i32>} : memref<3072xf32, #tpu.memory_space<vmem>>, vector<16xf32>,
        tpu.vector_store %arg12[%swap3A_548], %sub3A {strides = array<i32>} : memref<3072xf32, #tpu.memory_space<vmem>>, vector<16xf32>,
        %add3A_550 = arith.constant 1024 : i32
        %add3A_551 = arith.addi %add3A_550, %mul3A_412 : i32
        %swap3A_552 = arith.index_cast %add3A_551 : i32 to index
        %swap3A_553 = tpu.vector_load %arg12[%swap3A_552] {strides = array<i32>} : memref<3072xf32, #tpu.memory_space<vmem>>, vector<16xf32>,
        tpu.vector_store %arg12[%swap3A_552], %sub3A_467 {strides = array<i32>} : memref<3072xf32, #tpu.memory_space<vmem>>, vector<16xf32>,
        %add3A_554 = arith.constant 2048 : i32
        %add3A_555 = arith.addi %add3A_554, %mul3A_412 : i32
        %swap3A_556 = arith.index_cast %add3A_555 : i32 to index
        %swap3A_557 = tpu.vector_load %arg12[%swap3A_556] {strides = array<i32>} : memref<3072xf32, #tpu.memory_space<vmem>>, vector<16xf32>,
        tpu.vector_store %arg12[%swap3A_556], %sub3A_491 {strides = array<i32>} : memref<3072xf32, #tpu.memory_space<vmem>>, vector<16xf32>,
      }
      %scan3A_349 = arith.constant 64 : i32
      %dma_start3A_350 = arith.constant 0 : i32
      %dma_start3A_351 = tpu.memref_slice %arg14[%dma_start3A_350] : memref<8192xf32, #tpu.memory_space<vmem>> -> memref<1024xf32, #tpu.memory_space<vmem>>
      %dma_start3A_352 = arith.constant 0 : i32
      %dma_start3A_353 = tpu.memref_slice %arg10[%dma_start3A_352] : memref<8192xi32, #tpu.memory_space<vmem>> -> memref<1024xi32, #tpu.memory_space<vmem>>
      %dma_start3A_354 = arith.constant 0 : i32
      %dma_start3A_355 = tpu.memref_slice %arg5[%dma_start3A_354] : memref<16777216xf32, #tpu.memory_space<hbm>> -> memref<16777216xf32, #tpu.memory_space<hbm>>
      tpu.enqueue_indirect_dma source(%dma_start3A_355 : memref<16777216xf32, #tpu.memory_space<hbm>>) target(%dma_start3A_351 : memref<1024xf32, #tpu.memory_space<vmem>>) offsets(%dma_start3A_353 : memref<1024xi32, #tpu.memory_space<vmem>>) semaphore(%arg19 : memref<!tpu.dma_semaphore, #tpu.memory_space<semaphore_mem>>)
      %dma_start3A_356 = arith.constant 1024 : i32
      %dma_start3A_357 = tpu.memref_slice %arg14[%dma_start3A_356] : memref<8192xf32, #tpu.memory_space<vmem>> -> memref<1024xf32, #tpu.memory_space<vmem>>
      %dma_start3A_358 = arith.constant 1024 : i32
      %dma_start3A_359 = tpu.memref_slice %arg10[%dma_start3A_358] : memref<8192xi32, #tpu.memory_space<vmem>> -> memref<1024xi32, #tpu.memory_space<vmem>>
      %dma_start3A_360 = arith.constant 0 : i32
      %dma_start3A_361 = tpu.memref_slice %arg5[%dma_start3A_360] : memref<16777216xf32, #tpu.memory_space<hbm>> -> memref<16777216xf32, #tpu.memory_space<hbm>>
      tpu.enqueue_indirect_dma source(%dma_start3A_361 : memref<16777216xf32, #tpu.memory_space<hbm>>) target(%dma_start3A_357 : memref<1024xf32, #tpu.memory_space<vmem>>) offsets(%dma_start3A_359 : memref<1024xi32, #tpu.memory_space<vmem>>) semaphore(%arg19 : memref<!tpu.dma_semaphore, #tpu.memory_space<semaphore_mem>>)
      %dma_start3A_362 = arith.constant 2048 : i32
      %dma_start3A_363 = tpu.memref_slice %arg14[%dma_start3A_362] : memref<8192xf32, #tpu.memory_space<vmem>> -> memref<1024xf32, #tpu.memory_space<vmem>>
      %dma_start3A_364 = arith.constant 2048 : i32
      %dma_start3A_365 = tpu.memref_slice %arg10[%dma_start3A_364] : memref<8192xi32, #tpu.memory_space<vmem>> -> memref<1024xi32, #tpu.memory_space<vmem>>
      %dma_start3A_366 = arith.constant 0 : i32
      %dma_start3A_367 = tpu.memref_slice %arg5[%dma_start3A_366] : memref<16777216xf32, #tpu.memory_space<hbm>> -> memref<16777216xf32, #tpu.memory_space<hbm>>
      tpu.enqueue_indirect_dma source(%dma_start3A_367 : memref<16777216xf32, #tpu.memory_space<hbm>>) target(%dma_start3A_363 : memref<1024xf32, #tpu.memory_space<vmem>>) offsets(%dma_start3A_365 : memref<1024xi32, #tpu.memory_space<vmem>>) semaphore(%arg19 : memref<!tpu.dma_semaphore, #tpu.memory_space<semaphore_mem>>)
      %dma_start3A_368 = arith.constant 3072 : i32
      %dma_start3A_369 = tpu.memref_slice %arg14[%dma_start3A_368] : memref<8192xf32, #tpu.memory_space<vmem>> -> memref<1024xf32, #tpu.memory_space<vmem>>
      %dma_start3A_370 = arith.constant 3072 : i32
      %dma_start3A_371 = tpu.memref_slice %arg10[%dma_start3A_370] : memref<8192xi32, #tpu.memory_space<vmem>> -> memref<1024xi32, #tpu.memory_space<vmem>>
      %dma_start3A_372 = arith.constant 0 : i32
      %dma_start3A_373 = tpu.memref_slice %arg5[%dma_start3A_372] : memref<16777216xf32, #tpu.memory_space<hbm>> -> memref<16777216xf32, #tpu.memory_space<hbm>>
      tpu.enqueue_indirect_dma source(%dma_start3A_373 : memref<16777216xf32, #tpu.memory_space<hbm>>) target(%dma_start3A_369 : memref<1024xf32, #tpu.memory_space<vmem>>) offsets(%dma_start3A_371 : memref<1024xi32, #tpu.memory_space<vmem>>) semaphore(%arg19 : memref<!tpu.dma_semaphore, #tpu.memory_space<semaphore_mem>>)
      %dma_start3A_374 = arith.constant 4096 : i32
      %dma_start3A_375 = tpu.memref_slice %arg14[%dma_start3A_374] : memref<8192xf32, #tpu.memory_space<vmem>> -> memref<1024xf32, #tpu.memory_space<vmem>>
      %dma_start3A_376 = arith.constant 4096 : i32
      %dma_start3A_377 = tpu.memref_slice %arg10[%dma_start3A_376] : memref<8192xi32, #tpu.memory_space<vmem>> -> memref<1024xi32, #tpu.memory_space<vmem>>
      %dma_start3A_378 = arith.constant 0 : i32
      %dma_start3A_379 = tpu.memref_slice %arg5[%dma_start3A_378] : memref<16777216xf32, #tpu.memory_space<hbm>> -> memref<16777216xf32, #tpu.memory_space<hbm>>
      tpu.enqueue_indirect_dma source(%dma_start3A_379 : memref<16777216xf32, #tpu.memory_space<hbm>>) target(%dma_start3A_375 : memref<1024xf32, #tpu.memory_space<vmem>>) offsets(%dma_start3A_377 : memref<1024xi32, #tpu.memory_space<vmem>>) semaphore(%arg19 : memref<!tpu.dma_semaphore, #tpu.memory_space<semaphore_mem>>)
      %dma_start3A_380 = arith.constant 5120 : i32
      %dma_start3A_381 = tpu.memref_slice %arg14[%dma_start3A_380] : memref<8192xf32, #tpu.memory_space<vmem>> -> memref<1024xf32, #tpu.memory_space<vmem>>
      %dma_start3A_382 = arith.constant 5120 : i32
      %dma_start3A_383 = tpu.memref_slice %arg10[%dma_start3A_382] : memref<8192xi32, #tpu.memory_space<vmem>> -> memref<1024xi32, #tpu.memory_space<vmem>>
      %dma_start3A_384 = arith.constant 0 : i32
      %dma_start3A_385 = tpu.memref_slice %arg5[%dma_start3A_384] : memref<16777216xf32, #tpu.memory_space<hbm>> -> memref<16777216xf32, #tpu.memory_space<hbm>>
      tpu.enqueue_indirect_dma source(%dma_start3A_385 : memref<16777216xf32, #tpu.memory_space<hbm>>) target(%dma_start3A_381 : memref<1024xf32, #tpu.memory_space<vmem>>) offsets(%dma_start3A_383 : memref<1024xi32, #tpu.memory_space<vmem>>) semaphore(%arg19 : memref<!tpu.dma_semaphore, #tpu.memory_space<semaphore_mem>>)
      %dma_start3A_386 = arith.constant 6144 : i32
      %dma_start3A_387 = tpu.memref_slice %arg14[%dma_start3A_386] : memref<8192xf32, #tpu.memory_space<vmem>> -> memref<1024xf32, #tpu.memory_space<vmem>>
      %dma_start3A_388 = arith.constant 6144 : i32
      %dma_start3A_389 = tpu.memref_slice %arg10[%dma_start3A_388] : memref<8192xi32, #tpu.memory_space<vmem>> -> memref<1024xi32, #tpu.memory_space<vmem>>
      %dma_start3A_390 = arith.constant 0 : i32
      %dma_start3A_391 = tpu.memref_slice %arg5[%dma_start3A_390] : memref<16777216xf32, #tpu.memory_space<hbm>> -> memref<16777216xf32, #tpu.memory_space<hbm>>
      tpu.enqueue_indirect_dma source(%dma_start3A_391 : memref<16777216xf32, #tpu.memory_space<hbm>>) target(%dma_start3A_387 : memref<1024xf32, #tpu.memory_space<vmem>>) offsets(%dma_start3A_389 : memref<1024xi32, #tpu.memory_space<vmem>>) semaphore(%arg19 : memref<!tpu.dma_semaphore, #tpu.memory_space<semaphore_mem>>)
      %dma_start3A_392 = arith.constant 7168 : i32
      %dma_start3A_393 = tpu.memref_slice %arg14[%dma_start3A_392] : memref<8192xf32, #tpu.memory_space<vmem>> -> memref<1024xf32, #tpu.memory_space<vmem>>
      %dma_start3A_394 = arith.constant 7168 : i32
      %dma_start3A_395 = tpu.memref_slice %arg10[%dma_start3A_394] : memref<8192xi32, #tpu.memory_space<vmem>> -> memref<1024xi32, #tpu.memory_space<vmem>>
      %dma_start3A_396 = arith.constant 0 : i32
      %dma_start3A_397 = tpu.memref_slice %arg5[%dma_start3A_396] : memref<16777216xf32, #tpu.memory_space<hbm>> -> memref<16777216xf32, #tpu.memory_space<hbm>>
      tpu.enqueue_indirect_dma source(%dma_start3A_397 : memref<16777216xf32, #tpu.memory_space<hbm>>) target(%dma_start3A_393 : memref<1024xf32, #tpu.memory_space<vmem>>) offsets(%dma_start3A_395 : memref<1024xi32, #tpu.memory_space<vmem>>) semaphore(%arg19 : memref<!tpu.dma_semaphore, #tpu.memory_space<semaphore_mem>>)
      %add3A_398 = arith.constant 1 : i32
      %add3A_399 = arith.addi %add3A_318, %add3A_398 : i32
      %lt3A_400 = arith.constant 31 : i32
      %lt3A_401 = arith.cmpi slt, %add3A_399, %lt3A_400 : i32
      %convert_element_type3A_402 = arith.extui %lt3A_401 : i1 to i32
      %cond3A_403 = arith.constant 0 : i32
      %cond3A_404 = arith.cmpi ne, %convert_element_type3A_402, %cond3A_403 : i32
      scf.if %cond3A_404 {
        %add3A_410 = arith.constant 1 : i32
        %add3A_411 = arith.addi %add3A_318, %add3A_410 : i32
        %mul3A_412 = arith.constant 32 : i32
        %mul3A_413 = arith.muli %mul3A_412, %add3A_411 : i32
        %add3A_414 = arith.addi %add3A, %mul3A_413 : i32
        %mul3A_415 = arith.constant 1024 : i32
        %mul3A_416 = arith.muli %add3A_414, %mul3A_415 : i32
        %min3A_417 = arith.constant 998976 : i32
        %min3A_418 = arith.minsi %mul3A_416, %min3A_417 : i32
        %dma_start3A_419 = arith.constant 0 : i32
        %dma_start3A_420 = tpu.memref_slice %arg7[%dma_start3A_419] : memref<3072xf32, #tpu.memory_space<vmem>> -> memref<1024xf32, #tpu.memory_space<vmem>>
        %dma_start3A_421 = tpu.memref_slice %arg2[%min3A_418] : memref<1000000xf32, #tpu.memory_space<hbm>> -> memref<1024xf32, #tpu.memory_space<hbm>>
        %dma_start3A_422 = arith.constant 0 : i32
        %dma_start3A_423 = tpu.memref_slice %arg7[%dma_start3A_422] : memref<3072xf32, #tpu.memory_space<vmem>> -> memref<1024xf32, #tpu.memory_space<vmem>>
        %dma_start3A_424 = tpu.memref_slice %arg2[%min3A_418] : memref<1000000xf32, #tpu.memory_space<hbm>> -> memref<1024xf32, #tpu.memory_space<hbm>>
        tpu.enqueue_dma source(%dma_start3A_424 : memref<1024xf32, #tpu.memory_space<hbm>>) target(%dma_start3A_423 : memref<1024xf32, #tpu.memory_space<vmem>>) target_semaphore(%arg16 : memref<!tpu.dma_semaphore, #tpu.memory_space<semaphore_mem>>)
        %dma_start3A_425 = arith.constant 1024 : i32
        %dma_start3A_426 = tpu.memref_slice %arg7[%dma_start3A_425] : memref<3072xf32, #tpu.memory_space<vmem>> -> memref<1024xf32, #tpu.memory_space<vmem>>
        %dma_start3A_427 = tpu.memref_slice %arg3[%min3A_418] : memref<1000000xf32, #tpu.memory_space<hbm>> -> memref<1024xf32, #tpu.memory_space<hbm>>
        %dma_start3A_428 = arith.constant 1024 : i32
        %dma_start3A_429 = tpu.memref_slice %arg7[%dma_start3A_428] : memref<3072xf32, #tpu.memory_space<vmem>> -> memref<1024xf32, #tpu.memory_space<vmem>>
        %dma_start3A_430 = tpu.memref_slice %arg3[%min3A_418] : memref<1000000xf32, #tpu.memory_space<hbm>> -> memref<1024xf32, #tpu.memory_space<hbm>>
        tpu.enqueue_dma source(%dma_start3A_430 : memref<1024xf32, #tpu.memory_space<hbm>>) target(%dma_start3A_429 : memref<1024xf32, #tpu.memory_space<vmem>>) target_semaphore(%arg16 : memref<!tpu.dma_semaphore, #tpu.memory_space<semaphore_mem>>)
        %dma_start3A_431 = arith.constant 2048 : i32
        %dma_start3A_432 = tpu.memref_slice %arg7[%dma_start3A_431] : memref<3072xf32, #tpu.memory_space<vmem>> -> memref<1024xf32, #tpu.memory_space<vmem>>
        %dma_start3A_433 = tpu.memref_slice %arg4[%min3A_418] : memref<1000000xf32, #tpu.memory_space<hbm>> -> memref<1024xf32, #tpu.memory_space<hbm>>
        %dma_start3A_434 = arith.constant 2048 : i32
        %dma_start3A_435 = tpu.memref_slice %arg7[%dma_start3A_434] : memref<3072xf32, #tpu.memory_space<vmem>> -> memref<1024xf32, #tpu.memory_space<vmem>>
        %dma_start3A_436 = tpu.memref_slice %arg4[%min3A_418] : memref<1000000xf32, #tpu.memory_space<hbm>> -> memref<1024xf32, #tpu.memory_space<hbm>>
        tpu.enqueue_dma source(%dma_start3A_436 : memref<1024xf32, #tpu.memory_space<hbm>>) target(%dma_start3A_435 : memref<1024xf32, #tpu.memory_space<vmem>>) target_semaphore(%arg16 : memref<!tpu.dma_semaphore, #tpu.memory_space<semaphore_mem>>)
      } else {
      }
      %ge3A_405 = arith.constant 1 : i32
      %ge3A_406 = arith.cmpi sge, %add3A_318, %ge3A_405 : i32
      %convert_element_type3A_407 = arith.extui %ge3A_406 : i1 to i32
      %cond3A_408 = arith.constant 0 : i32
      %cond3A_409 = arith.cmpi ne, %convert_element_type3A_407, %cond3A_408 : i32
      scf.if %cond3A_409 {
        %sub3A = arith.constant 1 : i32
        %sub3A_410 = arith.subi %add3A_318, %sub3A : i32
        %dma_wait3A_411 = arith.constant 0 : i32
        %dma_wait3A_412 = tpu.memref_slice %arg13[%dma_wait3A_411] : memref<8192xf32, #tpu.memory_space<vmem>> -> memref<1024xf32, #tpu.memory_space<vmem>>
        %dma_wait3A_413 = arith.constant 0 : i32
        %dma_wait3A_414 = tpu.memref_slice %arg9[%dma_wait3A_413] : memref<8192xi32, #tpu.memory_space<vmem>> -> memref<1024xi32, #tpu.memory_space<vmem>>
        %dma_wait3A_415 = arith.constant 0 : i32
        %dma_wait3A_416 = tpu.memref_slice %arg5[%dma_wait3A_415] : memref<16777216xf32, #tpu.memory_space<hbm>> -> memref<16777216xf32, #tpu.memory_space<hbm>>
        tpu.wait_indirect_dma semaphore(%arg18 : memref<!tpu.dma_semaphore, #tpu.memory_space<semaphore_mem>>) src(%dma_wait3A_416 : memref<16777216xf32, #tpu.memory_space<hbm>>) dst(%dma_wait3A_412 : memref<1024xf32, #tpu.memory_space<vmem>>)
        %dma_wait3A_417 = arith.constant 1024 : i32
        %dma_wait3A_418 = tpu.memref_slice %arg13[%dma_wait3A_417] : memref<8192xf32, #tpu.memory_space<vmem>> -> memref<1024xf32, #tpu.memory_space<vmem>>
        %dma_wait3A_419 = arith.constant 1024 : i32
        %dma_wait3A_420 = tpu.memref_slice %arg9[%dma_wait3A_419] : memref<8192xi32, #tpu.memory_space<vmem>> -> memref<1024xi32, #tpu.memory_space<vmem>>
        %dma_wait3A_421 = arith.constant 0 : i32
        %dma_wait3A_422 = tpu.memref_slice %arg5[%dma_wait3A_421] : memref<16777216xf32, #tpu.memory_space<hbm>> -> memref<16777216xf32, #tpu.memory_space<hbm>>
        tpu.wait_indirect_dma semaphore(%arg18 : memref<!tpu.dma_semaphore, #tpu.memory_space<semaphore_mem>>) src(%dma_wait3A_422 : memref<16777216xf32, #tpu.memory_space<hbm>>) dst(%dma_wait3A_418 : memref<1024xf32, #tpu.memory_space<vmem>>)
        %dma_wait3A_423 = arith.constant 2048 : i32
        %dma_wait3A_424 = tpu.memref_slice %arg13[%dma_wait3A_423] : memref<8192xf32, #tpu.memory_space<vmem>> -> memref<1024xf32, #tpu.memory_space<vmem>>
        %dma_wait3A_425 = arith.constant 2048 : i32
        %dma_wait3A_426 = tpu.memref_slice %arg9[%dma_wait3A_425] : memref<8192xi32, #tpu.memory_space<vmem>> -> memref<1024xi32, #tpu.memory_space<vmem>>
        %dma_wait3A_427 = arith.constant 0 : i32
        %dma_wait3A_428 = tpu.memref_slice %arg5[%dma_wait3A_427] : memref<16777216xf32, #tpu.memory_space<hbm>> -> memref<16777216xf32, #tpu.memory_space<hbm>>
        tpu.wait_indirect_dma semaphore(%arg18 : memref<!tpu.dma_semaphore, #tpu.memory_space<semaphore_mem>>) src(%dma_wait3A_428 : memref<16777216xf32, #tpu.memory_space<hbm>>) dst(%dma_wait3A_424 : memref<1024xf32, #tpu.memory_space<vmem>>)
        %dma_wait3A_429 = arith.constant 3072 : i32
        %dma_wait3A_430 = tpu.memref_slice %arg13[%dma_wait3A_429] : memref<8192xf32, #tpu.memory_space<vmem>> -> memref<1024xf32, #tpu.memory_space<vmem>>
        %dma_wait3A_431 = arith.constant 3072 : i32
        %dma_wait3A_432 = tpu.memref_slice %arg9[%dma_wait3A_431] : memref<8192xi32, #tpu.memory_space<vmem>> -> memref<1024xi32, #tpu.memory_space<vmem>>
        %dma_wait3A_433 = arith.constant 0 : i32
        %dma_wait3A_434 = tpu.memref_slice %arg5[%dma_wait3A_433] : memref<16777216xf32, #tpu.memory_space<hbm>> -> memref<16777216xf32, #tpu.memory_space<hbm>>
        tpu.wait_indirect_dma semaphore(%arg18 : memref<!tpu.dma_semaphore, #tpu.memory_space<semaphore_mem>>) src(%dma_wait3A_434 : memref<16777216xf32, #tpu.memory_space<hbm>>) dst(%dma_wait3A_430 : memref<1024xf32, #tpu.memory_space<vmem>>)
        %dma_wait3A_435 = arith.constant 4096 : i32
        %dma_wait3A_436 = tpu.memref_slice %arg13[%dma_wait3A_435] : memref<8192xf32, #tpu.memory_space<vmem>> -> memref<1024xf32, #tpu.memory_space<vmem>>
        %dma_wait3A_437 = arith.constant 4096 : i32
        %dma_wait3A_438 = tpu.memref_slice %arg9[%dma_wait3A_437] : memref<8192xi32, #tpu.memory_space<vmem>> -> memref<1024xi32, #tpu.memory_space<vmem>>
        %dma_wait3A_439 = arith.constant 0 : i32
        %dma_wait3A_440 = tpu.memref_slice %arg5[%dma_wait3A_439] : memref<16777216xf32, #tpu.memory_space<hbm>> -> memref<16777216xf32, #tpu.memory_space<hbm>>
        tpu.wait_indirect_dma semaphore(%arg18 : memref<!tpu.dma_semaphore, #tpu.memory_space<semaphore_mem>>) src(%dma_wait3A_440 : memref<16777216xf32, #tpu.memory_space<hbm>>) dst(%dma_wait3A_436 : memref<1024xf32, #tpu.memory_space<vmem>>)
        %dma_wait3A_441 = arith.constant 5120 : i32
        %dma_wait3A_442 = tpu.memref_slice %arg13[%dma_wait3A_441] : memref<8192xf32, #tpu.memory_space<vmem>> -> memref<1024xf32, #tpu.memory_space<vmem>>
        %dma_wait3A_443 = arith.constant 5120 : i32
        %dma_wait3A_444 = tpu.memref_slice %arg9[%dma_wait3A_443] : memref<8192xi32, #tpu.memory_space<vmem>> -> memref<1024xi32, #tpu.memory_space<vmem>>
        %dma_wait3A_445 = arith.constant 0 : i32
        %dma_wait3A_446 = tpu.memref_slice %arg5[%dma_wait3A_445] : memref<16777216xf32, #tpu.memory_space<hbm>> -> memref<16777216xf32, #tpu.memory_space<hbm>>
        tpu.wait_indirect_dma semaphore(%arg18 : memref<!tpu.dma_semaphore, #tpu.memory_space<semaphore_mem>>) src(%dma_wait3A_446 : memref<16777216xf32, #tpu.memory_space<hbm>>) dst(%dma_wait3A_442 : memref<1024xf32, #tpu.memory_space<vmem>>)
        %dma_wait3A_447 = arith.constant 6144 : i32
        %dma_wait3A_448 = tpu.memref_slice %arg13[%dma_wait3A_447] : memref<8192xf32, #tpu.memory_space<vmem>> -> memref<1024xf32, #tpu.memory_space<vmem>>
        %dma_wait3A_449 = arith.constant 6144 : i32
        %dma_wait3A_450 = tpu.memref_slice %arg9[%dma_wait3A_449] : memref<8192xi32, #tpu.memory_space<vmem>> -> memref<1024xi32, #tpu.memory_space<vmem>>
        %dma_wait3A_451 = arith.constant 0 : i32
        %dma_wait3A_452 = tpu.memref_slice %arg5[%dma_wait3A_451] : memref<16777216xf32, #tpu.memory_space<hbm>> -> memref<16777216xf32, #tpu.memory_space<hbm>>
        tpu.wait_indirect_dma semaphore(%arg18 : memref<!tpu.dma_semaphore, #tpu.memory_space<semaphore_mem>>) src(%dma_wait3A_452 : memref<16777216xf32, #tpu.memory_space<hbm>>) dst(%dma_wait3A_448 : memref<1024xf32, #tpu.memory_space<vmem>>)
        %dma_wait3A_453 = arith.constant 7168 : i32
        %dma_wait3A_454 = tpu.memref_slice %arg13[%dma_wait3A_453] : memref<8192xf32, #tpu.memory_space<vmem>> -> memref<1024xf32, #tpu.memory_space<vmem>>
        %dma_wait3A_455 = arith.constant 7168 : i32
        %dma_wait3A_456 = tpu.memref_slice %arg9[%dma_wait3A_455] : memref<8192xi32, #tpu.memory_space<vmem>> -> memref<1024xi32, #tpu.memory_space<vmem>>
        %dma_wait3A_457 = arith.constant 0 : i32
        %dma_wait3A_458 = tpu.memref_slice %arg5[%dma_wait3A_457] : memref<16777216xf32, #tpu.memory_space<hbm>> -> memref<16777216xf32, #tpu.memory_space<hbm>>
        tpu.wait_indirect_dma semaphore(%arg18 : memref<!tpu.dma_semaphore, #tpu.memory_space<semaphore_mem>>) src(%dma_wait3A_458 : memref<16777216xf32, #tpu.memory_space<hbm>>) dst(%dma_wait3A_454 : memref<1024xf32, #tpu.memory_space<vmem>>)
        %scan3A_459 = arith.constant 0 : i32
        %scan3A_460 = arith.constant 0 : i32
        %scan3A_461 = arith.constant 64 : i32
        %scan3A_462 = arith.addi %scan3A_460, %scan3A_461 : i32
        %scan3A_463 = arith.constant 1 : i32
        scf.for %scan3A_472 = %scan3A_460 to %scan3A_462 step %scan3A_463  : i32 {
          %mul3A_473 = arith.constant 16 : i32
          %mul3A_474 = arith.muli %scan3A_472, %mul3A_473 : i32
          %add3A_475 = arith.constant 0 : i32
          %add3A_476 = arith.addi %add3A_475, %mul3A_474 : i32
          %get3A = arith.index_cast %add3A_476 : i32 to index
          %get3A_477 = tpu.vector_load %arg13[%get3A] {strides = array<i32>} : memref<8192xf32, #tpu.memory_space<vmem>>, vector<16xf32>,
          %add3A_478 = arith.constant 1024 : i32
          %add3A_479 = arith.addi %add3A_478, %mul3A_474 : i32
          %get3A_480 = arith.index_cast %add3A_479 : i32 to index
          %get3A_481 = tpu.vector_load %arg13[%get3A_480] {strides = array<i32>} : memref<8192xf32, #tpu.memory_space<vmem>>, vector<16xf32>,
          %add3A_482 = arith.constant 2048 : i32
          %add3A_483 = arith.addi %add3A_482, %mul3A_474 : i32
          %get3A_484 = arith.index_cast %add3A_483 : i32 to index
          %get3A_485 = tpu.vector_load %arg13[%get3A_484] {strides = array<i32>} : memref<8192xf32, #tpu.memory_space<vmem>>, vector<16xf32>,
          %add3A_486 = arith.constant 3072 : i32
          %add3A_487 = arith.addi %add3A_486, %mul3A_474 : i32
          %get3A_488 = arith.index_cast %add3A_487 : i32 to index
          %get3A_489 = tpu.vector_load %arg13[%get3A_488] {strides = array<i32>} : memref<8192xf32, #tpu.memory_space<vmem>>, vector<16xf32>,
          %add3A_490 = arith.constant 4096 : i32
          %add3A_491 = arith.addi %add3A_490, %mul3A_474 : i32
          %get3A_492 = arith.index_cast %add3A_491 : i32 to index
          %get3A_493 = tpu.vector_load %arg13[%get3A_492] {strides = array<i32>} : memref<8192xf32, #tpu.memory_space<vmem>>, vector<16xf32>,
          %add3A_494 = arith.constant 5120 : i32
          %add3A_495 = arith.addi %add3A_494, %mul3A_474 : i32
          %get3A_496 = arith.index_cast %add3A_495 : i32 to index
          %get3A_497 = tpu.vector_load %arg13[%get3A_496] {strides = array<i32>} : memref<8192xf32, #tpu.memory_space<vmem>>, vector<16xf32>,
          %add3A_498 = arith.constant 6144 : i32
          %add3A_499 = arith.addi %add3A_498, %mul3A_474 : i32
          %get3A_500 = arith.index_cast %add3A_499 : i32 to index
          %get3A_501 = tpu.vector_load %arg13[%get3A_500] {strides = array<i32>} : memref<8192xf32, #tpu.memory_space<vmem>>, vector<16xf32>,
          %add3A_502 = arith.constant 7168 : i32
          %add3A_503 = arith.addi %add3A_502, %mul3A_474 : i32
          %get3A_504 = arith.index_cast %add3A_503 : i32 to index
          %get3A_505 = tpu.vector_load %arg13[%get3A_504] {strides = array<i32>} : memref<8192xf32, #tpu.memory_space<vmem>>, vector<16xf32>,
          %add3A_506 = arith.constant 0 : i32
          %add3A_507 = arith.addi %add3A_506, %mul3A_474 : i32
          %get3A_508 = arith.index_cast %add3A_507 : i32 to index
          %get3A_509 = tpu.vector_load %arg11[%get3A_508] {strides = array<i32>} : memref<3072xf32, #tpu.memory_space<vmem>>, vector<16xf32>,
          %add3A_510 = arith.constant 1024 : i32
          %add3A_511 = arith.addi %add3A_510, %mul3A_474 : i32
          %get3A_512 = arith.index_cast %add3A_511 : i32 to index
          %get3A_513 = tpu.vector_load %arg11[%get3A_512] {strides = array<i32>} : memref<3072xf32, #tpu.memory_space<vmem>>, vector<16xf32>,
          %add3A_514 = arith.constant 2048 : i32
          %add3A_515 = arith.addi %add3A_514, %mul3A_474 : i32
          %get3A_516 = arith.index_cast %add3A_515 : i32 to index
          %get3A_517 = tpu.vector_load %arg11[%get3A_516] {strides = array<i32>} : memref<3072xf32, #tpu.memory_space<vmem>>, vector<16xf32>,
          %sub3A_518 = arith.subf %get3A_493, %get3A_477 : vector<16xf32>
          %mul3A_519 = arith.mulf %sub3A_518, %get3A_509 : vector<16xf32>
          %add3A_520 = arith.addf %get3A_477, %mul3A_519 : vector<16xf32>
          %sub3A_521 = arith.subf %get3A_497, %get3A_481 : vector<16xf32>
          %mul3A_522 = arith.mulf %sub3A_521, %get3A_509 : vector<16xf32>
          %add3A_523 = arith.addf %get3A_481, %mul3A_522 : vector<16xf32>
          %sub3A_524 = arith.subf %get3A_501, %get3A_485 : vector<16xf32>
          %mul3A_525 = arith.mulf %sub3A_524, %get3A_509 : vector<16xf32>
          %add3A_526 = arith.addf %get3A_485, %mul3A_525 : vector<16xf32>
          %sub3A_527 = arith.subf %get3A_505, %get3A_489 : vector<16xf32>
          %mul3A_528 = arith.mulf %sub3A_527, %get3A_509 : vector<16xf32>
          %add3A_529 = arith.addf %get3A_489, %mul3A_528 : vector<16xf32>
          %sub3A_530 = arith.subf %add3A_526, %add3A_520 : vector<16xf32>
          %mul3A_531 = arith.mulf %sub3A_530, %get3A_513 : vector<16xf32>
          %add3A_532 = arith.addf %add3A_520, %mul3A_531 : vector<16xf32>
          %sub3A_533 = arith.subf %add3A_529, %add3A_523 : vector<16xf32>
          %mul3A_534 = arith.mulf %sub3A_533, %get3A_513 : vector<16xf32>
          %add3A_535 = arith.addf %add3A_523, %mul3A_534 : vector<16xf32>
          %sub3A_536 = arith.subf %add3A_535, %add3A_532 : vector<16xf32>
          %mul3A_537 = arith.mulf %sub3A_536, %get3A_517 : vector<16xf32>
          %add3A_538 = arith.addf %add3A_532, %mul3A_537 : vector<16xf32>
          %swap3A = arith.index_cast %mul3A_474 : i32 to index
          %swap3A_539 = tpu.vector_load %arg15[%swap3A] {strides = array<i32>} : memref<1024xf32, #tpu.memory_space<vmem>>, vector<16xf32>,
          tpu.vector_store %arg15[%swap3A], %add3A_538 {strides = array<i32>} : memref<1024xf32, #tpu.memory_space<vmem>>, vector<16xf32>,
        }
        %scan3A_464 = arith.constant 64 : i32
        %mul3A_465 = arith.constant 32 : i32
        %mul3A_466 = arith.muli %mul3A_465, %sub3A_410 : i32
        %add3A_467 = arith.addi %add3A, %mul3A_466 : i32
        %mul3A_468 = arith.constant 1024 : i32
        %mul3A_469 = arith.muli %add3A_467, %mul3A_468 : i32
        %min3A_470 = arith.constant 998976 : i32
        %min3A_471 = arith.minsi %mul3A_469, %min3A_470 : i32
        "tpu.region"() ({
          %run_scoped3A = tpu.sem_alloc : memref<!tpu.dma_semaphore, #tpu.memory_space<semaphore_mem>>
          %dma_start3A_472 = tpu.memref_slice %arg6[%min3A_471] : memref<1000000xf32, #tpu.memory_space<hbm>> -> memref<1024xf32, #tpu.memory_space<hbm>>
          %dma_start3A_473 = tpu.memref_slice %arg6[%min3A_471] : memref<1000000xf32, #tpu.memory_space<hbm>> -> memref<1024xf32, #tpu.memory_space<hbm>>
          tpu.enqueue_dma source(%arg15 : memref<1024xf32, #tpu.memory_space<vmem>>) target(%dma_start3A_473 : memref<1024xf32, #tpu.memory_space<hbm>>) target_semaphore(%run_scoped3A : memref<!tpu.dma_semaphore, #tpu.memory_space<semaphore_mem>>)
          %dma_wait3A_474 = tpu.memref_slice %arg6[%min3A_471] : memref<1000000xf32, #tpu.memory_space<hbm>> -> memref<1024xf32, #tpu.memory_space<hbm>>
          %dma_wait3A_475 = tpu.memref_slice %arg6[%min3A_471] : memref<1000000xf32, #tpu.memory_space<hbm>> -> memref<1024xf32, #tpu.memory_space<hbm>>
          tpu.wait_dma2 semaphore(%run_scoped3A : memref<!tpu.dma_semaphore, #tpu.memory_space<semaphore_mem>>) src(%arg15 : memref<1024xf32, #tpu.memory_space<vmem>>) dst(%dma_wait3A_475 : memref<1024xf32, #tpu.memory_space<hbm>>)
          tpu.yield
        }) : () -> ()
      } else {
      }
    }
    %scan3A_27 = arith.constant 15 : i32
    %add3A_28 = arith.constant 960 : i32
    %add3A_29 = arith.addi %add3A, %add3A_28 : i32
    %mul3A_30 = arith.constant 1024 : i32
    %mul3A_31 = arith.muli %add3A_29, %mul3A_30 : i32
    %min3A_32 = arith.constant 998976 : i32
    %min3A_33 = arith.minsi %mul3A_31, %min3A_32 : i32
    %dma_wait3A = arith.constant 0 : i32
    %dma_wait3A_34 = tpu.memref_slice %arg7[%dma_wait3A] : memref<3072xf32, #tpu.memory_space<vmem>> -> memref<1024xf32, #tpu.memory_space<vmem>>
    %dma_wait3A_35 = tpu.memref_slice %arg2[%min3A_33] : memref<1000000xf32, #tpu.memory_space<hbm>> -> memref<1024xf32, #tpu.memory_space<hbm>>
    %dma_wait3A_36 = arith.constant 0 : i32
    %dma_wait3A_37 = tpu.memref_slice %arg7[%dma_wait3A_36] : memref<3072xf32, #tpu.memory_space<vmem>> -> memref<1024xf32, #tpu.memory_space<vmem>>
    %dma_wait3A_38 = tpu.memref_slice %arg2[%min3A_33] : memref<1000000xf32, #tpu.memory_space<hbm>> -> memref<1024xf32, #tpu.memory_space<hbm>>
    tpu.wait_dma2 semaphore(%arg16 : memref<!tpu.dma_semaphore, #tpu.memory_space<semaphore_mem>>) src(%dma_wait3A_38 : memref<1024xf32, #tpu.memory_space<hbm>>) dst(%dma_wait3A_37 : memref<1024xf32, #tpu.memory_space<vmem>>)
    %dma_wait3A_39 = arith.constant 1024 : i32
    %dma_wait3A_40 = tpu.memref_slice %arg7[%dma_wait3A_39] : memref<3072xf32, #tpu.memory_space<vmem>> -> memref<1024xf32, #tpu.memory_space<vmem>>
    %dma_wait3A_41 = tpu.memref_slice %arg3[%min3A_33] : memref<1000000xf32, #tpu.memory_space<hbm>> -> memref<1024xf32, #tpu.memory_space<hbm>>
    %dma_wait3A_42 = arith.constant 1024 : i32
    %dma_wait3A_43 = tpu.memref_slice %arg7[%dma_wait3A_42] : memref<3072xf32, #tpu.memory_space<vmem>> -> memref<1024xf32, #tpu.memory_space<vmem>>
    %dma_wait3A_44 = tpu.memref_slice %arg3[%min3A_33] : memref<1000000xf32, #tpu.memory_space<hbm>> -> memref<1024xf32, #tpu.memory_space<hbm>>
    tpu.wait_dma2 semaphore(%arg16 : memref<!tpu.dma_semaphore, #tpu.memory_space<semaphore_mem>>) src(%dma_wait3A_44 : memref<1024xf32, #tpu.memory_space<hbm>>) dst(%dma_wait3A_43 : memref<1024xf32, #tpu.memory_space<vmem>>)
    %dma_wait3A_45 = arith.constant 2048 : i32
    %dma_wait3A_46 = tpu.memref_slice %arg7[%dma_wait3A_45] : memref<3072xf32, #tpu.memory_space<vmem>> -> memref<1024xf32, #tpu.memory_space<vmem>>
    %dma_wait3A_47 = tpu.memref_slice %arg4[%min3A_33] : memref<1000000xf32, #tpu.memory_space<hbm>> -> memref<1024xf32, #tpu.memory_space<hbm>>
    %dma_wait3A_48 = arith.constant 2048 : i32
    %dma_wait3A_49 = tpu.memref_slice %arg7[%dma_wait3A_48] : memref<3072xf32, #tpu.memory_space<vmem>> -> memref<1024xf32, #tpu.memory_space<vmem>>
    %dma_wait3A_50 = tpu.memref_slice %arg4[%min3A_33] : memref<1000000xf32, #tpu.memory_space<hbm>> -> memref<1024xf32, #tpu.memory_space<hbm>>
    tpu.wait_dma2 semaphore(%arg16 : memref<!tpu.dma_semaphore, #tpu.memory_space<semaphore_mem>>) src(%dma_wait3A_50 : memref<1024xf32, #tpu.memory_space<hbm>>) dst(%dma_wait3A_49 : memref<1024xf32, #tpu.memory_space<vmem>>)
    %scan3A_51 = arith.constant 0 : i32
    %scan3A_52 = arith.constant 0 : i32
    %scan3A_53 = arith.constant 64 : i32
    %scan3A_54 = arith.addi %scan3A_52, %scan3A_53 : i32
    %scan3A_55 = arith.constant 1 : i32
    scf.for %scan3A_225 = %scan3A_52 to %scan3A_54 step %scan3A_55  : i32 {
      %mul3A_226 = arith.constant 16 : i32
      %mul3A_227 = arith.muli %scan3A_225, %mul3A_226 : i32
      %get3A = arith.index_cast %mul3A_227 : i32 to index
      %get3A_228 = tpu.vector_load %arg7[%get3A] {strides = array<i32>} : memref<3072xf32, #tpu.memory_space<vmem>>, vector<16xf32>,
      %add3A_229 = arith.constant 1024 : i32
      %add3A_230 = arith.addi %add3A_229, %mul3A_227 : i32
      %get3A_231 = arith.index_cast %add3A_230 : i32 to index
      %get3A_232 = tpu.vector_load %arg7[%get3A_231] {strides = array<i32>} : memref<3072xf32, #tpu.memory_space<vmem>>, vector<16xf32>,
      %add3A_233 = arith.constant 2048 : i32
      %add3A_234 = arith.addi %add3A_233, %mul3A_227 : i32
      %get3A_235 = arith.index_cast %add3A_234 : i32 to index
      %get3A_236 = tpu.vector_load %arg7[%get3A_235] {strides = array<i32>} : memref<3072xf32, #tpu.memory_space<vmem>>, vector<16xf32>,
      %max3A = arith.constant 0.000000e+00 : f32
      %max3A_237 = vector.broadcast %max3A : f32 to vector<16xf32>
      %max3A_238 = arith.maximumf %get3A_228, %max3A_237 : vector<16xf32>
      %min3A_239 = arith.constant 0.999998986 : f32
      %min3A_240 = vector.broadcast %min3A_239 : f32 to vector<16xf32>
      %min3A_241 = arith.minimumf %max3A_238, %min3A_240 : vector<16xf32>
      %mul3A_242 = arith.constant 2.560000e+02 : f32
      %mul3A_243 = vector.broadcast %mul3A_242 : f32 to vector<16xf32>
      %mul3A_244 = arith.mulf %min3A_241, %mul3A_243 : vector<16xf32>
      %max3A_245 = arith.constant 0.000000e+00 : f32
      %max3A_246 = vector.broadcast %max3A_245 : f32 to vector<16xf32>
      %max3A_247 = arith.maximumf %mul3A_244, %max3A_246 : vector<16xf32>
      %min3A_248 = arith.constant 2.550000e+02 : f32
      %min3A_249 = vector.broadcast %min3A_248 : f32 to vector<16xf32>
      %min3A_250 = arith.minimumf %max3A_247, %min3A_249 : vector<16xf32>
      %convert_element_type3A = arith.fptosi %min3A_250 : vector<16xf32> to vector<16xi32>
      %add3A_251 = arith.constant 1 : i32
      %add3A_252 = vector.broadcast %add3A_251 : i32 to vector<16xi32>
      %add3A_253 = arith.addi %convert_element_type3A, %add3A_252 : vector<16xi32>
      %min3A_254 = arith.constant 255 : i32
      %min3A_255 = vector.broadcast %min3A_254 : i32 to vector<16xi32>
      %min3A_256 = arith.minsi %add3A_253, %min3A_255 : vector<16xi32>
      %convert_element_type3A_257 = arith.sitofp %convert_element_type3A : vector<16xi32> to vector<16xf32>
      %sub3A = arith.subf %min3A_250, %convert_element_type3A_257 : vector<16xf32>
      %max3A_258 = arith.constant 0.000000e+00 : f32
      %max3A_259 = vector.broadcast %max3A_258 : f32 to vector<16xf32>
      %max3A_260 = arith.maximumf %get3A_232, %max3A_259 : vector<16xf32>
      %min3A_261 = arith.constant 0.999998986 : f32
      %min3A_262 = vector.broadcast %min3A_261 : f32 to vector<16xf32>
      %min3A_263 = arith.minimumf %max3A_260, %min3A_262 : vector<16xf32>
      %mul3A_264 = arith.constant 2.560000e+02 : f32
      %mul3A_265 = vector.broadcast %mul3A_264 : f32 to vector<16xf32>
      %mul3A_266 = arith.mulf %min3A_263, %mul3A_265 : vector<16xf32>
      %max3A_267 = arith.constant 0.000000e+00 : f32
      %max3A_268 = vector.broadcast %max3A_267 : f32 to vector<16xf32>
      %max3A_269 = arith.maximumf %mul3A_266, %max3A_268 : vector<16xf32>
      %min3A_270 = arith.constant 2.550000e+02 : f32
      %min3A_271 = vector.broadcast %min3A_270 : f32 to vector<16xf32>
      %min3A_272 = arith.minimumf %max3A_269, %min3A_271 : vector<16xf32>
      %convert_element_type3A_273 = arith.fptosi %min3A_272 : vector<16xf32> to vector<16xi32>
      %add3A_274 = arith.constant 1 : i32
      %add3A_275 = vector.broadcast %add3A_274 : i32 to vector<16xi32>
      %add3A_276 = arith.addi %convert_element_type3A_273, %add3A_275 : vector<16xi32>
      %min3A_277 = arith.constant 255 : i32
      %min3A_278 = vector.broadcast %min3A_277 : i32 to vector<16xi32>
      %min3A_279 = arith.minsi %add3A_276, %min3A_278 : vector<16xi32>
      %convert_element_type3A_280 = arith.sitofp %convert_element_type3A_273 : vector<16xi32> to vector<16xf32>
      %sub3A_281 = arith.subf %min3A_272, %convert_element_type3A_280 : vector<16xf32>
      %max3A_282 = arith.constant 0.000000e+00 : f32
      %max3A_283 = vector.broadcast %max3A_282 : f32 to vector<16xf32>
      %max3A_284 = arith.maximumf %get3A_236, %max3A_283 : vector<16xf32>
      %min3A_285 = arith.constant 0.999998986 : f32
      %min3A_286 = vector.broadcast %min3A_285 : f32 to vector<16xf32>
      %min3A_287 = arith.minimumf %max3A_284, %min3A_286 : vector<16xf32>
      %mul3A_288 = arith.constant 2.560000e+02 : f32
      %mul3A_289 = vector.broadcast %mul3A_288 : f32 to vector<16xf32>
      %mul3A_290 = arith.mulf %min3A_287, %mul3A_289 : vector<16xf32>
      %max3A_291 = arith.constant 0.000000e+00 : f32
      %max3A_292 = vector.broadcast %max3A_291 : f32 to vector<16xf32>
      %max3A_293 = arith.maximumf %mul3A_290, %max3A_292 : vector<16xf32>
      %min3A_294 = arith.constant 2.550000e+02 : f32
      %min3A_295 = vector.broadcast %min3A_294 : f32 to vector<16xf32>
      %min3A_296 = arith.minimumf %max3A_293, %min3A_295 : vector<16xf32>
      %convert_element_type3A_297 = arith.fptosi %min3A_296 : vector<16xf32> to vector<16xi32>
      %add3A_298 = arith.constant 1 : i32
      %add3A_299 = vector.broadcast %add3A_298 : i32 to vector<16xi32>
      %add3A_300 = arith.addi %convert_element_type3A_297, %add3A_299 : vector<16xi32>
      %min3A_301 = arith.constant 255 : i32
      %min3A_302 = vector.broadcast %min3A_301 : i32 to vector<16xi32>
      %min3A_303 = arith.minsi %add3A_300, %min3A_302 : vector<16xi32>
      %convert_element_type3A_304 = arith.sitofp %convert_element_type3A_297 : vector<16xi32> to vector<16xf32>
      %sub3A_305 = arith.subf %min3A_296, %convert_element_type3A_304 : vector<16xf32>
      %shift_left3A = arith.constant 16 : i32
      %shift_left3A_306 = vector.broadcast %shift_left3A : i32 to vector<16xi32>
      %shift_left3A_307 = arith.shli %convert_element_type3A, %shift_left3A_306 : vector<16xi32>
      %shift_left3A_308 = arith.constant 16 : i32
      %shift_left3A_309 = vector.broadcast %shift_left3A_308 : i32 to vector<16xi32>
      %shift_left3A_310 = arith.shli %min3A_256, %shift_left3A_309 : vector<16xi32>
      %shift_left3A_311 = arith.constant 8 : i32
      %shift_left3A_312 = vector.broadcast %shift_left3A_311 : i32 to vector<16xi32>
      %shift_left3A_313 = arith.shli %convert_element_type3A_273, %shift_left3A_312 : vector<16xi32>
      %shift_left3A_314 = arith.constant 8 : i32
      %shift_left3A_315 = vector.broadcast %shift_left3A_314 : i32 to vector<16xi32>
      %shift_left3A_316 = arith.shli %min3A_279, %shift_left3A_315 : vector<16xi32>
      %add3A_317 = arith.addi %shift_left3A_307, %shift_left3A_313 : vector<16xi32>
      %add3A_318 = arith.addi %shift_left3A_307, %shift_left3A_316 : vector<16xi32>
      %add3A_319 = arith.addi %shift_left3A_310, %shift_left3A_313 : vector<16xi32>
      %add3A_320 = arith.addi %shift_left3A_310, %shift_left3A_316 : vector<16xi32>
      %add3A_321 = arith.addi %add3A_317, %convert_element_type3A_297 : vector<16xi32>
      %add3A_322 = arith.constant 0 : i32
      %add3A_323 = arith.addi %add3A_322, %mul3A_227 : i32
      %swap3A = arith.index_cast %add3A_323 : i32 to index
      %swap3A_324 = tpu.vector_load %arg9[%swap3A] {strides = array<i32>} : memref<8192xi32, #tpu.memory_space<vmem>>, vector<16xi32>,
      tpu.vector_store %arg9[%swap3A], %add3A_321 {strides = array<i32>} : memref<8192xi32, #tpu.memory_space<vmem>>, vector<16xi32>,
      %add3A_325 = arith.addi %add3A_317, %min3A_303 : vector<16xi32>
      %add3A_326 = arith.constant 1024 : i32
      %add3A_327 = arith.addi %add3A_326, %mul3A_227 : i32
      %swap3A_328 = arith.index_cast %add3A_327 : i32 to index
      %swap3A_329 = tpu.vector_load %arg9[%swap3A_328] {strides = array<i32>} : memref<8192xi32, #tpu.memory_space<vmem>>, vector<16xi32>,
      tpu.vector_store %arg9[%swap3A_328], %add3A_325 {strides = array<i32>} : memref<8192xi32, #tpu.memory_space<vmem>>, vector<16xi32>,
      %add3A_330 = arith.addi %add3A_318, %convert_element_type3A_297 : vector<16xi32>
      %add3A_331 = arith.constant 2048 : i32
      %add3A_332 = arith.addi %add3A_331, %mul3A_227 : i32
      %swap3A_333 = arith.index_cast %add3A_332 : i32 to index
      %swap3A_334 = tpu.vector_load %arg9[%swap3A_333] {strides = array<i32>} : memref<8192xi32, #tpu.memory_space<vmem>>, vector<16xi32>,
      tpu.vector_store %arg9[%swap3A_333], %add3A_330 {strides = array<i32>} : memref<8192xi32, #tpu.memory_space<vmem>>, vector<16xi32>,
      %add3A_335 = arith.addi %add3A_318, %min3A_303 : vector<16xi32>
      %add3A_336 = arith.constant 3072 : i32
      %add3A_337 = arith.addi %add3A_336, %mul3A_227 : i32
      %swap3A_338 = arith.index_cast %add3A_337 : i32 to index
      %swap3A_339 = tpu.vector_load %arg9[%swap3A_338] {strides = array<i32>} : memref<8192xi32, #tpu.memory_space<vmem>>, vector<16xi32>,
      tpu.vector_store %arg9[%swap3A_338], %add3A_335 {strides = array<i32>} : memref<8192xi32, #tpu.memory_space<vmem>>, vector<16xi32>,
      %add3A_340 = arith.addi %add3A_319, %convert_element_type3A_297 : vector<16xi32>
      %add3A_341 = arith.constant 4096 : i32
      %add3A_342 = arith.addi %add3A_341, %mul3A_227 : i32
      %swap3A_343 = arith.index_cast %add3A_342 : i32 to index
      %swap3A_344 = tpu.vector_load %arg9[%swap3A_343] {strides = array<i32>} : memref<8192xi32, #tpu.memory_space<vmem>>, vector<16xi32>,
      tpu.vector_store %arg9[%swap3A_343], %add3A_340 {strides = array<i32>} : memref<8192xi32, #tpu.memory_space<vmem>>, vector<16xi32>,
      %add3A_345 = arith.addi %add3A_319, %min3A_303 : vector<16xi32>
      %add3A_346 = arith.constant 5120 : i32
      %add3A_347 = arith.addi %add3A_346, %mul3A_227 : i32
      %swap3A_348 = arith.index_cast %add3A_347 : i32 to index
      %swap3A_349 = tpu.vector_load %arg9[%swap3A_348] {strides = array<i32>} : memref<8192xi32, #tpu.memory_space<vmem>>, vector<16xi32>,
      tpu.vector_store %arg9[%swap3A_348], %add3A_345 {strides = array<i32>} : memref<8192xi32, #tpu.memory_space<vmem>>, vector<16xi32>,
      %add3A_350 = arith.addi %add3A_320, %convert_element_type3A_297 : vector<16xi32>
      %add3A_351 = arith.constant 6144 : i32
      %add3A_352 = arith.addi %add3A_351, %mul3A_227 : i32
      %swap3A_353 = arith.index_cast %add3A_352 : i32 to index
      %swap3A_354 = tpu.vector_load %arg9[%swap3A_353] {strides = array<i32>} : memref<8192xi32, #tpu.memory_space<vmem>>, vector<16xi32>,
      tpu.vector_store %arg9[%swap3A_353], %add3A_350 {strides = array<i32>} : memref<8192xi32, #tpu.memory_space<vmem>>, vector<16xi32>,
      %add3A_355 = arith.addi %add3A_320, %min3A_303 : vector<16xi32>
      %add3A_356 = arith.constant 7168 : i32
      %add3A_357 = arith.addi %add3A_356, %mul3A_227 : i32
      %swap3A_358 = arith.index_cast %add3A_357 : i32 to index
      %swap3A_359 = tpu.vector_load %arg9[%swap3A_358] {strides = array<i32>} : memref<8192xi32, #tpu.memory_space<vmem>>, vector<16xi32>,
      tpu.vector_store %arg9[%swap3A_358], %add3A_355 {strides = array<i32>} : memref<8192xi32, #tpu.memory_space<vmem>>, vector<16xi32>,
      %add3A_360 = arith.constant 0 : i32
      %add3A_361 = arith.addi %add3A_360, %mul3A_227 : i32
      %swap3A_362 = arith.index_cast %add3A_361 : i32 to index
      %swap3A_363 = tpu.vector_load %arg11[%swap3A_362] {strides = array<i32>} : memref<3072xf32, #tpu.memory_space<vmem>>, vector<16xf32>,
      tpu.vector_store %arg11[%swap3A_362], %sub3A {strides = array<i32>} : memref<3072xf32, #tpu.memory_space<vmem>>, vector<16xf32>,
      %add3A_364 = arith.constant 1024 : i32
      %add3A_365 = arith.addi %add3A_364, %mul3A_227 : i32
      %swap3A_366 = arith.index_cast %add3A_365 : i32 to index
      %swap3A_367 = tpu.vector_load %arg11[%swap3A_366] {strides = array<i32>} : memref<3072xf32, #tpu.memory_space<vmem>>, vector<16xf32>,
      tpu.vector_store %arg11[%swap3A_366], %sub3A_281 {strides = array<i32>} : memref<3072xf32, #tpu.memory_space<vmem>>, vector<16xf32>,
      %add3A_368 = arith.constant 2048 : i32
      %add3A_369 = arith.addi %add3A_368, %mul3A_227 : i32
      %swap3A_370 = arith.index_cast %add3A_369 : i32 to index
      %swap3A_371 = tpu.vector_load %arg11[%swap3A_370] {strides = array<i32>} : memref<3072xf32, #tpu.memory_space<vmem>>, vector<16xf32>,
      tpu.vector_store %arg11[%swap3A_370], %sub3A_305 {strides = array<i32>} : memref<3072xf32, #tpu.memory_space<vmem>>, vector<16xf32>,
    }
    %scan3A_56 = arith.constant 64 : i32
    %dma_start3A_57 = arith.constant 0 : i32
    %dma_start3A_58 = tpu.memref_slice %arg13[%dma_start3A_57] : memref<8192xf32, #tpu.memory_space<vmem>> -> memref<1024xf32, #tpu.memory_space<vmem>>
    %dma_start3A_59 = arith.constant 0 : i32
    %dma_start3A_60 = tpu.memref_slice %arg9[%dma_start3A_59] : memref<8192xi32, #tpu.memory_space<vmem>> -> memref<1024xi32, #tpu.memory_space<vmem>>
    %dma_start3A_61 = arith.constant 0 : i32
    %dma_start3A_62 = tpu.memref_slice %arg5[%dma_start3A_61] : memref<16777216xf32, #tpu.memory_space<hbm>> -> memref<16777216xf32, #tpu.memory_space<hbm>>
    tpu.enqueue_indirect_dma source(%dma_start3A_62 : memref<16777216xf32, #tpu.memory_space<hbm>>) target(%dma_start3A_58 : memref<1024xf32, #tpu.memory_space<vmem>>) offsets(%dma_start3A_60 : memref<1024xi32, #tpu.memory_space<vmem>>) semaphore(%arg18 : memref<!tpu.dma_semaphore, #tpu.memory_space<semaphore_mem>>)
    %dma_start3A_63 = arith.constant 1024 : i32
    %dma_start3A_64 = tpu.memref_slice %arg13[%dma_start3A_63] : memref<8192xf32, #tpu.memory_space<vmem>> -> memref<1024xf32, #tpu.memory_space<vmem>>
    %dma_start3A_65 = arith.constant 1024 : i32
    %dma_start3A_66 = tpu.memref_slice %arg9[%dma_start3A_65] : memref<8192xi32, #tpu.memory_space<vmem>> -> memref<1024xi32, #tpu.memory_space<vmem>>
    %dma_start3A_67 = arith.constant 0 : i32
    %dma_start3A_68 = tpu.memref_slice %arg5[%dma_start3A_67] : memref<16777216xf32, #tpu.memory_space<hbm>> -> memref<16777216xf32, #tpu.memory_space<hbm>>
    tpu.enqueue_indirect_dma source(%dma_start3A_68 : memref<16777216xf32, #tpu.memory_space<hbm>>) target(%dma_start3A_64 : memref<1024xf32, #tpu.memory_space<vmem>>) offsets(%dma_start3A_66 : memref<1024xi32, #tpu.memory_space<vmem>>) semaphore(%arg18 : memref<!tpu.dma_semaphore, #tpu.memory_space<semaphore_mem>>)
    %dma_start3A_69 = arith.constant 2048 : i32
    %dma_start3A_70 = tpu.memref_slice %arg13[%dma_start3A_69] : memref<8192xf32, #tpu.memory_space<vmem>> -> memref<1024xf32, #tpu.memory_space<vmem>>
    %dma_start3A_71 = arith.constant 2048 : i32
    %dma_start3A_72 = tpu.memref_slice %arg9[%dma_start3A_71] : memref<8192xi32, #tpu.memory_space<vmem>> -> memref<1024xi32, #tpu.memory_space<vmem>>
    %dma_start3A_73 = arith.constant 0 : i32
    %dma_start3A_74 = tpu.memref_slice %arg5[%dma_start3A_73] : memref<16777216xf32, #tpu.memory_space<hbm>> -> memref<16777216xf32, #tpu.memory_space<hbm>>
    tpu.enqueue_indirect_dma source(%dma_start3A_74 : memref<16777216xf32, #tpu.memory_space<hbm>>) target(%dma_start3A_70 : memref<1024xf32, #tpu.memory_space<vmem>>) offsets(%dma_start3A_72 : memref<1024xi32, #tpu.memory_space<vmem>>) semaphore(%arg18 : memref<!tpu.dma_semaphore, #tpu.memory_space<semaphore_mem>>)
    %dma_start3A_75 = arith.constant 3072 : i32
    %dma_start3A_76 = tpu.memref_slice %arg13[%dma_start3A_75] : memref<8192xf32, #tpu.memory_space<vmem>> -> memref<1024xf32, #tpu.memory_space<vmem>>
    %dma_start3A_77 = arith.constant 3072 : i32
    %dma_start3A_78 = tpu.memref_slice %arg9[%dma_start3A_77] : memref<8192xi32, #tpu.memory_space<vmem>> -> memref<1024xi32, #tpu.memory_space<vmem>>
    %dma_start3A_79 = arith.constant 0 : i32
    %dma_start3A_80 = tpu.memref_slice %arg5[%dma_start3A_79] : memref<16777216xf32, #tpu.memory_space<hbm>> -> memref<16777216xf32, #tpu.memory_space<hbm>>
    tpu.enqueue_indirect_dma source(%dma_start3A_80 : memref<16777216xf32, #tpu.memory_space<hbm>>) target(%dma_start3A_76 : memref<1024xf32, #tpu.memory_space<vmem>>) offsets(%dma_start3A_78 : memref<1024xi32, #tpu.memory_space<vmem>>) semaphore(%arg18 : memref<!tpu.dma_semaphore, #tpu.memory_space<semaphore_mem>>)
    %dma_start3A_81 = arith.constant 4096 : i32
    %dma_start3A_82 = tpu.memref_slice %arg13[%dma_start3A_81] : memref<8192xf32, #tpu.memory_space<vmem>> -> memref<1024xf32, #tpu.memory_space<vmem>>
    %dma_start3A_83 = arith.constant 4096 : i32
    %dma_start3A_84 = tpu.memref_slice %arg9[%dma_start3A_83] : memref<8192xi32, #tpu.memory_space<vmem>> -> memref<1024xi32, #tpu.memory_space<vmem>>
    %dma_start3A_85 = arith.constant 0 : i32
    %dma_start3A_86 = tpu.memref_slice %arg5[%dma_start3A_85] : memref<16777216xf32, #tpu.memory_space<hbm>> -> memref<16777216xf32, #tpu.memory_space<hbm>>
    tpu.enqueue_indirect_dma source(%dma_start3A_86 : memref<16777216xf32, #tpu.memory_space<hbm>>) target(%dma_start3A_82 : memref<1024xf32, #tpu.memory_space<vmem>>) offsets(%dma_start3A_84 : memref<1024xi32, #tpu.memory_space<vmem>>) semaphore(%arg18 : memref<!tpu.dma_semaphore, #tpu.memory_space<semaphore_mem>>)
    %dma_start3A_87 = arith.constant 5120 : i32
    %dma_start3A_88 = tpu.memref_slice %arg13[%dma_start3A_87] : memref<8192xf32, #tpu.memory_space<vmem>> -> memref<1024xf32, #tpu.memory_space<vmem>>
    %dma_start3A_89 = arith.constant 5120 : i32
    %dma_start3A_90 = tpu.memref_slice %arg9[%dma_start3A_89] : memref<8192xi32, #tpu.memory_space<vmem>> -> memref<1024xi32, #tpu.memory_space<vmem>>
    %dma_start3A_91 = arith.constant 0 : i32
    %dma_start3A_92 = tpu.memref_slice %arg5[%dma_start3A_91] : memref<16777216xf32, #tpu.memory_space<hbm>> -> memref<16777216xf32, #tpu.memory_space<hbm>>
    tpu.enqueue_indirect_dma source(%dma_start3A_92 : memref<16777216xf32, #tpu.memory_space<hbm>>) target(%dma_start3A_88 : memref<1024xf32, #tpu.memory_space<vmem>>) offsets(%dma_start3A_90 : memref<1024xi32, #tpu.memory_space<vmem>>) semaphore(%arg18 : memref<!tpu.dma_semaphore, #tpu.memory_space<semaphore_mem>>)
    %dma_start3A_93 = arith.constant 6144 : i32
    %dma_start3A_94 = tpu.memref_slice %arg13[%dma_start3A_93] : memref<8192xf32, #tpu.memory_space<vmem>> -> memref<1024xf32, #tpu.memory_space<vmem>>
    %dma_start3A_95 = arith.constant 6144 : i32
    %dma_start3A_96 = tpu.memref_slice %arg9[%dma_start3A_95] : memref<8192xi32, #tpu.memory_space<vmem>> -> memref<1024xi32, #tpu.memory_space<vmem>>
    %dma_start3A_97 = arith.constant 0 : i32
    %dma_start3A_98 = tpu.memref_slice %arg5[%dma_start3A_97] : memref<16777216xf32, #tpu.memory_space<hbm>> -> memref<16777216xf32, #tpu.memory_space<hbm>>
    tpu.enqueue_indirect_dma source(%dma_start3A_98 : memref<16777216xf32, #tpu.memory_space<hbm>>) target(%dma_start3A_94 : memref<1024xf32, #tpu.memory_space<vmem>>) offsets(%dma_start3A_96 : memref<1024xi32, #tpu.memory_space<vmem>>) semaphore(%arg18 : memref<!tpu.dma_semaphore, #tpu.memory_space<semaphore_mem>>)
    %dma_start3A_99 = arith.constant 7168 : i32
    %dma_start3A_100 = tpu.memref_slice %arg13[%dma_start3A_99] : memref<8192xf32, #tpu.memory_space<vmem>> -> memref<1024xf32, #tpu.memory_space<vmem>>
    %dma_start3A_101 = arith.constant 7168 : i32
    %dma_start3A_102 = tpu.memref_slice %arg9[%dma_start3A_101] : memref<8192xi32, #tpu.memory_space<vmem>> -> memref<1024xi32, #tpu.memory_space<vmem>>
    %dma_start3A_103 = arith.constant 0 : i32
    %dma_start3A_104 = tpu.memref_slice %arg5[%dma_start3A_103] : memref<16777216xf32, #tpu.memory_space<hbm>> -> memref<16777216xf32, #tpu.memory_space<hbm>>
    tpu.enqueue_indirect_dma source(%dma_start3A_104 : memref<16777216xf32, #tpu.memory_space<hbm>>) target(%dma_start3A_100 : memref<1024xf32, #tpu.memory_space<vmem>>) offsets(%dma_start3A_102 : memref<1024xi32, #tpu.memory_space<vmem>>) semaphore(%arg18 : memref<!tpu.dma_semaphore, #tpu.memory_space<semaphore_mem>>)
    %dma_wait3A_105 = arith.constant 0 : i32
    %dma_wait3A_106 = tpu.memref_slice %arg14[%dma_wait3A_105] : memref<8192xf32, #tpu.memory_space<vmem>> -> memref<1024xf32, #tpu.memory_space<vmem>>
    %dma_wait3A_107 = arith.constant 0 : i32
    %dma_wait3A_108 = tpu.memref_slice %arg10[%dma_wait3A_107] : memref<8192xi32, #tpu.memory_space<vmem>> -> memref<1024xi32, #tpu.memory_space<vmem>>
    %dma_wait3A_109 = arith.constant 0 : i32
    %dma_wait3A_110 = tpu.memref_slice %arg5[%dma_wait3A_109] : memref<16777216xf32, #tpu.memory_space<hbm>> -> memref<16777216xf32, #tpu.memory_space<hbm>>
    tpu.wait_indirect_dma semaphore(%arg19 : memref<!tpu.dma_semaphore, #tpu.memory_space<semaphore_mem>>) src(%dma_wait3A_110 : memref<16777216xf32, #tpu.memory_space<hbm>>) dst(%dma_wait3A_106 : memref<1024xf32, #tpu.memory_space<vmem>>)
    %dma_wait3A_111 = arith.constant 1024 : i32
    %dma_wait3A_112 = tpu.memref_slice %arg14[%dma_wait3A_111] : memref<8192xf32, #tpu.memory_space<vmem>> -> memref<1024xf32, #tpu.memory_space<vmem>>
    %dma_wait3A_113 = arith.constant 1024 : i32
    %dma_wait3A_114 = tpu.memref_slice %arg10[%dma_wait3A_113] : memref<8192xi32, #tpu.memory_space<vmem>> -> memref<1024xi32, #tpu.memory_space<vmem>>
    %dma_wait3A_115 = arith.constant 0 : i32
    %dma_wait3A_116 = tpu.memref_slice %arg5[%dma_wait3A_115] : memref<16777216xf32, #tpu.memory_space<hbm>> -> memref<16777216xf32, #tpu.memory_space<hbm>>
    tpu.wait_indirect_dma semaphore(%arg19 : memref<!tpu.dma_semaphore, #tpu.memory_space<semaphore_mem>>) src(%dma_wait3A_116 : memref<16777216xf32, #tpu.memory_space<hbm>>) dst(%dma_wait3A_112 : memref<1024xf32, #tpu.memory_space<vmem>>)
    %dma_wait3A_117 = arith.constant 2048 : i32
    %dma_wait3A_118 = tpu.memref_slice %arg14[%dma_wait3A_117] : memref<8192xf32, #tpu.memory_space<vmem>> -> memref<1024xf32, #tpu.memory_space<vmem>>
    %dma_wait3A_119 = arith.constant 2048 : i32
    %dma_wait3A_120 = tpu.memref_slice %arg10[%dma_wait3A_119] : memref<8192xi32, #tpu.memory_space<vmem>> -> memref<1024xi32, #tpu.memory_space<vmem>>
    %dma_wait3A_121 = arith.constant 0 : i32
    %dma_wait3A_122 = tpu.memref_slice %arg5[%dma_wait3A_121] : memref<16777216xf32, #tpu.memory_space<hbm>> -> memref<16777216xf32, #tpu.memory_space<hbm>>
    tpu.wait_indirect_dma semaphore(%arg19 : memref<!tpu.dma_semaphore, #tpu.memory_space<semaphore_mem>>) src(%dma_wait3A_122 : memref<16777216xf32, #tpu.memory_space<hbm>>) dst(%dma_wait3A_118 : memref<1024xf32, #tpu.memory_space<vmem>>)
    %dma_wait3A_123 = arith.constant 3072 : i32
    %dma_wait3A_124 = tpu.memref_slice %arg14[%dma_wait3A_123] : memref<8192xf32, #tpu.memory_space<vmem>> -> memref<1024xf32, #tpu.memory_space<vmem>>
    %dma_wait3A_125 = arith.constant 3072 : i32
    %dma_wait3A_126 = tpu.memref_slice %arg10[%dma_wait3A_125] : memref<8192xi32, #tpu.memory_space<vmem>> -> memref<1024xi32, #tpu.memory_space<vmem>>
    %dma_wait3A_127 = arith.constant 0 : i32
    %dma_wait3A_128 = tpu.memref_slice %arg5[%dma_wait3A_127] : memref<16777216xf32, #tpu.memory_space<hbm>> -> memref<16777216xf32, #tpu.memory_space<hbm>>
    tpu.wait_indirect_dma semaphore(%arg19 : memref<!tpu.dma_semaphore, #tpu.memory_space<semaphore_mem>>) src(%dma_wait3A_128 : memref<16777216xf32, #tpu.memory_space<hbm>>) dst(%dma_wait3A_124 : memref<1024xf32, #tpu.memory_space<vmem>>)
    %dma_wait3A_129 = arith.constant 4096 : i32
    %dma_wait3A_130 = tpu.memref_slice %arg14[%dma_wait3A_129] : memref<8192xf32, #tpu.memory_space<vmem>> -> memref<1024xf32, #tpu.memory_space<vmem>>
    %dma_wait3A_131 = arith.constant 4096 : i32
    %dma_wait3A_132 = tpu.memref_slice %arg10[%dma_wait3A_131] : memref<8192xi32, #tpu.memory_space<vmem>> -> memref<1024xi32, #tpu.memory_space<vmem>>
    %dma_wait3A_133 = arith.constant 0 : i32
    %dma_wait3A_134 = tpu.memref_slice %arg5[%dma_wait3A_133] : memref<16777216xf32, #tpu.memory_space<hbm>> -> memref<16777216xf32, #tpu.memory_space<hbm>>
    tpu.wait_indirect_dma semaphore(%arg19 : memref<!tpu.dma_semaphore, #tpu.memory_space<semaphore_mem>>) src(%dma_wait3A_134 : memref<16777216xf32, #tpu.memory_space<hbm>>) dst(%dma_wait3A_130 : memref<1024xf32, #tpu.memory_space<vmem>>)
    %dma_wait3A_135 = arith.constant 5120 : i32
    %dma_wait3A_136 = tpu.memref_slice %arg14[%dma_wait3A_135] : memref<8192xf32, #tpu.memory_space<vmem>> -> memref<1024xf32, #tpu.memory_space<vmem>>
    %dma_wait3A_137 = arith.constant 5120 : i32
    %dma_wait3A_138 = tpu.memref_slice %arg10[%dma_wait3A_137] : memref<8192xi32, #tpu.memory_space<vmem>> -> memref<1024xi32, #tpu.memory_space<vmem>>
    %dma_wait3A_139 = arith.constant 0 : i32
    %dma_wait3A_140 = tpu.memref_slice %arg5[%dma_wait3A_139] : memref<16777216xf32, #tpu.memory_space<hbm>> -> memref<16777216xf32, #tpu.memory_space<hbm>>
    tpu.wait_indirect_dma semaphore(%arg19 : memref<!tpu.dma_semaphore, #tpu.memory_space<semaphore_mem>>) src(%dma_wait3A_140 : memref<16777216xf32, #tpu.memory_space<hbm>>) dst(%dma_wait3A_136 : memref<1024xf32, #tpu.memory_space<vmem>>)
    %dma_wait3A_141 = arith.constant 6144 : i32
    %dma_wait3A_142 = tpu.memref_slice %arg14[%dma_wait3A_141] : memref<8192xf32, #tpu.memory_space<vmem>> -> memref<1024xf32, #tpu.memory_space<vmem>>
    %dma_wait3A_143 = arith.constant 6144 : i32
    %dma_wait3A_144 = tpu.memref_slice %arg10[%dma_wait3A_143] : memref<8192xi32, #tpu.memory_space<vmem>> -> memref<1024xi32, #tpu.memory_space<vmem>>
    %dma_wait3A_145 = arith.constant 0 : i32
    %dma_wait3A_146 = tpu.memref_slice %arg5[%dma_wait3A_145] : memref<16777216xf32, #tpu.memory_space<hbm>> -> memref<16777216xf32, #tpu.memory_space<hbm>>
    tpu.wait_indirect_dma semaphore(%arg19 : memref<!tpu.dma_semaphore, #tpu.memory_space<semaphore_mem>>) src(%dma_wait3A_146 : memref<16777216xf32, #tpu.memory_space<hbm>>) dst(%dma_wait3A_142 : memref<1024xf32, #tpu.memory_space<vmem>>)
    %dma_wait3A_147 = arith.constant 7168 : i32
    %dma_wait3A_148 = tpu.memref_slice %arg14[%dma_wait3A_147] : memref<8192xf32, #tpu.memory_space<vmem>> -> memref<1024xf32, #tpu.memory_space<vmem>>
    %dma_wait3A_149 = arith.constant 7168 : i32
    %dma_wait3A_150 = tpu.memref_slice %arg10[%dma_wait3A_149] : memref<8192xi32, #tpu.memory_space<vmem>> -> memref<1024xi32, #tpu.memory_space<vmem>>
    %dma_wait3A_151 = arith.constant 0 : i32
    %dma_wait3A_152 = tpu.memref_slice %arg5[%dma_wait3A_151] : memref<16777216xf32, #tpu.memory_space<hbm>> -> memref<16777216xf32, #tpu.memory_space<hbm>>
    tpu.wait_indirect_dma semaphore(%arg19 : memref<!tpu.dma_semaphore, #tpu.memory_space<semaphore_mem>>) src(%dma_wait3A_152 : memref<16777216xf32, #tpu.memory_space<hbm>>) dst(%dma_wait3A_148 : memref<1024xf32, #tpu.memory_space<vmem>>)
    %scan3A_153 = arith.constant 0 : i32
    %scan3A_154 = arith.constant 0 : i32
    %scan3A_155 = arith.constant 64 : i32
    %scan3A_156 = arith.addi %scan3A_154, %scan3A_155 : i32
    %scan3A_157 = arith.constant 1 : i32
    scf.for %scan3A_225 = %scan3A_154 to %scan3A_156 step %scan3A_157  : i32 {
      %mul3A_226 = arith.constant 16 : i32
      %mul3A_227 = arith.muli %scan3A_225, %mul3A_226 : i32
      %add3A_228 = arith.constant 0 : i32
      %add3A_229 = arith.addi %add3A_228, %mul3A_227 : i32
      %get3A = arith.index_cast %add3A_229 : i32 to index
      %get3A_230 = tpu.vector_load %arg14[%get3A] {strides = array<i32>} : memref<8192xf32, #tpu.memory_space<vmem>>, vector<16xf32>,
      %add3A_231 = arith.constant 1024 : i32
      %add3A_232 = arith.addi %add3A_231, %mul3A_227 : i32
      %get3A_233 = arith.index_cast %add3A_232 : i32 to index
      %get3A_234 = tpu.vector_load %arg14[%get3A_233] {strides = array<i32>} : memref<8192xf32, #tpu.memory_space<vmem>>, vector<16xf32>,
      %add3A_235 = arith.constant 2048 : i32
      %add3A_236 = arith.addi %add3A_235, %mul3A_227 : i32
      %get3A_237 = arith.index_cast %add3A_236 : i32 to index
      %get3A_238 = tpu.vector_load %arg14[%get3A_237] {strides = array<i32>} : memref<8192xf32, #tpu.memory_space<vmem>>, vector<16xf32>,
      %add3A_239 = arith.constant 3072 : i32
      %add3A_240 = arith.addi %add3A_239, %mul3A_227 : i32
      %get3A_241 = arith.index_cast %add3A_240 : i32 to index
      %get3A_242 = tpu.vector_load %arg14[%get3A_241] {strides = array<i32>} : memref<8192xf32, #tpu.memory_space<vmem>>, vector<16xf32>,
      %add3A_243 = arith.constant 4096 : i32
      %add3A_244 = arith.addi %add3A_243, %mul3A_227 : i32
      %get3A_245 = arith.index_cast %add3A_244 : i32 to index
      %get3A_246 = tpu.vector_load %arg14[%get3A_245] {strides = array<i32>} : memref<8192xf32, #tpu.memory_space<vmem>>, vector<16xf32>,
      %add3A_247 = arith.constant 5120 : i32
      %add3A_248 = arith.addi %add3A_247, %mul3A_227 : i32
      %get3A_249 = arith.index_cast %add3A_248 : i32 to index
      %get3A_250 = tpu.vector_load %arg14[%get3A_249] {strides = array<i32>} : memref<8192xf32, #tpu.memory_space<vmem>>, vector<16xf32>,
      %add3A_251 = arith.constant 6144 : i32
      %add3A_252 = arith.addi %add3A_251, %mul3A_227 : i32
      %get3A_253 = arith.index_cast %add3A_252 : i32 to index
      %get3A_254 = tpu.vector_load %arg14[%get3A_253] {strides = array<i32>} : memref<8192xf32, #tpu.memory_space<vmem>>, vector<16xf32>,
      %add3A_255 = arith.constant 7168 : i32
      %add3A_256 = arith.addi %add3A_255, %mul3A_227 : i32
      %get3A_257 = arith.index_cast %add3A_256 : i32 to index
      %get3A_258 = tpu.vector_load %arg14[%get3A_257] {strides = array<i32>} : memref<8192xf32, #tpu.memory_space<vmem>>, vector<16xf32>,
      %add3A_259 = arith.constant 0 : i32
      %add3A_260 = arith.addi %add3A_259, %mul3A_227 : i32
      %get3A_261 = arith.index_cast %add3A_260 : i32 to index
      %get3A_262 = tpu.vector_load %arg12[%get3A_261] {strides = array<i32>} : memref<3072xf32, #tpu.memory_space<vmem>>, vector<16xf32>,
      %add3A_263 = arith.constant 1024 : i32
      %add3A_264 = arith.addi %add3A_263, %mul3A_227 : i32
      %get3A_265 = arith.index_cast %add3A_264 : i32 to index
      %get3A_266 = tpu.vector_load %arg12[%get3A_265] {strides = array<i32>} : memref<3072xf32, #tpu.memory_space<vmem>>, vector<16xf32>,
      %add3A_267 = arith.constant 2048 : i32
      %add3A_268 = arith.addi %add3A_267, %mul3A_227 : i32
      %get3A_269 = arith.index_cast %add3A_268 : i32 to index
      %get3A_270 = tpu.vector_load %arg12[%get3A_269] {strides = array<i32>} : memref<3072xf32, #tpu.memory_space<vmem>>, vector<16xf32>,
      %sub3A = arith.subf %get3A_246, %get3A_230 : vector<16xf32>
      %mul3A_271 = arith.mulf %sub3A, %get3A_262 : vector<16xf32>
      %add3A_272 = arith.addf %get3A_230, %mul3A_271 : vector<16xf32>
      %sub3A_273 = arith.subf %get3A_250, %get3A_234 : vector<16xf32>
      %mul3A_274 = arith.mulf %sub3A_273, %get3A_262 : vector<16xf32>
      %add3A_275 = arith.addf %get3A_234, %mul3A_274 : vector<16xf32>
      %sub3A_276 = arith.subf %get3A_254, %get3A_238 : vector<16xf32>
      %mul3A_277 = arith.mulf %sub3A_276, %get3A_262 : vector<16xf32>
      %add3A_278 = arith.addf %get3A_238, %mul3A_277 : vector<16xf32>
      %sub3A_279 = arith.subf %get3A_258, %get3A_242 : vector<16xf32>
      %mul3A_280 = arith.mulf %sub3A_279, %get3A_262 : vector<16xf32>
      %add3A_281 = arith.addf %get3A_242, %mul3A_280 : vector<16xf32>
      %sub3A_282 = arith.subf %add3A_278, %add3A_272 : vector<16xf32>
      %mul3A_283 = arith.mulf %sub3A_282, %get3A_266 : vector<16xf32>
      %add3A_284 = arith.addf %add3A_272, %mul3A_283 : vector<16xf32>
      %sub3A_285 = arith.subf %add3A_281, %add3A_275 : vector<16xf32>
      %mul3A_286 = arith.mulf %sub3A_285, %get3A_266 : vector<16xf32>
      %add3A_287 = arith.addf %add3A_275, %mul3A_286 : vector<16xf32>
      %sub3A_288 = arith.subf %add3A_287, %add3A_284 : vector<16xf32>
      %mul3A_289 = arith.mulf %sub3A_288, %get3A_270 : vector<16xf32>
      %add3A_290 = arith.addf %add3A_284, %mul3A_289 : vector<16xf32>
      %swap3A = arith.index_cast %mul3A_227 : i32 to index
      %swap3A_291 = tpu.vector_load %arg15[%swap3A] {strides = array<i32>} : memref<1024xf32, #tpu.memory_space<vmem>>, vector<16xf32>,
      tpu.vector_store %arg15[%swap3A], %add3A_290 {strides = array<i32>} : memref<1024xf32, #tpu.memory_space<vmem>>, vector<16xf32>,
    }
    %scan3A_158 = arith.constant 64 : i32
    %add3A_159 = arith.constant 928 : i32
    %add3A_160 = arith.addi %add3A, %add3A_159 : i32
    %mul3A_161 = arith.constant 1024 : i32
    %mul3A_162 = arith.muli %add3A_160, %mul3A_161 : i32
    %min3A_163 = arith.constant 998976 : i32
    %min3A_164 = arith.minsi %mul3A_162, %min3A_163 : i32
    "tpu.region"() ({
      %run_scoped3A = tpu.sem_alloc : memref<!tpu.dma_semaphore, #tpu.memory_space<semaphore_mem>>
      %dma_start3A_225 = tpu.memref_slice %arg6[%min3A_164] : memref<1000000xf32, #tpu.memory_space<hbm>> -> memref<1024xf32, #tpu.memory_space<hbm>>
      %dma_start3A_226 = tpu.memref_slice %arg6[%min3A_164] : memref<1000000xf32, #tpu.memory_space<hbm>> -> memref<1024xf32, #tpu.memory_space<hbm>>
      tpu.enqueue_dma source(%arg15 : memref<1024xf32, #tpu.memory_space<vmem>>) target(%dma_start3A_226 : memref<1024xf32, #tpu.memory_space<hbm>>) target_semaphore(%run_scoped3A : memref<!tpu.dma_semaphore, #tpu.memory_space<semaphore_mem>>)
      %dma_wait3A_227 = tpu.memref_slice %arg6[%min3A_164] : memref<1000000xf32, #tpu.memory_space<hbm>> -> memref<1024xf32, #tpu.memory_space<hbm>>
      %dma_wait3A_228 = tpu.memref_slice %arg6[%min3A_164] : memref<1000000xf32, #tpu.memory_space<hbm>> -> memref<1024xf32, #tpu.memory_space<hbm>>
      tpu.wait_dma2 semaphore(%run_scoped3A : memref<!tpu.dma_semaphore, #tpu.memory_space<semaphore_mem>>) src(%arg15 : memref<1024xf32, #tpu.memory_space<vmem>>) dst(%dma_wait3A_228 : memref<1024xf32, #tpu.memory_space<hbm>>)
      tpu.yield
    }) : () -> ()
    %dma_wait3A_165 = arith.constant 0 : i32
    %dma_wait3A_166 = tpu.memref_slice %arg13[%dma_wait3A_165] : memref<8192xf32, #tpu.memory_space<vmem>> -> memref<1024xf32, #tpu.memory_space<vmem>>
    %dma_wait3A_167 = arith.constant 0 : i32
    %dma_wait3A_168 = tpu.memref_slice %arg9[%dma_wait3A_167] : memref<8192xi32, #tpu.memory_space<vmem>> -> memref<1024xi32, #tpu.memory_space<vmem>>
    %dma_wait3A_169 = arith.constant 0 : i32
    %dma_wait3A_170 = tpu.memref_slice %arg5[%dma_wait3A_169] : memref<16777216xf32, #tpu.memory_space<hbm>> -> memref<16777216xf32, #tpu.memory_space<hbm>>
    tpu.wait_indirect_dma semaphore(%arg18 : memref<!tpu.dma_semaphore, #tpu.memory_space<semaphore_mem>>) src(%dma_wait3A_170 : memref<16777216xf32, #tpu.memory_space<hbm>>) dst(%dma_wait3A_166 : memref<1024xf32, #tpu.memory_space<vmem>>)
    %dma_wait3A_171 = arith.constant 1024 : i32
    %dma_wait3A_172 = tpu.memref_slice %arg13[%dma_wait3A_171] : memref<8192xf32, #tpu.memory_space<vmem>> -> memref<1024xf32, #tpu.memory_space<vmem>>
    %dma_wait3A_173 = arith.constant 1024 : i32
    %dma_wait3A_174 = tpu.memref_slice %arg9[%dma_wait3A_173] : memref<8192xi32, #tpu.memory_space<vmem>> -> memref<1024xi32, #tpu.memory_space<vmem>>
    %dma_wait3A_175 = arith.constant 0 : i32
    %dma_wait3A_176 = tpu.memref_slice %arg5[%dma_wait3A_175] : memref<16777216xf32, #tpu.memory_space<hbm>> -> memref<16777216xf32, #tpu.memory_space<hbm>>
    tpu.wait_indirect_dma semaphore(%arg18 : memref<!tpu.dma_semaphore, #tpu.memory_space<semaphore_mem>>) src(%dma_wait3A_176 : memref<16777216xf32, #tpu.memory_space<hbm>>) dst(%dma_wait3A_172 : memref<1024xf32, #tpu.memory_space<vmem>>)
    %dma_wait3A_177 = arith.constant 2048 : i32
    %dma_wait3A_178 = tpu.memref_slice %arg13[%dma_wait3A_177] : memref<8192xf32, #tpu.memory_space<vmem>> -> memref<1024xf32, #tpu.memory_space<vmem>>
    %dma_wait3A_179 = arith.constant 2048 : i32
    %dma_wait3A_180 = tpu.memref_slice %arg9[%dma_wait3A_179] : memref<8192xi32, #tpu.memory_space<vmem>> -> memref<1024xi32, #tpu.memory_space<vmem>>
    %dma_wait3A_181 = arith.constant 0 : i32
    %dma_wait3A_182 = tpu.memref_slice %arg5[%dma_wait3A_181] : memref<16777216xf32, #tpu.memory_space<hbm>> -> memref<16777216xf32, #tpu.memory_space<hbm>>
    tpu.wait_indirect_dma semaphore(%arg18 : memref<!tpu.dma_semaphore, #tpu.memory_space<semaphore_mem>>) src(%dma_wait3A_182 : memref<16777216xf32, #tpu.memory_space<hbm>>) dst(%dma_wait3A_178 : memref<1024xf32, #tpu.memory_space<vmem>>)
    %dma_wait3A_183 = arith.constant 3072 : i32
    %dma_wait3A_184 = tpu.memref_slice %arg13[%dma_wait3A_183] : memref<8192xf32, #tpu.memory_space<vmem>> -> memref<1024xf32, #tpu.memory_space<vmem>>
    %dma_wait3A_185 = arith.constant 3072 : i32
    %dma_wait3A_186 = tpu.memref_slice %arg9[%dma_wait3A_185] : memref<8192xi32, #tpu.memory_space<vmem>> -> memref<1024xi32, #tpu.memory_space<vmem>>
    %dma_wait3A_187 = arith.constant 0 : i32
    %dma_wait3A_188 = tpu.memref_slice %arg5[%dma_wait3A_187] : memref<16777216xf32, #tpu.memory_space<hbm>> -> memref<16777216xf32, #tpu.memory_space<hbm>>
    tpu.wait_indirect_dma semaphore(%arg18 : memref<!tpu.dma_semaphore, #tpu.memory_space<semaphore_mem>>) src(%dma_wait3A_188 : memref<16777216xf32, #tpu.memory_space<hbm>>) dst(%dma_wait3A_184 : memref<1024xf32, #tpu.memory_space<vmem>>)
    %dma_wait3A_189 = arith.constant 4096 : i32
    %dma_wait3A_190 = tpu.memref_slice %arg13[%dma_wait3A_189] : memref<8192xf32, #tpu.memory_space<vmem>> -> memref<1024xf32, #tpu.memory_space<vmem>>
    %dma_wait3A_191 = arith.constant 4096 : i32
    %dma_wait3A_192 = tpu.memref_slice %arg9[%dma_wait3A_191] : memref<8192xi32, #tpu.memory_space<vmem>> -> memref<1024xi32, #tpu.memory_space<vmem>>
    %dma_wait3A_193 = arith.constant 0 : i32
    %dma_wait3A_194 = tpu.memref_slice %arg5[%dma_wait3A_193] : memref<16777216xf32, #tpu.memory_space<hbm>> -> memref<16777216xf32, #tpu.memory_space<hbm>>
    tpu.wait_indirect_dma semaphore(%arg18 : memref<!tpu.dma_semaphore, #tpu.memory_space<semaphore_mem>>) src(%dma_wait3A_194 : memref<16777216xf32, #tpu.memory_space<hbm>>) dst(%dma_wait3A_190 : memref<1024xf32, #tpu.memory_space<vmem>>)
    %dma_wait3A_195 = arith.constant 5120 : i32
    %dma_wait3A_196 = tpu.memref_slice %arg13[%dma_wait3A_195] : memref<8192xf32, #tpu.memory_space<vmem>> -> memref<1024xf32, #tpu.memory_space<vmem>>
    %dma_wait3A_197 = arith.constant 5120 : i32
    %dma_wait3A_198 = tpu.memref_slice %arg9[%dma_wait3A_197] : memref<8192xi32, #tpu.memory_space<vmem>> -> memref<1024xi32, #tpu.memory_space<vmem>>
    %dma_wait3A_199 = arith.constant 0 : i32
    %dma_wait3A_200 = tpu.memref_slice %arg5[%dma_wait3A_199] : memref<16777216xf32, #tpu.memory_space<hbm>> -> memref<16777216xf32, #tpu.memory_space<hbm>>
    tpu.wait_indirect_dma semaphore(%arg18 : memref<!tpu.dma_semaphore, #tpu.memory_space<semaphore_mem>>) src(%dma_wait3A_200 : memref<16777216xf32, #tpu.memory_space<hbm>>) dst(%dma_wait3A_196 : memref<1024xf32, #tpu.memory_space<vmem>>)
    %dma_wait3A_201 = arith.constant 6144 : i32
    %dma_wait3A_202 = tpu.memref_slice %arg13[%dma_wait3A_201] : memref<8192xf32, #tpu.memory_space<vmem>> -> memref<1024xf32, #tpu.memory_space<vmem>>
    %dma_wait3A_203 = arith.constant 6144 : i32
    %dma_wait3A_204 = tpu.memref_slice %arg9[%dma_wait3A_203] : memref<8192xi32, #tpu.memory_space<vmem>> -> memref<1024xi32, #tpu.memory_space<vmem>>
    %dma_wait3A_205 = arith.constant 0 : i32
    %dma_wait3A_206 = tpu.memref_slice %arg5[%dma_wait3A_205] : memref<16777216xf32, #tpu.memory_space<hbm>> -> memref<16777216xf32, #tpu.memory_space<hbm>>
    tpu.wait_indirect_dma semaphore(%arg18 : memref<!tpu.dma_semaphore, #tpu.memory_space<semaphore_mem>>) src(%dma_wait3A_206 : memref<16777216xf32, #tpu.memory_space<hbm>>) dst(%dma_wait3A_202 : memref<1024xf32, #tpu.memory_space<vmem>>)
    %dma_wait3A_207 = arith.constant 7168 : i32
    %dma_wait3A_208 = tpu.memref_slice %arg13[%dma_wait3A_207] : memref<8192xf32, #tpu.memory_space<vmem>> -> memref<1024xf32, #tpu.memory_space<vmem>>
    %dma_wait3A_209 = arith.constant 7168 : i32
    %dma_wait3A_210 = tpu.memref_slice %arg9[%dma_wait3A_209] : memref<8192xi32, #tpu.memory_space<vmem>> -> memref<1024xi32, #tpu.memory_space<vmem>>
    %dma_wait3A_211 = arith.constant 0 : i32
    %dma_wait3A_212 = tpu.memref_slice %arg5[%dma_wait3A_211] : memref<16777216xf32, #tpu.memory_space<hbm>> -> memref<16777216xf32, #tpu.memory_space<hbm>>
    tpu.wait_indirect_dma semaphore(%arg18 : memref<!tpu.dma_semaphore, #tpu.memory_space<semaphore_mem>>) src(%dma_wait3A_212 : memref<16777216xf32, #tpu.memory_space<hbm>>) dst(%dma_wait3A_208 : memref<1024xf32, #tpu.memory_space<vmem>>)
    %scan3A_213 = arith.constant 0 : i32
    %scan3A_214 = arith.constant 0 : i32
    %scan3A_215 = arith.constant 64 : i32
    %scan3A_216 = arith.addi %scan3A_214, %scan3A_215 : i32
    %scan3A_217 = arith.constant 1 : i32
    scf.for %scan3A_225 = %scan3A_214 to %scan3A_216 step %scan3A_217  : i32 {
      %mul3A_226 = arith.constant 16 : i32
      %mul3A_227 = arith.muli %scan3A_225, %mul3A_226 : i32
      %add3A_228 = arith.constant 0 : i32
      %add3A_229 = arith.addi %add3A_228, %mul3A_227 : i32
      %get3A = arith.index_cast %add3A_229 : i32 to index
      %get3A_230 = tpu.vector_load %arg13[%get3A] {strides = array<i32>} : memref<8192xf32, #tpu.memory_space<vmem>>, vector<16xf32>,
      %add3A_231 = arith.constant 1024 : i32
      %add3A_232 = arith.addi %add3A_231, %mul3A_227 : i32
      %get3A_233 = arith.index_cast %add3A_232 : i32 to index
      %get3A_234 = tpu.vector_load %arg13[%get3A_233] {strides = array<i32>} : memref<8192xf32, #tpu.memory_space<vmem>>, vector<16xf32>,
      %add3A_235 = arith.constant 2048 : i32
      %add3A_236 = arith.addi %add3A_235, %mul3A_227 : i32
      %get3A_237 = arith.index_cast %add3A_236 : i32 to index
      %get3A_238 = tpu.vector_load %arg13[%get3A_237] {strides = array<i32>} : memref<8192xf32, #tpu.memory_space<vmem>>, vector<16xf32>,
      %add3A_239 = arith.constant 3072 : i32
      %add3A_240 = arith.addi %add3A_239, %mul3A_227 : i32
      %get3A_241 = arith.index_cast %add3A_240 : i32 to index
      %get3A_242 = tpu.vector_load %arg13[%get3A_241] {strides = array<i32>} : memref<8192xf32, #tpu.memory_space<vmem>>, vector<16xf32>,
      %add3A_243 = arith.constant 4096 : i32
      %add3A_244 = arith.addi %add3A_243, %mul3A_227 : i32
      %get3A_245 = arith.index_cast %add3A_244 : i32 to index
      %get3A_246 = tpu.vector_load %arg13[%get3A_245] {strides = array<i32>} : memref<8192xf32, #tpu.memory_space<vmem>>, vector<16xf32>,
      %add3A_247 = arith.constant 5120 : i32
      %add3A_248 = arith.addi %add3A_247, %mul3A_227 : i32
      %get3A_249 = arith.index_cast %add3A_248 : i32 to index
      %get3A_250 = tpu.vector_load %arg13[%get3A_249] {strides = array<i32>} : memref<8192xf32, #tpu.memory_space<vmem>>, vector<16xf32>,
      %add3A_251 = arith.constant 6144 : i32
      %add3A_252 = arith.addi %add3A_251, %mul3A_227 : i32
      %get3A_253 = arith.index_cast %add3A_252 : i32 to index
      %get3A_254 = tpu.vector_load %arg13[%get3A_253] {strides = array<i32>} : memref<8192xf32, #tpu.memory_space<vmem>>, vector<16xf32>,
      %add3A_255 = arith.constant 7168 : i32
      %add3A_256 = arith.addi %add3A_255, %mul3A_227 : i32
      %get3A_257 = arith.index_cast %add3A_256 : i32 to index
      %get3A_258 = tpu.vector_load %arg13[%get3A_257] {strides = array<i32>} : memref<8192xf32, #tpu.memory_space<vmem>>, vector<16xf32>,
      %add3A_259 = arith.constant 0 : i32
      %add3A_260 = arith.addi %add3A_259, %mul3A_227 : i32
      %get3A_261 = arith.index_cast %add3A_260 : i32 to index
      %get3A_262 = tpu.vector_load %arg11[%get3A_261] {strides = array<i32>} : memref<3072xf32, #tpu.memory_space<vmem>>, vector<16xf32>,
      %add3A_263 = arith.constant 1024 : i32
      %add3A_264 = arith.addi %add3A_263, %mul3A_227 : i32
      %get3A_265 = arith.index_cast %add3A_264 : i32 to index
      %get3A_266 = tpu.vector_load %arg11[%get3A_265] {strides = array<i32>} : memref<3072xf32, #tpu.memory_space<vmem>>, vector<16xf32>,
      %add3A_267 = arith.constant 2048 : i32
      %add3A_268 = arith.addi %add3A_267, %mul3A_227 : i32
      %get3A_269 = arith.index_cast %add3A_268 : i32 to index
      %get3A_270 = tpu.vector_load %arg11[%get3A_269] {strides = array<i32>} : memref<3072xf32, #tpu.memory_space<vmem>>, vector<16xf32>,
      %sub3A = arith.subf %get3A_246, %get3A_230 : vector<16xf32>
      %mul3A_271 = arith.mulf %sub3A, %get3A_262 : vector<16xf32>
      %add3A_272 = arith.addf %get3A_230, %mul3A_271 : vector<16xf32>
      %sub3A_273 = arith.subf %get3A_250, %get3A_234 : vector<16xf32>
      %mul3A_274 = arith.mulf %sub3A_273, %get3A_262 : vector<16xf32>
      %add3A_275 = arith.addf %get3A_234, %mul3A_274 : vector<16xf32>
      %sub3A_276 = arith.subf %get3A_254, %get3A_238 : vector<16xf32>
      %mul3A_277 = arith.mulf %sub3A_276, %get3A_262 : vector<16xf32>
      %add3A_278 = arith.addf %get3A_238, %mul3A_277 : vector<16xf32>
      %sub3A_279 = arith.subf %get3A_258, %get3A_242 : vector<16xf32>
      %mul3A_280 = arith.mulf %sub3A_279, %get3A_262 : vector<16xf32>
      %add3A_281 = arith.addf %get3A_242, %mul3A_280 : vector<16xf32>
      %sub3A_282 = arith.subf %add3A_278, %add3A_272 : vector<16xf32>
      %mul3A_283 = arith.mulf %sub3A_282, %get3A_266 : vector<16xf32>
      %add3A_284 = arith.addf %add3A_272, %mul3A_283 : vector<16xf32>
      %sub3A_285 = arith.subf %add3A_281, %add3A_275 : vector<16xf32>
      %mul3A_286 = arith.mulf %sub3A_285, %get3A_266 : vector<16xf32>
      %add3A_287 = arith.addf %add3A_275, %mul3A_286 : vector<16xf32>
      %sub3A_288 = arith.subf %add3A_287, %add3A_284 : vector<16xf32>
      %mul3A_289 = arith.mulf %sub3A_288, %get3A_270 : vector<16xf32>
      %add3A_290 = arith.addf %add3A_284, %mul3A_289 : vector<16xf32>
      %swap3A = arith.index_cast %mul3A_227 : i32 to index
      %swap3A_291 = tpu.vector_load %arg15[%swap3A] {strides = array<i32>} : memref<1024xf32, #tpu.memory_space<vmem>>, vector<16xf32>,
      tpu.vector_store %arg15[%swap3A], %add3A_290 {strides = array<i32>} : memref<1024xf32, #tpu.memory_space<vmem>>, vector<16xf32>,
    }
    %scan3A_218 = arith.constant 64 : i32
    %add3A_219 = arith.constant 960 : i32
    %add3A_220 = arith.addi %add3A, %add3A_219 : i32
    %mul3A_221 = arith.constant 1024 : i32
    %mul3A_222 = arith.muli %add3A_220, %mul3A_221 : i32
    %min3A_223 = arith.constant 998976 : i32
    %min3A_224 = arith.minsi %mul3A_222, %min3A_223 : i32
    "tpu.region"() ({
      %run_scoped3A = tpu.sem_alloc : memref<!tpu.dma_semaphore, #tpu.memory_space<semaphore_mem>>
      %dma_start3A_225 = tpu.memref_slice %arg6[%min3A_224] : memref<1000000xf32, #tpu.memory_space<hbm>> -> memref<1024xf32, #tpu.memory_space<hbm>>
      %dma_start3A_226 = tpu.memref_slice %arg6[%min3A_224] : memref<1000000xf32, #tpu.memory_space<hbm>> -> memref<1024xf32, #tpu.memory_space<hbm>>
      tpu.enqueue_dma source(%arg15 : memref<1024xf32, #tpu.memory_space<vmem>>) target(%dma_start3A_226 : memref<1024xf32, #tpu.memory_space<hbm>>) target_semaphore(%run_scoped3A : memref<!tpu.dma_semaphore, #tpu.memory_space<semaphore_mem>>)
      %dma_wait3A_227 = tpu.memref_slice %arg6[%min3A_224] : memref<1000000xf32, #tpu.memory_space<hbm>> -> memref<1024xf32, #tpu.memory_space<hbm>>
      %dma_wait3A_228 = tpu.memref_slice %arg6[%min3A_224] : memref<1000000xf32, #tpu.memory_space<hbm>> -> memref<1024xf32, #tpu.memory_space<hbm>>
      tpu.wait_dma2 semaphore(%run_scoped3A : memref<!tpu.dma_semaphore, #tpu.memory_space<semaphore_mem>>) src(%arg15 : memref<1024xf32, #tpu.memory_space<vmem>>) dst(%dma_wait3A_228 : memref<1024xf32, #tpu.memory_space<hbm>>)
      tpu.yield
    }) : () -> ()
    return
  }
}

</mosaic_0001>

<sc_bundles>
// kernel: kernel.3.cloned.1.call-start
scs
__scs_entry_jumppad:
0x0: {  	(pc) =	sbr.rel $0x88, $3  }
0x1: {  	(tag) =	ssettag $0x0;
	lr =	simm.s32 $0x1  }
0x2: {  	[smem:$0x3F9F] =	sst lr;
	_ =	strace $0xD0000000  }
0x3: {  	_ = 	snop  }
0x4: {  	_ = 	snop  }
0x5: {  	_ = 	snop  }
0x6: {  	_ = 	snop  }
0x7: {  	_ = 	snop  }
__scs_overlays_trampoline_lowered:
0x8: {  	[smem:$0x3FAE] =	sst s0  }
0x9: {  	[smem:$0x3FAF] =	sst s1  }
0xa: {  	[smem:$0x3FB0] =	sst s2  }
0xb: {  	[smem:$0x3FB1] =	sst s3  }
0xc: {  	[smem:$0x3FB2] =	sst s4  }
0xd: {  	[smem:$0x3FB3] =	sst s5  }
0xe: {  	[smem:$0x3FB4] =	sst s6  }
0xf: {  	[smem:$0x3FB5] =	sst s7  }
0x10: {  	[smem:$0x3FB6] =	sst s8  }
0x11: {  	[smem:$0x3FB7] =	sst s9;
	s0 =	simm.s32 @!p0 $0x0  }
0x12: {  	s1 =	sld [smem:$0x3F9D];
	s0 =	simm.s32 @p0 $0x1  }
0x13: {  	[smem:$0x3FB8] =	sst s0;
	s0 =	simm.s32 @!p1 $0x0  }
0x14: {  	s2 =	sld [smem:$0x3F9C];
	s0 =	simm.s32 @p1 $0x1  }
0x15: {  	[smem:$0x3FB9] =	sst s0;
	s0 =	simm.s32 @!p2 $0x0  }
0x16: {  	s3 =	sld [smem:$0x3FDB];
	s0 =	simm.s32 @p2 $0x1  }
0x17: {  	s4 =	simm.s32 $0x1BF5;
	[smem:$0x3FBB] =	sst s0  }
0x18: {  	s0 =	sld [smem:$0x3F9E];
	_ =	swait.ge [sflag:s4], $0x0  }
0x19: {  	s7 =	sld [smem:$0x3F9F]  }
0x1a: {  	s8 =	sadd.s32 $0xFFFFE003, lr  }
0x1b: {  	s9 =	sadd.s32 $0xFFFFFEF7, lr;
	s5 =	simm.s32 $0xFFFFFFFF;
	p2 =	slt.u32 s8, $0xFFFFF086  }
0x1c: {  	p1 =	slt.u32 s9, $0xF7A;
	s5 =	simm.s32 @!p2 $0x0  }
0x1d: {  	s5 =	simm.s32 @p1 $0x1;
	p0 =	seq.s32 s7, s2  }
0x1e: {  	s7 =	smul.u32 @!p0 $0xF7A, s2;
	p2 =	seq.s32 @!p0 s5, $0x0  }
0x1f: {  	s9 =	smul.u32 $0xF7A, s1;
	s8 =	simm.s32 @!p0 $0x1BF5;
	p2 =	por !p2, p0  }
0x20: {  	[sflag:s8] =	ssyncset.s32 @!p0 $0xFFFFF086;
	s6 =	sadd.s32 @!p0 s3, s7;
	s7 =	simm.s32 @!p0 $0x108  }
0x21: {  	s3 =	sadd.s32 s3, s9;
	s6 =	sadd.s32 @!p0 $0x88, s6;
	s7 =	simm.s32 @p2 $0x1082  }
0x22: {  	[simem:s7], [sflag:s8] =	dma.local @!p0 [hbm:s6], $0xF7A  }
0x23: {  	s9 =	sor.u32 $0xD0000000, s2;
	s6 =	simm.s32 $0x108;
	_ =	swait.ge @!p0 [sflag:s8], $0x0  }
0x24: {  	s3 =	sadd.s32 $0x88, s3;
	s6 =	simm.s32 @!p1 $0x1082;
	[sflag:s4] =	ssyncset.s32 $0xFFFFF086  }
0x25: {  	[simem:s6], [sflag:s4] =	dma.local [hbm:s3], $0xF7A  }
0x26: {  	[smem:$0x3F9F] =	sst s1;
	(tag) =	ssettag s2;
	_ =	strace s9  }
0x27: {  	s1 =	sld [smem:$0x3FAF]  }
0x28: {  	s2 =	sld [smem:$0x3FB0]  }
0x29: {  	s4 =	sld [smem:$0x3FB2]  }
0x2a: {  	p0 =	seq.s32 s5, $0x0;
	s5 =	sld [smem:$0x3FB3]  }
0x2b: {  	s6 =	sld [smem:$0x3FB4]  }
0x2c: {  	s7 =	sld [smem:$0x3FB5]  }
0x2d: {  	s3 =	simm.s32 $0x108;
	s8 =	sld [smem:$0x3FB6]  }
0x2e: {  	s3 =	simm.s32 @!p0 $0x1082;
	s9 =	sld [smem:$0x3FB7]  }
0x2f: {  	lr =	sadd.s32 s0, s3;
	s0 =	sld [smem:$0x3FAE]  }
0x30: {  	s3 =	sld [smem:$0x3FB1]  }
0x31: {  	[smem:$0x3FBA] =	sst s10  }
0x32: {  	s10 =	sld [smem:$0x3FB8];
	_ =	sdelay $0x3  }
0x33: {  	p0 =	seq.s32 s10, $0x1;
	s10 =	sld [smem:$0x3FBA];
	_ =	sdelay $0x3  }
0x34: {  	[smem:$0x3FBA] =	sst s10  }
0x35: {  	s10 =	sld [smem:$0x3FB9];
	_ =	sdelay $0x3  }
0x36: {  	p1 =	seq.s32 s10, $0x1;
	s10 =	sld [smem:$0x3FBA];
	_ =	sdelay $0x3  }
0x37: {  	[smem:$0x3FBA] =	sst s10  }
0x38: {  	s10 =	sld [smem:$0x3FBB]  }
0x39: {  	_ = 	snop;
	(pc) =	sbr.ind lr, $3  }
0x3a: {  	_ = 	snop  }
0x3b: {  	_ = 	snop  }
0x3c: {  	p2 =	seq.s32 s10, $0x1;
	s10 =	sld [smem:$0x3FBA]  }
0x3d: {  	_ =	shalt  }
0x3e: {  	_ =	shalt  }
0x3f: {  	_ =	shalt  }
0x40: {  	_ =	shalt  }
0x41: {  	_ =	shalt  }
0x42: {  	_ =	shalt  }
0x43: {  	_ =	shalt  }
0x44: {  	_ =	shalt  }
0x45: {  	_ =	shalt  }
0x46: {  	_ =	shalt  }
0x47: {  	_ =	shalt  }
0x48: {  	_ =	shalt  }
0x49: {  	_ =	shalt  }
0x4a: {  	_ =	shalt  }
0x4b: {  	_ =	shalt  }
0x4c: {  	_ =	shalt  }
0x4d: {  	_ =	shalt  }
0x4e: {  	_ =	shalt  }
0x4f: {  	_ =	shalt  }
0x50: {  	_ =	shalt  }
0x51: {  	_ =	shalt  }
0x52: {  	_ =	shalt  }
0x53: {  	_ =	shalt  }
0x54: {  	_ =	shalt  }
0x55: {  	_ =	shalt  }
0x56: {  	_ =	shalt  }
0x57: {  	_ =	shalt  }
0x58: {  	_ =	shalt  }
0x59: {  	_ =	shalt  }
0x5a: {  	_ =	shalt  }
0x5b: {  	_ =	shalt  }
0x5c: {  	_ =	shalt  }
0x5d: {  	_ =	shalt  }
0x5e: {  	_ =	shalt  }
0x5f: {  	_ =	shalt  }
0x60: {  	_ =	shalt  }
0x61: {  	_ =	shalt  }
0x62: {  	_ =	shalt  }
0x63: {  	_ =	shalt  }
0x64: {  	_ =	shalt  }
0x65: {  	_ =	shalt  }
0x66: {  	_ =	shalt  }
0x67: {  	_ =	shalt  }
0x68: {  	_ =	shalt  }
0x69: {  	_ =	shalt  }
0x6a: {  	_ =	shalt  }
0x6b: {  	_ =	shalt  }
0x6c: {  	_ =	shalt  }
0x6d: {  	_ =	shalt  }
0x6e: {  	_ =	shalt  }
0x6f: {  	_ =	shalt  }
0x70: {  	_ =	shalt  }
0x71: {  	_ =	shalt  }
0x72: {  	_ =	shalt  }
0x73: {  	_ =	shalt  }
0x74: {  	_ =	shalt  }
0x75: {  	_ =	shalt  }
0x76: {  	_ =	shalt  }
0x77: {  	_ =	shalt  }
0x78: {  	_ =	shalt  }
0x79: {  	_ =	shalt  }
0x7a: {  	_ =	shalt  }
0x7b: {  	_ =	shalt  }
0x7c: {  	_ =	shalt  }
0x7d: {  	_ =	shalt  }
0x7e: {  	_ =	shalt  }
0x7f: {  	_ =	shalt  }
0x80: {  	_ =	shalt  }
0x81: {  	_ =	shalt  }
0x82: {  	_ =	shalt  }
0x83: {  	_ =	shalt  }
0x84: {  	_ =	shalt  }
0x85: {  	_ =	shalt  }
0x86: {  	_ =	shalt  }
0x87: {  	_ =	shalt  }
.Lfunc_end0:
.L_simem_size_0:
called_computation.1_lowered:
.L_overlay_start_0:
0x88: {  	s2 =	sld [smem:$0x3FD9]  }
0x89: {  	s3 =	sld [smem:$0x3FFE];
	_ =	sdelay $0x1  }
0x8a: {  	s1 =	srdreg.scid  }
0x8b: {  	s0 =	sand.u32 $0x1, s1  }
0x8c: {  	s17 =	sshll.u32 s0, $0xA;
	s2 =	sadd.s32 s3, s2  }
0x8d: {  	s2 =	sadd.s32 s2, s17  }
0x8e: {  	[smem:$0x3FC6] =	sst s2  }
0x8f: {  	_ = 	snop  }
0x90: {  	s2 =	sld [smem:$0x3FD0];
	(tm) =	ssettm $0x1  }
0x91: {  	s18 =	sld [smem:$0x3FFB];
	_ =	sdelay $0x3  }
0x92: {  	_ =	strace s18  }
0x93: {  	s3 =	sld [smem:$0x3FFC];
	_ =	sdelay $0x3  }
0x94: {  	_ =	strace s3  }
0x95: {  	s3 =	sld [smem:$0x3FFD];
	_ =	sdelay $0x3  }
0x96: {  	_ =	strace s3  }
0x97: {  	_ =	strace $0x8FFFFFFF  }
0x98: {  	s19 =	sld [smem:$0x3FDB];
	_ =	sdelay $0x1  }
0x99: {  	s4 =	simm.s32 $_scs_section_size  }
0x9a: {  	s5 =	simm.s32 $_size__tile_overlayer_lowered;
	s6 =	simm.s32 $_tile_overlayer_lowered  }
0x9b: {  	s22 =	simm.s32 $0x1BFF;
	s21 =	sshll.u32 s6, $0x1;
	s3 =	sadd.s32 s4, s19  }
0x9c: {  	s7 =	simm.s32 $0x0;
	s20 =	sshll.u32 s5, $0x1;
	s5 =	sadd.s32 s21, s3  }
0x9d: {  	[timem:s7], [sflag:s22] =	dma.local [hbm:s5], s20  }
0x9e: {  	_ =	swait.ge [sflag:s22], s20  }
0x9f: {  	s4 =	ssub.s32 $0x0, s20;
	[sflag:s22] =	ssyncset.done $0x0  }
0xa0: {  	[sflag:s22] =	ssyncadd.s32 s4;
	_ =	sdelay $0x1  }
0xa1: {  	s23 =	simm.s32 $0x1B8B  }
0xa2: {  	_ =	swait.ge [sflag:s23], $0x1  }
0xa3: {  	[sflag:s23] =	ssyncset.done $0x0  }
0xa4: {  	s25 =	simm.s32 $0x1B8E;
	s24 =	sld [smem:$0x3FFE];
	[sflag:s23] =	ssyncadd.s32 $0xFFFFFFFF  }
0xa5: {  	s26 =	simm.s32 $execute0_lowered;
	[smem:$0x3FD2] =	sst s25  }
0xa6: {  	s5 =	sshll.u32 s26, $0x1;
	_ =	strace $0x80000049;
	[dreg:$0x1] =	wrdreg $0xFFFFFFFF  }
0xa7: {  	s28 =	simm.s32 $_size_execute0_lowered;
	s3 =	sadd.s32 s3, s5;
	[dreg:$0x0] =	wrdreg $0x0  }
0xa8: {  	s5 =	sshll.u32 s28, $0x1;
	[dreg:$0x2] =	wrdreg s3  }
0xa9: {  	[dreg:$0x3] =	wrdreg s5  }
0xaa: {  	[dreg:$0x4] =	wrdreg $0xC0  }
0xab: {  	_ =	task [dreg:s7], $0x5FFFF  }
0xac: {  	[dreg:$0x1] =	wrdreg $0xFFFFFFFF  }
0xad: {  	[dreg:$0x0] =	wrdreg $0x60  }
0xae: {  	[dreg:$0x2] =	wrdreg s24  }
0xaf: {  	[dreg:$0x3] =	wrdreg s2  }
0xb0: {  	[dreg:$0x4] =	wrdreg $0x9  }
0xb1: {  	_ =	task.clear_ibuf [dreg:s7], $0x5FFFF;
	_ =	strace $0x90000049  }
0xb2: {  	s29 =	simm.s32 $0x9;
	_ =	strace $0x8000004B  }
0xb3: {  	_ =	swait.ge [sflag:s29], $0x1  }
0xb4: {  	[sflag:s29] =	ssyncadd.s32 $0xFFFFFFFF  }
0xb5: {  	_ =	strace $0x9000004B  }
0xb6: {  	_ =	sfence  }
0xb7: {  	s30 =	sld [smem:$0x0];
	_ =	sdelay $0x2  }
0xb8: {  	s31 =	sshll.u32 s1, $0xD;
	s1 =	sshrl.u32 s1, $0x2  }
0xb9: {  	s3 =	sand.u32 $0x4000, s31;
	s1 =	sadd.s32 s1, s30  }
0xba: {  	s0 =	sor.u32 s3, s0;
	s1 =	sshll.u32 s1, $0x11  }
0xbb: {  	s0 =	sor.u32 s1, s0  }
0xbc: {  	s0 =	sadd.s32 $0x8F2B, s0  }
0xbd: {  	[sflag:s0] =	ssyncadd.remote.s32 $0x1  }
0xbe: {  	_ =	sfence.sel $0xFFFF  }
0xbf: {  	[dreg:$0x0] =	wrdreg $0xFFFFFFFF;
	(pc) =	sbr.abs _section_cstart, $3  }
0xc0: {  	[dreg:$0x1] =	wrdreg $0xFFFFFFFF  }
0xc1: {  	_ =	task.clear_ibuf [dreg:s7], $0x2FFFF;
	_ =	strace $0x9FFFFFFF  }
0xc2: {  	(tm) =	ssettm $0x7FFFFFFF  }
0xc3: {  	_ =	shalt  }
tec
execute0_lowered:
.L_overlay_start_1:
0x0: {  	(tag) =	ssettag $0x1  }
0x1: {  	s1 =	rddreg [dreg:$0x0]  }
0x2: {  	s2 =	rddreg [dreg:$0x1];
	s3 =	simm.s32 $0x0;
	s0 =	srdreg.scid  }
0x3: {  	s7 =	stileid.u32;
	s17 =	simm.s32 $0x400;
	s19 =	simm.s32 $0x1  }
0x4: {  	s11 =	simm.s32 $0x8C00;
	s13 =	simm.s32 $0x2;
	s14 =	simm.s32 $0x3  }
0x5: {  	s15 =	simm.s32 $0xB000;
	s18 =	simm.s32 $0x5;
	s20 =	simm.s32 $0x4  }
0x6: {  	s21 =	simm.s32 $0x6;
	s22 =	simm.s32 $0x0;
	[smem:$0x7FF] =	sst s3  }
0x7: {  	s5 =	sadd.s32 $0x23D400, s1;
	s0 =	sand.u32 $0x1, s0;
	s6 =	sadd.s32 $0x21EA00, s1  }
0x8: {  	s8 =	sshll.u32 s7, $0x1;
	s7 =	sadd.s32 $0x200000, s1;
	s4 =	ssub.s32 $0x2, s0  }
0x9: {  	_ =	strace $0x8000004A;
	s0 =	sor.u32 s0, s8;
	s9 =	sshrl.u32 s4, $0x1  }
0xa: {  	s8 =	sshll.u32 s0, $0xA;
	s0 =	sshll.u32 s0, $0x7;
	s4 =	ssub.s32 s4, s9  }
0xb: {  	s26 =	sadd.s32 s5, s0;
	s28 =	sadd.s32 s6, s0;
	s29 =	smin.u32 s8, $0x3E40  }
0xc: {  	s10 =	sadd.s32 s7, s0;
	s0 =	sadd.s32 s0, s2;
	[dreg:$0x3] =	wrdreg s26  }
0xd: {  	s12 =	sor.u32 $0x10000, s8;
	s16 =	sor.u32 $0xFFFF8000, s8;
	[dreg:$0x4] =	wrdreg s28  }
0xe: {  	[dreg:$0x5] =	wrdreg s10;
	s9 =	sshrl.u32 s29, $0x3;
	s0 =	sadd.s32 $0x1D000, s0  }
0xf: {  	s31 =	smax.u32 s4, $0x1;
	[dreg:$0x6] =	wrdreg s0;
	s30 =	sadd.s32 s9, s2  }
0x10: {  	s4 =	simm.s32 $0x3000;
	[dreg:$0x8] =	wrdreg s31;
	s0 =	sadd.s32 $0x1E000, s30  }
0x11: {  	s10 =	simm.s32 $0x3400;
	s9 =	simm.s32 $0x8800;
	[dreg:$0x7] =	wrdreg s0  }
.LBB2_1:
0x12: {  	[dreg:$0x9] =	wrdreg s22  }
0x13: {  	s0 =	rddreg [dreg:$0x3]  }
0x14: {  	[tilespmem:s3], [sflag:$0x1] =	stream.linear.gather [hbm4b:s0+s3], $0x400, $0x38;
	[tilespmem:$0xB400] =	vst v63  }
0x15: {  	s29 =	rddreg [dreg:$0x4]  }
0x16: {  	[tilespmem:s17], [sflag:$0x1] =	stream.linear.gather [hbm4b:s29+s3], $0x400, $0x38;
	[tilespmem:$0xB400] =	vst v63  }
0x17: {  	s30 =	rddreg [dreg:$0x5];
	s31 =	simm.s32 $0x800;
	s22 =	simm.s32 $0x0  }
0x18: {  	[tilespmem:s31], [sflag:$0x1] =	stream.linear.gather [hbm4b:s30+s3], $0x400, $0x38;
	[tilespmem:$0xB400] =	vst v63  }
.LBB2_2:
0x19: {  	_ =	swait.ge [sflag:s19], $0x400  }
0x1a: {  	[sflag:s19] =	ssyncset.done $0x0  }
0x1b: {  	[sflag:s19] =	ssyncadd.s32 $0xFFFFFC00  }
0x1c: {  	_ =	swait.ge [sflag:s19], $0x400  }
0x1d: {  	[sflag:s19] =	ssyncset.done $0x0  }
0x1e: {  	[sflag:s19] =	ssyncadd.s32 $0xFFFFFC00  }
0x1f: {  	_ =	swait.ge [sflag:s19], $0x400  }
0x20: {  	[sflag:s19] =	ssyncset.done $0x0  }
0x21: {  	s23 =	simm.s32 $0x800;
	[sflag:s19] =	ssyncadd.s32 $0xFFFFFC00  }
0x22: {  	v0 =	vld [tilespmem:s23+$0x0]  }
0x23: {  	v1 =	vld [tilespmem:s23+$0xFFFFF800]  }
0x24: {  	v2 =	vld [tilespmem:s23+$0xFFFFFC00];
	_ =	sdelay $0x2  }
0x25: {  	v0 =	vmax.f32 v0, $0.0e+00  }
0x26: {  	v1 =	vmax.f32 v1, $0.0e+00;
	v0 =	vmin.f32 v0, $9.999989860e-01  }
0x27: {  	v2 =	vmax.f32 v2, $0.0e+00;
	v1 =	vmin.f32 v1, $9.999989860e-01;
	v0 =	vmul.f32 $2.560000000e+02, v0  }
0x28: {  	v2 =	vmin.f32 v2, $9.999989860e-01;
	v1 =	vmul.f32 $2.560000000e+02, v1  }
0x29: {  	v2 =	vmul.f32 $2.560000000e+02, v2;
	v0 =	vmax.f32 v0, $0.0e+00  }
0x2a: {  	v1 =	vmax.f32 v1, $0.0e+00;
	v5 =	vmin.f32 v0, $2.550000000e+02  }
0x2b: {  	v0 =	vmin.f32 v1, $2.550000000e+02;
	v1 =	vmax.f32 v2, $0.0e+00;
	v2 =	vtrunc.f32 v5  }
0x2c: {  	v3 =	vtrunc.f32 v0;
	v1 =	vmin.f32 v1, $2.550000000e+02;
	v4 =	vcvt.f32.s32 v2  }
0x2d: {  	v6 =	vcvt.f32.s32 v3;
	v2 =	vtrunc.f32 v1  }
0x2e: {  	v9 =	vcvt.f32.s32 v2;
	v2 =	vadd.s32 $0x1, v4;
	v10 =	vcvt.s32.f32 v4  }
0x2f: {  	v3 =	vadd.s32 $0x1, v6;
	v7 =	vshll.u32 v6, $0x10;
	vm0 =	vlt.s32 v2, $0xFF  }
0x30: {  	vm1 =	vlt.s32 v3, $0xFF;
	v8 =	vadd.s32 $0x1, v9;
	v11 =	vshll.u32 v9, $0x8  }
0x31: {  	v3 =	vnsel vm1, $0xFF, v3;
	vm15 =	vlt.s32 v8, $0xFF;
	v12 =	vadd.s32 v7, v11  }
0x32: {  	v13 =	vnsel vm0, $0xFF, v2;
	v8 =	vnsel vm15, $0xFF, v8;
	v2 =	vadd.s32 v4, v12  }
0x33: {  	s24 =	simm.s32 $0x1C00;
	v3 =	vshll.u32 v3, $0x10;
	v12 =	vadd.s32 v12, v13;
	v8 =	vshll.u32 v8, $0x8  }
0x34: {  	v5 =	vsub.f32 v5, v10;
	v11 =	vadd.s32 v11, v3;
	[tilespmem:s24+$0x0] =	vst v12;
	v7 =	vadd.s32 v7, v8  }
0x35: {  	s0 =	simm.s32 $0x0;
	[tilespmem:s24+$0xFFFFFC00] =	vst v2;
	v8 =	vadd.s32 v3, v8;
	v2 =	vadd.s32 v4, v11;
	v63 =	vadd.s32 v4, v7  }
0x36: {  	s30 =	sand.u32 $0x3F0, s0;
	v3 =	vadd.s32 v13, v11;
	v11 =	vadd.s32 v13, v7;
	v4 =	vadd.s32 v4, v8;
	[tilespmem:s24+$0x400] =	vst v63  }
0x37: {  	s26 =	simm.s32 $0x5C00;
	s28 =	simm.s32 $0x10;
	s25 =	simm.s32 $0x5C00;
	v8 =	vadd.s32 v13, v8;
	v7 =	vcvt.s32.f32 v6;
	v6 =	vcvt.s32.f32 v9;
	[tilespmem:s30+$0x2400] =	vst v11  }
.LBB2_3:
0x38: {  	[tilespmem:s30+$0x3400] =	vst v8;
	s24 =	sadd.s32 $0x10, s24;
	s23 =	sadd.s32 $0x10, s23;
	s26 =	sadd.s32 $0x10, s26  }
0x39: {  	p0 =	sne.s32 s28, $0x3F0;
	s29 =	smov.u32 s28;
	s28 =	sadd.s32 $0x10, s28;
	v0 =	vsub.f32 v0, v7;
	v1 =	vsub.f32 v1, v6;
	[tilespmem:s30+$0x2C00] =	vst v3  }
0x3a: {  	[tilespmem:s30+$0x3000] =	vst v4  }
0x3b: {  	[tilespmem:s30+$0x2800] =	vst v2  }
0x3c: {  	[tilespmem:s25+$0xFFFFFC00] =	vst v0  }
0x3d: {  	[tilespmem:s25+$0x400] =	vst v5  }
0x3e: {  	[tilespmem:s25+$0x0] =	vst v1;
	s25 =	smov.u32 s26  }
0x3f: {  	v0 =	vld [tilespmem:s23+$0x0]  }
0x40: {  	v1 =	vld [tilespmem:s23+$0xFFFFF800]  }
0x41: {  	v2 =	vld [tilespmem:s23+$0xFFFFFC00];
	_ =	sdelay $0x2  }
0x42: {  	v0 =	vmax.f32 v0, $0.0e+00  }
0x43: {  	v1 =	vmax.f32 v1, $0.0e+00;
	v0 =	vmin.f32 v0, $9.999989860e-01  }
0x44: {  	v1 =	vmin.f32 v1, $9.999989860e-01;
	v2 =	vmax.f32 v2, $0.0e+00;
	v0 =	vmul.f32 $2.560000000e+02, v0  }
0x45: {  	v1 =	vmul.f32 $2.560000000e+02, v1;
	v2 =	vmin.f32 v2, $9.999989860e-01  }
0x46: {  	v2 =	vmul.f32 $2.560000000e+02, v2;
	v0 =	vmax.f32 v0, $0.0e+00  }
0x47: {  	v1 =	vmax.f32 v1, $0.0e+00;
	v5 =	vmin.f32 v0, $2.550000000e+02  }
0x48: {  	v0 =	vmin.f32 v1, $2.550000000e+02;
	v1 =	vmax.f32 v2, $0.0e+00;
	v2 =	vtrunc.f32 v5  }
0x49: {  	v3 =	vtrunc.f32 v0;
	v1 =	vmin.f32 v1, $2.550000000e+02;
	v4 =	vcvt.f32.s32 v2  }
0x4a: {  	v6 =	vcvt.f32.s32 v3;
	v2 =	vtrunc.f32 v1  }
0x4b: {  	v9 =	vcvt.f32.s32 v2;
	v2 =	vadd.s32 $0x1, v4;
	v10 =	vcvt.s32.f32 v4  }
0x4c: {  	v3 =	vadd.s32 $0x1, v6;
	vm0 =	vlt.s32 v2, $0xFF;
	v7 =	vshll.u32 v6, $0x10  }
0x4d: {  	vm1 =	vlt.s32 v3, $0xFF;
	v8 =	vadd.s32 $0x1, v9;
	v11 =	vshll.u32 v9, $0x8  }
0x4e: {  	v3 =	vnsel vm1, $0xFF, v3;
	vm1 =	vlt.s32 v8, $0xFF;
	v12 =	vadd.s32 v7, v11  }
0x4f: {  	v13 =	vnsel vm0, $0xFF, v2;
	v8 =	vnsel vm1, $0xFF, v8;
	v2 =	vadd.s32 v4, v12  }
.Ltmp0:
0x50: {  	v3 =	vshll.u32 v3, $0x10;
	v12 =	vadd.s32 v12, v13;
	v8 =	vshll.u32 v8, $0x8;
	(pc) =	sbr.rel @p0 .LBB2_3-.Ltmp0, $4  }
0x51: {  	v11 =	vadd.s32 v11, v3;
	v7 =	vadd.s32 v7, v8;
	v8 =	vadd.s32 v3, v8;
	[tilespmem:s24+$0x0] =	vst v12  }
0x52: {  	v3 =	vadd.s32 v13, v11;
	[tilespmem:s24+$0xFFFFFC00] =	vst v2;
	v12 =	vadd.s32 v4, v7;
	v2 =	vadd.s32 v4, v11  }
0x53: {  	s30 =	sand.u32 $0x3F0, s29;
	v11 =	vadd.s32 v13, v7;
	v4 =	vadd.s32 v4, v8;
	v8 =	vadd.s32 v13, v8;
	[tilespmem:s24+$0x400] =	vst v12  }
0x54: {  	v5 =	vsub.f32 v5, v10;
	v7 =	vcvt.s32.f32 v6;
	v6 =	vcvt.s32.f32 v9;
	[tilespmem:s30+$0x2400] =	vst v11  }
0x55: {  	[tilespmem:s30+$0x3400] =	vst v8  }
0x56: {  	[tilespmem:s30+$0x2C00] =	vst v3  }
0x57: {  	[tilespmem:s30+$0x3000] =	vst v4  }
0x58: {  	[tilespmem:s30+$0x2800] =	vst v2;
	v0 =	vsub.f32 v0, v7  }
0x59: {  	v1 =	vsub.f32 v1, v6;
	[tilespmem:s25+$0x400] =	vst v5  }
0x5a: {  	[tilespmem:s25+$0xFFFFFC00] =	vst v0  }
0x5b: {  	s0 =	simm.s32 $0x1800;
	s23 =	simm.s32 $0x7000;
	[tilespmem:s25+$0x0] =	vst v1  }
0x5c: {  	[tilespmem:s23], [sflag:$0x3] =	stream.indirect.gather [hbm4b:s1+s17], $0x1, s0, s17, $0xb8;
	[tilespmem:$0xB400] =	vst v63  }
0x5d: {  	s24 =	simm.s32 $0x7400;
	s23 =	simm.s32 $0x1C00  }
0x5e: {  	[tilespmem:s24], [sflag:$0x3] =	stream.indirect.gather [hbm4b:s1+s17], $0x1, s23, s17, $0xb8;
	[tilespmem:$0xB400] =	vst v63  }
0x5f: {  	s26 =	simm.s32 $0x7800;
	s25 =	simm.s32 $0x2000  }
0x60: {  	[tilespmem:s26], [sflag:$0x3] =	stream.indirect.gather [hbm4b:s1+s17], $0x1, s25, s17, $0xb8;
	[tilespmem:$0xB400] =	vst v63  }
0x61: {  	s28 =	simm.s32 $0x2400;
	s29 =	simm.s32 $0x7C00  }
0x62: {  	[tilespmem:s29], [sflag:$0x3] =	stream.indirect.gather [hbm4b:s1+s17], $0x1, s28, s17, $0xb8;
	[tilespmem:$0xB400] =	vst v63  }
0x63: {  	s30 =	simm.s32 $0x2800;
	s31 =	simm.s32 $0x8000  }
0x64: {  	[tilespmem:s31], [sflag:$0x3] =	stream.indirect.gather [hbm4b:s1+s17], $0x1, s30, s17, $0xb8;
	[tilespmem:$0xB400] =	vst v63  }
0x65: {  	s24 =	simm.s32 $0x2C00;
	s25 =	simm.s32 $0x8400  }
0x66: {  	[tilespmem:s25], [sflag:$0x3] =	stream.indirect.gather [hbm4b:s1+s17], $0x1, s24, s17, $0xb8;
	[tilespmem:$0xB400] =	vst v63  }
0x67: {  	s24 =	sshll.u32 s22, $0x10  }
0x68: {  	s26 =	sor.u32 s8, s24  }
0x69: {  	[tilespmem:s9], [sflag:$0x3] =	stream.indirect.gather [hbm4b:s1+s17], $0x1, s4, s17, $0xb8;
	[tilespmem:$0xB400] =	vst v63  }
0x6a: {  	s23 =	sshrl.u32 s26, $0x3  }
0x6b: {  	s0 =	sor.u32 $0x1000, s23  }
0x6c: {  	[tilespmem:s11], [sflag:$0x3] =	stream.indirect.gather [hbm4b:s1+s17], $0x1, s10, s17, $0xb8;
	[tilespmem:$0xB400] =	vst v63  }
0x6d: {  	p0 =	seq.s32 s22, $0x0;
	s26 =	simm.s32 $0xC00;
	s28 =	sadd.s32 s5, s0  }
0x6e: {  	[tilespmem:s26], [sflag:$0x2] =	stream.linear.gather [hbm4b:s28+s3], $0x400, $0x38;
	[tilespmem:$0xB400] =	vst v63  }
.Ltmp1:
0x6f: {  	_ = 	snop;
	(pc) =	sbr.rel @p0 .LBB2_8-.Ltmp1, $4  }
0x70: {  	s30 =	simm.s32 $0x1000;
	s29 =	sadd.s32 s6, s0  }
0x71: {  	[tilespmem:s30], [sflag:$0x2] =	stream.linear.gather [hbm4b:s29+s3], $0x400, $0x38;
	[tilespmem:$0xB400] =	vst v63  }
0x72: {  	s31 =	simm.s32 $0x1400;
	s0 =	sadd.s32 s7, s0  }
0x73: {  	[tilespmem:s31], [sflag:$0x2] =	stream.linear.gather [hbm4b:s0+s3], $0x400, $0x38;
	[tilespmem:$0xB400] =	vst v63  }
0x74: {  	_ =	swait.ge [sflag:s20], $0x400  }
0x75: {  	[sflag:s20] =	ssyncset.done $0x0  }
0x76: {  	[sflag:s20] =	ssyncadd.s32 $0xFFFFFC00  }
0x77: {  	_ =	swait.ge [sflag:s20], $0x400  }
0x78: {  	[sflag:s20] =	ssyncset.done $0x0  }
0x79: {  	[sflag:s20] =	ssyncadd.s32 $0xFFFFFC00  }
0x7a: {  	_ =	swait.ge [sflag:s20], $0x400  }
0x7b: {  	[sflag:s20] =	ssyncset.done $0x0  }
0x7c: {  	[sflag:s20] =	ssyncadd.s32 $0xFFFFFC00  }
0x7d: {  	_ =	swait.ge [sflag:s20], $0x400  }
0x7e: {  	[sflag:s20] =	ssyncset.done $0x0  }
0x7f: {  	[sflag:s20] =	ssyncadd.s32 $0xFFFFFC00  }
0x80: {  	_ =	swait.ge [sflag:s20], $0x400  }
0x81: {  	[sflag:s20] =	ssyncset.done $0x0  }
0x82: {  	[sflag:s20] =	ssyncadd.s32 $0xFFFFFC00  }
0x83: {  	_ =	swait.ge [sflag:s20], $0x400  }
0x84: {  	[sflag:s20] =	ssyncset.done $0x0  }
0x85: {  	[sflag:s20] =	ssyncadd.s32 $0xFFFFFC00  }
0x86: {  	_ =	swait.ge [sflag:s20], $0x400  }
0x87: {  	[sflag:s20] =	ssyncset.done $0x0  }
0x88: {  	[sflag:s20] =	ssyncadd.s32 $0xFFFFFC00  }
0x89: {  	_ =	swait.ge [sflag:s20], $0x400  }
0x8a: {  	s0 =	simm.s32 $0x0;
	[sflag:s20] =	ssyncset.done $0x0  }
0x8b: {  	s0 =	sand.u32 $0x3F0, s0;
	[sflag:s20] =	ssyncadd.s32 $0xFFFFFC00  }
0x8c: {  	s25 =	simm.s32 $0x9400;
	v0 =	vld [tilespmem:s0+$0xA000]  }
0x8d: {  	v1 =	vld [tilespmem:s25+$0xFFFFFC00]  }
0x8e: {  	v2 =	vld [tilespmem:s25+$0x400]  }
0x8f: {  	v3 =	vld [tilespmem:s0+$0xA800]  }
0x90: {  	v4 =	vld [tilespmem:s25+$0x0]  }
0x91: {  	v5 =	vld [tilespmem:s0+$0xA400]  }
0x92: {  	v6 =	vld [tilespmem:s0+$0x9C00]  }
0x93: {  	s25 =	simm.s32 $0x6800;
	v7 =	vld [tilespmem:s0+$0xAC00]  }
0x94: {  	v8 =	vld [tilespmem:s25+$0xFFFFFC00];
	_ =	sdelay $0x2  }
0x95: {  	v0 =	vsub.f32 v0, v1;
	v5 =	vsub.f32 v5, v4  }
0x96: {  	v3 =	vsub.f32 v3, v2;
	v7 =	vsub.f32 v7, v6  }
0x97: {  	v0 =	vmul.f32 v8, v0;
	v5 =	vmul.f32 v8, v5  }
0x98: {  	v3 =	vmul.f32 v8, v3;
	v7 =	vmul.f32 v8, v7  }
0x99: {  	v8 =	vld [tilespmem:s25+$0x0];
	v0 =	vadd.f32 v0, v1;
	v1 =	vadd.f32 v5, v4  }
0x9a: {  	v2 =	vadd.f32 v3, v2;
	v3 =	vadd.f32 v7, v6;
	_ =	sdelay $0x1  }
0x9b: {  	v2 =	vsub.f32 v2, v0;
	v3 =	vsub.f32 v3, v1;
	_ =	sdelay $0x1  }
0x9c: {  	v2 =	vmul.f32 v2, v8;
	v3 =	vmul.f32 v3, v8  }
0x9d: {  	v4 =	vld [tilespmem:s25+$0x400]  }
0x9e: {  	v0 =	vadd.f32 v2, v0;
	v1 =	vadd.f32 v3, v1;
	_ =	sdelay $0x1  }
0x9f: {  	v1 =	vsub.f32 v1, v0;
	_ =	sdelay $0x1  }
0xa0: {  	v1 =	vmul.f32 v1, v4;
	_ =	sdelay $0x1  }
0xa1: {  	v0 =	vadd.f32 v1, v0  }
0xa2: {  	s26 =	simm.s32 $0xB000;
	s31 =	simm.s32 $0x10  }
0xa3: {  	s0 =	sand.u32 $0x3F0, s31;
	[tilespmem:s26+$0x0] =	vst v0  }
0xa4: {  	s28 =	simm.s32 $0x9410;
	v4 =	vld [tilespmem:s0+$0xA000]  }
0xa5: {  	v1 =	vld [tilespmem:s28+$0xFFFFFC00]  }
0xa6: {  	v0 =	vld [tilespmem:s28+$0x400]  }
0xa7: {  	v5 =	vld [tilespmem:s0+$0xA800]  }
0xa8: {  	v2 =	vld [tilespmem:s28+$0x0]  }
0xa9: {  	v6 =	vld [tilespmem:s0+$0xA400]  }
0xaa: {  	s29 =	simm.s32 $0x20;
	v3 =	vld [tilespmem:s0+$0x9C00]  }
.LBB2_6:
0xab: {  	p0 =	sne.s32 s29, $0x3F0;
	v7 =	vld [tilespmem:s0+$0xAC00];
	s25 =	sadd.s32 $0x10, s25  }
0xac: {  	v8 =	vld [tilespmem:s25+$0xFFFFFC00];
	_ =	sdelay $0x2  }
0xad: {  	v4 =	vsub.f32 v4, v1;
	v6 =	vsub.f32 v6, v2  }
0xae: {  	v5 =	vsub.f32 v5, v0;
	v7 =	vsub.f32 v7, v3  }
0xaf: {  	v4 =	vmul.f32 v8, v4;
	v6 =	vmul.f32 v8, v6  }
0xb0: {  	v5 =	vmul.f32 v8, v5;
	v7 =	vmul.f32 v8, v7  }
0xb1: {  	v8 =	vld [tilespmem:s25+$0x0];
	v1 =	vadd.f32 v4, v1;
	v2 =	vadd.f32 v6, v2  }
0xb2: {  	v0 =	vadd.f32 v5, v0;
	v3 =	vadd.f32 v7, v3;
	_ =	sdelay $0x1  }
0xb3: {  	v0 =	vsub.f32 v0, v1;
	v3 =	vsub.f32 v3, v2;
	_ =	sdelay $0x1  }
0xb4: {  	v0 =	vmul.f32 v0, v8;
	v3 =	vmul.f32 v3, v8  }
0xb5: {  	v4 =	vld [tilespmem:s25+$0x400]  }
0xb6: {  	v0 =	vadd.f32 v0, v1;
	v1 =	vadd.f32 v3, v2;
	_ =	sdelay $0x1  }
0xb7: {  	v1 =	vsub.f32 v1, v0;
	_ =	sdelay $0x1  }
0xb8: {  	v1 =	vmul.f32 v1, v4;
	_ =	sdelay $0x1  }
0xb9: {  	v0 =	vadd.f32 v1, v0  }
0xba: {  	s26 =	sadd.s32 $0x10, s26  }
0xbb: {  	s0 =	sand.u32 $0x3F0, s29;
	[tilespmem:s26+$0x0] =	vst v0  }
0xbc: {  	s28 =	sadd.s32 $0x10, s28;
	v4 =	vld [tilespmem:s0+$0xA000]  }
0xbd: {  	v1 =	vld [tilespmem:s28+$0xFFFFFC00]  }
.Ltmp2:
0xbe: {  	v0 =	vld [tilespmem:s28+$0x400];
	(pc) =	sbr.rel @p0 .LBB2_6-.Ltmp2, $4  }
0xbf: {  	v5 =	vld [tilespmem:s0+$0xA800]  }
0xc0: {  	v2 =	vld [tilespmem:s28+$0x0]  }
0xc1: {  	v6 =	vld [tilespmem:s0+$0xA400]  }
0xc2: {  	s29 =	sadd.s32 $0x10, s29;
	v3 =	vld [tilespmem:s0+$0x9C00]  }
0xc3: {  	v7 =	vld [tilespmem:s0+$0xAC00];
	s29 =	sadd.s32 $0x10, s25  }
0xc4: {  	v8 =	vld [tilespmem:s29+$0xFFFFFC00];
	_ =	sdelay $0x2  }
0xc5: {  	v4 =	vsub.f32 v4, v1;
	v6 =	vsub.f32 v6, v2  }
0xc6: {  	v5 =	vsub.f32 v5, v0;
	v7 =	vsub.f32 v7, v3  }
0xc7: {  	v4 =	vmul.f32 v8, v4;
	v6 =	vmul.f32 v8, v6  }
0xc8: {  	v5 =	vmul.f32 v8, v5;
	v7 =	vmul.f32 v8, v7  }
0xc9: {  	v57 =	vld [tilespmem:s29+$0x0];
	v58 =	vadd.f32 v4, v1;
	v59 =	vadd.f32 v6, v2  }
0xca: {  	v60 =	vadd.f32 v5, v0;
	v61 =	vadd.f32 v7, v3;
	_ =	sdelay $0x1  }
0xcb: {  	v0 =	vsub.f32 v60, v58;
	v3 =	vsub.f32 v61, v59;
	_ =	sdelay $0x1  }
0xcc: {  	v0 =	vmul.f32 v0, v57;
	v3 =	vmul.f32 v3, v57  }
0xcd: {  	v62 =	vld [tilespmem:s29+$0x400]  }
0xce: {  	v0 =	vadd.f32 v0, v58;
	v63 =	vadd.f32 v3, v59;
	_ =	sdelay $0x1  }
0xcf: {  	v1 =	vsub.f32 v63, v0;
	_ =	sdelay $0x1  }
0xd0: {  	v1 =	vmul.f32 v1, v62;
	_ =	sdelay $0x1  }
0xd1: {  	s30 =	sadd.s32 s16, s24;
	v0 =	vadd.f32 v1, v0  }
0xd2: {  	s31 =	sadd.s32 $0x10, s26;
	s0 =	sshrl.u32 s30, $0x3  }
0xd3: {  	s0 =	sadd.s32 s2, s0;
	[tilespmem:s31+$0x0] =	vst v0  }
0xd4: {  	[hbm4b:s0+s3] =	stream.linear.scatter [tilespmem:s15], [sflag:$0x6], $0x400, $0x38;
	[tilespmem:$0xB400] =	vst v63  }
0xd5: {  	_ =	swait.ge [sflag:s21], $0x400  }
0xd6: {  	[sflag:s21] =	ssyncset.done $0x0  }
0xd7: {  	[sflag:s21] =	ssyncadd.s32 $0xFFFFFC00  }
.LBB2_8:
0xd8: {  	_ =	swait.ge [sflag:s13], $0x400  }
0xd9: {  	[sflag:s13] =	ssyncset.done $0x0  }
0xda: {  	[sflag:s13] =	ssyncadd.s32 $0xFFFFFC00  }
0xdb: {  	_ =	swait.ge [sflag:s13], $0x400  }
0xdc: {  	[sflag:s13] =	ssyncset.done $0x0  }
0xdd: {  	[sflag:s13] =	ssyncadd.s32 $0xFFFFFC00  }
0xde: {  	_ =	swait.ge [sflag:s13], $0x400  }
0xdf: {  	[sflag:s13] =	ssyncset.done $0x0  }
0xe0: {  	s25 =	simm.s32 $0x1400;
	[sflag:s13] =	ssyncadd.s32 $0xFFFFFC00  }
0xe1: {  	v0 =	vld [tilespmem:s25+$0x0]  }
0xe2: {  	v1 =	vld [tilespmem:s25+$0xFFFFF800]  }
0xe3: {  	v2 =	vld [tilespmem:s25+$0xFFFFFC00];
	_ =	sdelay $0x2  }
0xe4: {  	v0 =	vmax.f32 v0, $0.0e+00  }
0xe5: {  	v1 =	vmax.f32 v1, $0.0e+00;
	v0 =	vmin.f32 v0, $9.999989860e-01  }
0xe6: {  	v2 =	vmax.f32 v2, $0.0e+00;
	v1 =	vmin.f32 v1, $9.999989860e-01;
	v0 =	vmul.f32 $2.560000000e+02, v0  }
0xe7: {  	v2 =	vmin.f32 v2, $9.999989860e-01;
	v1 =	vmul.f32 $2.560000000e+02, v1  }
0xe8: {  	v2 =	vmul.f32 $2.560000000e+02, v2;
	v0 =	vmax.f32 v0, $0.0e+00  }
0xe9: {  	v1 =	vmax.f32 v1, $0.0e+00;
	v5 =	vmin.f32 v0, $2.550000000e+02  }
0xea: {  	v0 =	vmin.f32 v1, $2.550000000e+02;
	v1 =	vmax.f32 v2, $0.0e+00;
	v2 =	vtrunc.f32 v5  }
0xeb: {  	v3 =	vtrunc.f32 v0;
	v1 =	vmin.f32 v1, $2.550000000e+02;
	v4 =	vcvt.f32.s32 v2  }
0xec: {  	v6 =	vcvt.f32.s32 v3;
	v2 =	vtrunc.f32 v1  }
0xed: {  	v9 =	vcvt.f32.s32 v2;
	v2 =	vadd.s32 $0x1, v4;
	v10 =	vcvt.s32.f32 v4  }
0xee: {  	v3 =	vadd.s32 $0x1, v6;
	v7 =	vshll.u32 v6, $0x10;
	vm0 =	vlt.s32 v2, $0xFF  }
0xef: {  	vm1 =	vlt.s32 v3, $0xFF;
	v8 =	vadd.s32 $0x1, v9;
	v11 =	vshll.u32 v9, $0x8  }
0xf0: {  	v3 =	vnsel vm1, $0xFF, v3;
	vm15 =	vlt.s32 v8, $0xFF;
	v12 =	vadd.s32 v7, v11  }
0xf1: {  	v13 =	vnsel vm0, $0xFF, v2;
	v8 =	vnsel vm15, $0xFF, v8;
	v2 =	vadd.s32 v4, v12  }
0xf2: {  	s26 =	simm.s32 $0x3C00;
	v3 =	vshll.u32 v3, $0x10;
	v12 =	vadd.s32 v12, v13;
	v8 =	vshll.u32 v8, $0x8  }
0xf3: {  	v5 =	vsub.f32 v5, v10;
	v11 =	vadd.s32 v11, v3;
	[tilespmem:s26+$0x0] =	vst v12;
	v7 =	vadd.s32 v7, v8  }
0xf4: {  	s0 =	simm.s32 $0x0;
	[tilespmem:s26+$0xFFFFFC00] =	vst v2;
	v8 =	vadd.s32 v3, v8;
	v2 =	vadd.s32 v4, v11;
	v63 =	vadd.s32 v4, v7  }
0xf5: {  	s0 =	sand.u32 $0x3F0, s0;
	v3 =	vadd.s32 v13, v11;
	v11 =	vadd.s32 v13, v7;
	v4 =	vadd.s32 v4, v8;
	[tilespmem:s26+$0x400] =	vst v63  }
0xf6: {  	s29 =	simm.s32 $0x6800;
	s30 =	simm.s32 $0x10;
	s28 =	simm.s32 $0x6800;
	v8 =	vadd.s32 v13, v8;
	v7 =	vcvt.s32.f32 v6;
	v6 =	vcvt.s32.f32 v9;
	[tilespmem:s0+$0x4400] =	vst v11  }
.LBB2_9:
0xf7: {  	[tilespmem:s0+$0x5400] =	vst v8;
	s26 =	sadd.s32 $0x10, s26;
	s25 =	sadd.s32 $0x10, s25;
	s29 =	sadd.s32 $0x10, s29  }
0xf8: {  	p0 =	sne.s32 s30, $0x3F0;
	s31 =	smov.u32 s30;
	s30 =	sadd.s32 $0x10, s30;
	v0 =	vsub.f32 v0, v7;
	v1 =	vsub.f32 v1, v6;
	[tilespmem:s0+$0x4C00] =	vst v3  }
0xf9: {  	[tilespmem:s0+$0x5000] =	vst v4  }
0xfa: {  	[tilespmem:s0+$0x4800] =	vst v2  }
0xfb: {  	[tilespmem:s28+$0xFFFFFC00] =	vst v0  }
0xfc: {  	[tilespmem:s28+$0x400] =	vst v5  }
0xfd: {  	[tilespmem:s28+$0x0] =	vst v1;
	s28 =	smov.u32 s29  }
0xfe: {  	v0 =	vld [tilespmem:s25+$0x0]  }
0xff: {  	v1 =	vld [tilespmem:s25+$0xFFFFF800]  }
0x100: {  	v2 =	vld [tilespmem:s25+$0xFFFFFC00];
	_ =	sdelay $0x2  }
0x101: {  	v0 =	vmax.f32 v0, $0.0e+00  }
0x102: {  	v1 =	vmax.f32 v1, $0.0e+00;
	v0 =	vmin.f32 v0, $9.999989860e-01  }
0x103: {  	v1 =	vmin.f32 v1, $9.999989860e-01;
	v2 =	vmax.f32 v2, $0.0e+00;
	v0 =	vmul.f32 $2.560000000e+02, v0  }
0x104: {  	v1 =	vmul.f32 $2.560000000e+02, v1;
	v2 =	vmin.f32 v2, $9.999989860e-01  }
0x105: {  	v2 =	vmul.f32 $2.560000000e+02, v2;
	v0 =	vmax.f32 v0, $0.0e+00  }
0x106: {  	v1 =	vmax.f32 v1, $0.0e+00;
	v5 =	vmin.f32 v0, $2.550000000e+02  }
0x107: {  	v0 =	vmin.f32 v1, $2.550000000e+02;
	v1 =	vmax.f32 v2, $0.0e+00;
	v2 =	vtrunc.f32 v5  }
0x108: {  	v3 =	vtrunc.f32 v0;
	v1 =	vmin.f32 v1, $2.550000000e+02;
	v4 =	vcvt.f32.s32 v2  }
0x109: {  	v6 =	vcvt.f32.s32 v3;
	v2 =	vtrunc.f32 v1  }
0x10a: {  	v9 =	vcvt.f32.s32 v2;
	v2 =	vadd.s32 $0x1, v4;
	v10 =	vcvt.s32.f32 v4  }
0x10b: {  	v3 =	vadd.s32 $0x1, v6;
	vm0 =	vlt.s32 v2, $0xFF;
	v7 =	vshll.u32 v6, $0x10  }
0x10c: {  	vm1 =	vlt.s32 v3, $0xFF;
	v8 =	vadd.s32 $0x1, v9;
	v11 =	vshll.u32 v9, $0x8  }
0x10d: {  	v3 =	vnsel vm1, $0xFF, v3;
	vm1 =	vlt.s32 v8, $0xFF;
	v12 =	vadd.s32 v7, v11  }
0x10e: {  	v13 =	vnsel vm0, $0xFF, v2;
	v8 =	vnsel vm1, $0xFF, v8;
	v2 =	vadd.s32 v4, v12  }
.Ltmp3:
0x10f: {  	v3 =	vshll.u32 v3, $0x10;
	v12 =	vadd.s32 v12, v13;
	v8 =	vshll.u32 v8, $0x8;
	(pc) =	sbr.rel @p0 .LBB2_9-.Ltmp3, $4  }
0x110: {  	v11 =	vadd.s32 v11, v3;
	v7 =	vadd.s32 v7, v8;
	v8 =	vadd.s32 v3, v8;
	[tilespmem:s26+$0x0] =	vst v12  }
0x111: {  	v3 =	vadd.s32 v13, v11;
	[tilespmem:s26+$0xFFFFFC00] =	vst v2;
	v12 =	vadd.s32 v4, v7;
	v2 =	vadd.s32 v4, v11  }
0x112: {  	s0 =	sand.u32 $0x3F0, s31;
	v11 =	vadd.s32 v13, v7;
	v4 =	vadd.s32 v4, v8;
	v8 =	vadd.s32 v13, v8;
	[tilespmem:s26+$0x400] =	vst v12  }
0x113: {  	v5 =	vsub.f32 v5, v10;
	v7 =	vcvt.s32.f32 v6;
	v6 =	vcvt.s32.f32 v9;
	[tilespmem:s0+$0x4400] =	vst v11  }
0x114: {  	[tilespmem:s0+$0x5400] =	vst v8  }
0x115: {  	[tilespmem:s0+$0x4C00] =	vst v3  }
0x116: {  	[tilespmem:s0+$0x5000] =	vst v4  }
0x117: {  	[tilespmem:s0+$0x4800] =	vst v2;
	v0 =	vsub.f32 v0, v7  }
0x118: {  	v1 =	vsub.f32 v1, v6;
	[tilespmem:s28+$0x400] =	vst v5  }
0x119: {  	[tilespmem:s28+$0xFFFFFC00] =	vst v0  }
0x11a: {  	s31 =	simm.s32 $0x3800;
	s25 =	simm.s32 $0x9000;
	[tilespmem:s28+$0x0] =	vst v1  }
0x11b: {  	[tilespmem:s25], [sflag:$0x4] =	stream.indirect.gather [hbm4b:s1+s17], $0x1, s31, s17, $0xb8;
	[tilespmem:$0xB400] =	vst v63  }
0x11c: {  	s26 =	simm.s32 $0x3C00;
	s29 =	simm.s32 $0x9400  }
0x11d: {  	[tilespmem:s29], [sflag:$0x4] =	stream.indirect.gather [hbm4b:s1+s17], $0x1, s26, s17, $0xb8;
	[tilespmem:$0xB400] =	vst v63  }
0x11e: {  	s30 =	simm.s32 $0x4000;
	s31 =	simm.s32 $0x9800  }
0x11f: {  	[tilespmem:s31], [sflag:$0x4] =	stream.indirect.gather [hbm4b:s1+s17], $0x1, s30, s17, $0xb8;
	[tilespmem:$0xB400] =	vst v63  }
0x120: {  	s26 =	simm.s32 $0x4400;
	s29 =	simm.s32 $0x9C00  }
0x121: {  	[tilespmem:s29], [sflag:$0x4] =	stream.indirect.gather [hbm4b:s1+s17], $0x1, s26, s17, $0xb8;
	[tilespmem:$0xB400] =	vst v63  }
0x122: {  	s0 =	sadd.s32 s12, s24;
	s30 =	simm.s32 $0x4800;
	s31 =	simm.s32 $0xA000  }
0x123: {  	[tilespmem:s31], [sflag:$0x4] =	stream.indirect.gather [hbm4b:s1+s17], $0x1, s30, s17, $0xb8;
	[tilespmem:$0xB400] =	vst v63  }
0x124: {  	p0 =	slt.s32 s0, $0xF3E40;
	s26 =	simm.s32 $0x4C00;
	s29 =	simm.s32 $0xA400  }
0x125: {  	[tilespmem:s29], [sflag:$0x4] =	stream.indirect.gather [hbm4b:s1+s17], $0x1, s26, s17, $0xb8;
	[tilespmem:$0xB400] =	vst v63  }
0x126: {  	s0 =	simm.s32 @!p0 $0xF3E40;
	s30 =	simm.s32 $0x5000;
	s31 =	simm.s32 $0xA800  }
0x127: {  	[tilespmem:s31], [sflag:$0x4] =	stream.indirect.gather [hbm4b:s1+s17], $0x1, s30, s17, $0xb8;
	[tilespmem:$0xB400] =	vst v63  }
0x128: {  	s0 =	sshrl.u32 s0, $0x3;
	s25 =	simm.s32 $0x5400;
	s26 =	simm.s32 $0xAC00  }
0x129: {  	[tilespmem:s26], [sflag:$0x4] =	stream.indirect.gather [hbm4b:s1+s17], $0x1, s25, s17, $0xb8;
	[tilespmem:$0xB400] =	vst v63  }
0x12a: {  	s29 =	sadd.s32 s5, s0;
	s30 =	simm.s32 $0x0  }
0x12b: {  	[tilespmem:s30], [sflag:$0x1] =	stream.linear.gather [hbm4b:s29+s30], $0x400, $0x38;
	[tilespmem:$0xB400] =	vst v63  }
0x12c: {  	s31 =	sadd.s32 s6, s0  }
0x12d: {  	[tilespmem:s17], [sflag:$0x1] =	stream.linear.gather [hbm4b:s31+s30], $0x400, $0x38;
	[tilespmem:$0xB400] =	vst v63  }
0x12e: {  	s0 =	sadd.s32 s7, s0;
	s26 =	simm.s32 $0x800  }
0x12f: {  	[tilespmem:s26], [sflag:$0x1] =	stream.linear.gather [hbm4b:s0+s30], $0x400, $0x38;
	[tilespmem:$0xB400] =	vst v63  }
0x130: {  	_ =	swait.ge [sflag:s14], $0x400  }
0x131: {  	[sflag:s14] =	ssyncset.done $0x0  }
0x132: {  	[sflag:s14] =	ssyncadd.s32 $0xFFFFFC00  }
0x133: {  	_ =	swait.ge [sflag:s14], $0x400  }
0x134: {  	[sflag:s14] =	ssyncset.done $0x0  }
0x135: {  	[sflag:s14] =	ssyncadd.s32 $0xFFFFFC00  }
0x136: {  	_ =	swait.ge [sflag:s14], $0x400  }
0x137: {  	[sflag:s14] =	ssyncset.done $0x0  }
0x138: {  	[sflag:s14] =	ssyncadd.s32 $0xFFFFFC00  }
0x139: {  	_ =	swait.ge [sflag:s14], $0x400  }
0x13a: {  	[sflag:s14] =	ssyncset.done $0x0  }
0x13b: {  	[sflag:s14] =	ssyncadd.s32 $0xFFFFFC00  }
0x13c: {  	_ =	swait.ge [sflag:s14], $0x400  }
0x13d: {  	[sflag:s14] =	ssyncset.done $0x0  }
0x13e: {  	[sflag:s14] =	ssyncadd.s32 $0xFFFFFC00  }
0x13f: {  	_ =	swait.ge [sflag:s14], $0x400  }
0x140: {  	[sflag:s14] =	ssyncset.done $0x0  }
0x141: {  	[sflag:s14] =	ssyncadd.s32 $0xFFFFFC00  }
0x142: {  	_ =	swait.ge [sflag:s14], $0x400  }
0x143: {  	[sflag:s14] =	ssyncset.done $0x0  }
0x144: {  	[sflag:s14] =	ssyncadd.s32 $0xFFFFFC00  }
0x145: {  	_ =	swait.ge [sflag:s14], $0x400  }
0x146: {  	[sflag:s14] =	ssyncset.done $0x0  }
0x147: {  	s29 =	sand.u32 $0x3F0, s30;
	[sflag:s14] =	ssyncadd.s32 $0xFFFFFC00  }
0x148: {  	s30 =	simm.s32 $0x7400;
	v0 =	vld [tilespmem:s29+$0x8000]  }
0x149: {  	v1 =	vld [tilespmem:s30+$0xFFFFFC00]  }
0x14a: {  	v2 =	vld [tilespmem:s30+$0x400]  }
0x14b: {  	v3 =	vld [tilespmem:s29+$0x8800]  }
0x14c: {  	v4 =	vld [tilespmem:s30+$0x0]  }
0x14d: {  	v5 =	vld [tilespmem:s29+$0x8400]  }
0x14e: {  	v6 =	vld [tilespmem:s29+$0x7C00]  }
0x14f: {  	s24 =	simm.s32 $0x5C00;
	v7 =	vld [tilespmem:s29+$0x8C00]  }
0x150: {  	v8 =	vld [tilespmem:s24+$0xFFFFFC00];
	_ =	sdelay $0x2  }
0x151: {  	v0 =	vsub.f32 v0, v1;
	v5 =	vsub.f32 v5, v4  }
0x152: {  	v3 =	vsub.f32 v3, v2;
	v7 =	vsub.f32 v7, v6  }
0x153: {  	v0 =	vmul.f32 v8, v0;
	v5 =	vmul.f32 v8, v5  }
0x154: {  	v3 =	vmul.f32 v8, v3;
	v7 =	vmul.f32 v8, v7  }
0x155: {  	v8 =	vld [tilespmem:s24+$0x0];
	v0 =	vadd.f32 v0, v1;
	v1 =	vadd.f32 v5, v4  }
0x156: {  	v2 =	vadd.f32 v3, v2;
	v3 =	vadd.f32 v7, v6;
	_ =	sdelay $0x1  }
0x157: {  	v2 =	vsub.f32 v2, v0;
	v3 =	vsub.f32 v3, v1;
	_ =	sdelay $0x1  }
0x158: {  	v2 =	vmul.f32 v2, v8;
	v3 =	vmul.f32 v3, v8  }
0x159: {  	v4 =	vld [tilespmem:s24+$0x400]  }
0x15a: {  	v0 =	vadd.f32 v2, v0;
	v1 =	vadd.f32 v3, v1;
	_ =	sdelay $0x1  }
0x15b: {  	v1 =	vsub.f32 v1, v0;
	_ =	sdelay $0x1  }
0x15c: {  	v1 =	vmul.f32 v1, v4;
	_ =	sdelay $0x1  }
0x15d: {  	v0 =	vadd.f32 v1, v0  }
0x15e: {  	s25 =	simm.s32 $0xB000;
	s31 =	simm.s32 $0x10  }
0x15f: {  	s0 =	sand.u32 $0x3F0, s31;
	[tilespmem:s25+$0x0] =	vst v0  }
0x160: {  	s26 =	simm.s32 $0x7410;
	v4 =	vld [tilespmem:s0+$0x8000]  }
0x161: {  	v1 =	vld [tilespmem:s26+$0xFFFFFC00]  }
0x162: {  	v0 =	vld [tilespmem:s26+$0x400]  }
0x163: {  	v5 =	vld [tilespmem:s0+$0x8800]  }
0x164: {  	v2 =	vld [tilespmem:s26+$0x0]  }
0x165: {  	v6 =	vld [tilespmem:s0+$0x8400]  }
0x166: {  	s28 =	simm.s32 $0x20;
	v3 =	vld [tilespmem:s0+$0x7C00]  }
.LBB2_11:
0x167: {  	p0 =	sne.s32 s28, $0x3F0;
	v7 =	vld [tilespmem:s0+$0x8C00];
	s24 =	sadd.s32 $0x10, s24  }
0x168: {  	v8 =	vld [tilespmem:s24+$0xFFFFFC00];
	_ =	sdelay $0x2  }
0x169: {  	v4 =	vsub.f32 v4, v1;
	v6 =	vsub.f32 v6, v2  }
0x16a: {  	v5 =	vsub.f32 v5, v0;
	v7 =	vsub.f32 v7, v3  }
0x16b: {  	v4 =	vmul.f32 v8, v4;
	v6 =	vmul.f32 v8, v6  }
0x16c: {  	v5 =	vmul.f32 v8, v5;
	v7 =	vmul.f32 v8, v7  }
0x16d: {  	v8 =	vld [tilespmem:s24+$0x0];
	v1 =	vadd.f32 v4, v1;
	v2 =	vadd.f32 v6, v2  }
0x16e: {  	v0 =	vadd.f32 v5, v0;
	v3 =	vadd.f32 v7, v3;
	_ =	sdelay $0x1  }
0x16f: {  	v0 =	vsub.f32 v0, v1;
	v3 =	vsub.f32 v3, v2;
	_ =	sdelay $0x1  }
0x170: {  	v0 =	vmul.f32 v0, v8;
	v3 =	vmul.f32 v3, v8  }
0x171: {  	v4 =	vld [tilespmem:s24+$0x400]  }
0x172: {  	v0 =	vadd.f32 v0, v1;
	v1 =	vadd.f32 v3, v2;
	_ =	sdelay $0x1  }
0x173: {  	v1 =	vsub.f32 v1, v0;
	_ =	sdelay $0x1  }
0x174: {  	v1 =	vmul.f32 v1, v4;
	_ =	sdelay $0x1  }
0x175: {  	v0 =	vadd.f32 v1, v0  }
0x176: {  	s25 =	sadd.s32 $0x10, s25  }
0x177: {  	s0 =	sand.u32 $0x3F0, s28;
	[tilespmem:s25+$0x0] =	vst v0  }
0x178: {  	s26 =	sadd.s32 $0x10, s26;
	v4 =	vld [tilespmem:s0+$0x8000]  }
0x179: {  	v1 =	vld [tilespmem:s26+$0xFFFFFC00]  }
.Ltmp4:
0x17a: {  	v0 =	vld [tilespmem:s26+$0x400];
	(pc) =	sbr.rel @p0 .LBB2_11-.Ltmp4, $4  }
0x17b: {  	v5 =	vld [tilespmem:s0+$0x8800]  }
0x17c: {  	v2 =	vld [tilespmem:s26+$0x0]  }
0x17d: {  	v6 =	vld [tilespmem:s0+$0x8400]  }
0x17e: {  	s28 =	sadd.s32 $0x10, s28;
	v3 =	vld [tilespmem:s0+$0x7C00]  }
0x17f: {  	v7 =	vld [tilespmem:s0+$0x8C00];
	s29 =	sadd.s32 $0x10, s24  }
0x180: {  	v8 =	vld [tilespmem:s29+$0xFFFFFC00];
	_ =	sdelay $0x2  }
0x181: {  	v4 =	vsub.f32 v4, v1;
	v6 =	vsub.f32 v6, v2  }
0x182: {  	v5 =	vsub.f32 v5, v0;
	v7 =	vsub.f32 v7, v3  }
0x183: {  	v4 =	vmul.f32 v8, v4;
	v6 =	vmul.f32 v8, v6  }
0x184: {  	v5 =	vmul.f32 v8, v5;
	v7 =	vmul.f32 v8, v7  }
0x185: {  	v57 =	vld [tilespmem:s29+$0x0];
	v58 =	vadd.f32 v4, v1;
	v59 =	vadd.f32 v6, v2  }
0x186: {  	v60 =	vadd.f32 v5, v0;
	v61 =	vadd.f32 v7, v3;
	_ =	sdelay $0x1  }
0x187: {  	v0 =	vsub.f32 v60, v58;
	v3 =	vsub.f32 v61, v59;
	_ =	sdelay $0x1  }
0x188: {  	v0 =	vmul.f32 v0, v57;
	v3 =	vmul.f32 v3, v57  }
0x189: {  	v62 =	vld [tilespmem:s29+$0x400]  }
0x18a: {  	v0 =	vadd.f32 v0, v58;
	v63 =	vadd.f32 v3, v59;
	_ =	sdelay $0x1  }
0x18b: {  	v1 =	vsub.f32 v63, v0;
	_ =	sdelay $0x1  }
0x18c: {  	v1 =	vmul.f32 v1, v62;
	_ =	sdelay $0x1  }
0x18d: {  	s22 =	sadd.s32 $0x1, s22;
	v0 =	vadd.f32 v1, v0  }
0x18e: {  	s30 =	sadd.s32 $0x10, s25;
	p0 =	sne.s32 s22, $0xF  }
.Ltmp5:
0x18f: {  	s31 =	sadd.s32 s2, s23;
	[tilespmem:s30+$0x0] =	vst v0;
	(pc) =	sbr.rel @p0 .LBB2_2-.Ltmp5, $4  }
0x190: {  	[hbm4b:s31+s3] =	stream.linear.scatter [tilespmem:s15], [sflag:$0x5], $0x400, $0x38;
	[tilespmem:$0xB400] =	vst v63  }
0x191: {  	_ =	swait.ge [sflag:s18], $0x400  }
0x192: {  	[sflag:s18] =	ssyncset.done $0x0  }
0x193: {  	[sflag:s18] =	ssyncadd.s32 $0xFFFFFC00  }
0x194: {  	_ =	swait.ge [sflag:s19], $0x400  }
0x195: {  	[sflag:s19] =	ssyncset.done $0x0  }
0x196: {  	[sflag:s19] =	ssyncadd.s32 $0xFFFFFC00  }
0x197: {  	_ =	swait.ge [sflag:s19], $0x400  }
0x198: {  	[sflag:s19] =	ssyncset.done $0x0  }
0x199: {  	[sflag:s19] =	ssyncadd.s32 $0xFFFFFC00  }
0x19a: {  	_ =	swait.ge [sflag:s19], $0x400  }
0x19b: {  	[sflag:s19] =	ssyncset.done $0x0  }
0x19c: {  	s22 =	simm.s32 $0x800;
	[sflag:s19] =	ssyncadd.s32 $0xFFFFFC00  }
0x19d: {  	v0 =	vld [tilespmem:s22+$0x0]  }
0x19e: {  	v1 =	vld [tilespmem:s22+$0xFFFFF800]  }
0x19f: {  	v2 =	vld [tilespmem:s22+$0xFFFFFC00];
	_ =	sdelay $0x2  }
0x1a0: {  	v0 =	vmax.f32 v0, $0.0e+00  }
0x1a1: {  	v1 =	vmax.f32 v1, $0.0e+00;
	v0 =	vmin.f32 v0, $9.999989860e-01  }
0x1a2: {  	v2 =	vmax.f32 v2, $0.0e+00;
	v1 =	vmin.f32 v1, $9.999989860e-01;
	v0 =	vmul.f32 $2.560000000e+02, v0  }
0x1a3: {  	v2 =	vmin.f32 v2, $9.999989860e-01;
	v1 =	vmul.f32 $2.560000000e+02, v1  }
0x1a4: {  	v2 =	vmul.f32 $2.560000000e+02, v2;
	v0 =	vmax.f32 v0, $0.0e+00  }
0x1a5: {  	v1 =	vmax.f32 v1, $0.0e+00;
	v5 =	vmin.f32 v0, $2.550000000e+02  }
0x1a6: {  	v0 =	vmin.f32 v1, $2.550000000e+02;
	v1 =	vmax.f32 v2, $0.0e+00;
	v2 =	vtrunc.f32 v5  }
0x1a7: {  	v3 =	vtrunc.f32 v0;
	v1 =	vmin.f32 v1, $2.550000000e+02;
	v4 =	vcvt.f32.s32 v2  }
0x1a8: {  	v6 =	vcvt.f32.s32 v3;
	v2 =	vtrunc.f32 v1  }
0x1a9: {  	v9 =	vcvt.f32.s32 v2;
	v2 =	vadd.s32 $0x1, v4;
	v10 =	vcvt.s32.f32 v4  }
0x1aa: {  	v3 =	vadd.s32 $0x1, v6;
	v7 =	vshll.u32 v6, $0x10;
	vm0 =	vlt.s32 v2, $0xFF  }
0x1ab: {  	vm1 =	vlt.s32 v3, $0xFF;
	v8 =	vadd.s32 $0x1, v9;
	v11 =	vshll.u32 v9, $0x8  }
0x1ac: {  	v3 =	vnsel vm1, $0xFF, v3;
	vm15 =	vlt.s32 v8, $0xFF;
	v12 =	vadd.s32 v7, v11  }
0x1ad: {  	v13 =	vnsel vm0, $0xFF, v2;
	v8 =	vnsel vm15, $0xFF, v8;
	v2 =	vadd.s32 v4, v12  }
0x1ae: {  	s23 =	simm.s32 $0x1C00;
	v3 =	vshll.u32 v3, $0x10;
	v12 =	vadd.s32 v12, v13;
	v8 =	vshll.u32 v8, $0x8  }
0x1af: {  	v5 =	vsub.f32 v5, v10;
	v11 =	vadd.s32 v11, v3;
	[tilespmem:s23+$0x0] =	vst v12;
	v7 =	vadd.s32 v7, v8  }
0x1b0: {  	s0 =	simm.s32 $0x0;
	[tilespmem:s23+$0xFFFFFC00] =	vst v2;
	v8 =	vadd.s32 v3, v8;
	v2 =	vadd.s32 v4, v11;
	v63 =	vadd.s32 v4, v7  }
0x1b1: {  	s0 =	sand.u32 $0x3F0, s0;
	v3 =	vadd.s32 v13, v11;
	v11 =	vadd.s32 v13, v7;
	v4 =	vadd.s32 v4, v8;
	[tilespmem:s23+$0x400] =	vst v63  }
0x1b2: {  	s25 =	simm.s32 $0x5C00;
	s26 =	simm.s32 $0x10;
	s24 =	simm.s32 $0x5C00;
	v8 =	vadd.s32 v13, v8;
	v7 =	vcvt.s32.f32 v6;
	v6 =	vcvt.s32.f32 v9;
	[tilespmem:s0+$0x2400] =	vst v11  }
.LBB2_14:
0x1b3: {  	[tilespmem:s0+$0x3400] =	vst v8;
	s23 =	sadd.s32 $0x10, s23;
	s22 =	sadd.s32 $0x10, s22;
	s25 =	sadd.s32 $0x10, s25  }
0x1b4: {  	p0 =	sne.s32 s26, $0x3F0;
	s28 =	smov.u32 s26;
	s26 =	sadd.s32 $0x10, s26;
	v0 =	vsub.f32 v0, v7;
	v1 =	vsub.f32 v1, v6;
	[tilespmem:s0+$0x2C00] =	vst v3  }
0x1b5: {  	[tilespmem:s0+$0x3000] =	vst v4  }
0x1b6: {  	[tilespmem:s0+$0x2800] =	vst v2  }
0x1b7: {  	[tilespmem:s24+$0xFFFFFC00] =	vst v0  }
0x1b8: {  	[tilespmem:s24+$0x400] =	vst v5  }
0x1b9: {  	[tilespmem:s24+$0x0] =	vst v1;
	s24 =	smov.u32 s25  }
0x1ba: {  	v0 =	vld [tilespmem:s22+$0x0]  }
0x1bb: {  	v1 =	vld [tilespmem:s22+$0xFFFFF800]  }
0x1bc: {  	v2 =	vld [tilespmem:s22+$0xFFFFFC00];
	_ =	sdelay $0x2  }
0x1bd: {  	v0 =	vmax.f32 v0, $0.0e+00  }
0x1be: {  	v1 =	vmax.f32 v1, $0.0e+00;
	v0 =	vmin.f32 v0, $9.999989860e-01  }
0x1bf: {  	v1 =	vmin.f32 v1, $9.999989860e-01;
	v2 =	vmax.f32 v2, $0.0e+00;
	v0 =	vmul.f32 $2.560000000e+02, v0  }
0x1c0: {  	v1 =	vmul.f32 $2.560000000e+02, v1;
	v2 =	vmin.f32 v2, $9.999989860e-01  }
0x1c1: {  	v2 =	vmul.f32 $2.560000000e+02, v2;
	v0 =	vmax.f32 v0, $0.0e+00  }
0x1c2: {  	v1 =	vmax.f32 v1, $0.0e+00;
	v5 =	vmin.f32 v0, $2.550000000e+02  }
0x1c3: {  	v0 =	vmin.f32 v1, $2.550000000e+02;
	v1 =	vmax.f32 v2, $0.0e+00;
	v2 =	vtrunc.f32 v5  }
0x1c4: {  	v3 =	vtrunc.f32 v0;
	v1 =	vmin.f32 v1, $2.550000000e+02;
	v4 =	vcvt.f32.s32 v2  }
0x1c5: {  	v6 =	vcvt.f32.s32 v3;
	v2 =	vtrunc.f32 v1  }
0x1c6: {  	v9 =	vcvt.f32.s32 v2;
	v2 =	vadd.s32 $0x1, v4;
	v10 =	vcvt.s32.f32 v4  }
0x1c7: {  	v3 =	vadd.s32 $0x1, v6;
	vm0 =	vlt.s32 v2, $0xFF;
	v7 =	vshll.u32 v6, $0x10  }
0x1c8: {  	vm1 =	vlt.s32 v3, $0xFF;
	v8 =	vadd.s32 $0x1, v9;
	v11 =	vshll.u32 v9, $0x8  }
0x1c9: {  	v3 =	vnsel vm1, $0xFF, v3;
	vm1 =	vlt.s32 v8, $0xFF;
	v12 =	vadd.s32 v7, v11  }
0x1ca: {  	v13 =	vnsel vm0, $0xFF, v2;
	v8 =	vnsel vm1, $0xFF, v8;
	v2 =	vadd.s32 v4, v12  }
.Ltmp6:
0x1cb: {  	v3 =	vshll.u32 v3, $0x10;
	v12 =	vadd.s32 v12, v13;
	v8 =	vshll.u32 v8, $0x8;
	(pc) =	sbr.rel @p0 .LBB2_14-.Ltmp6, $4  }
0x1cc: {  	v11 =	vadd.s32 v11, v3;
	v7 =	vadd.s32 v7, v8;
	v8 =	vadd.s32 v3, v8;
	[tilespmem:s23+$0x0] =	vst v12  }
0x1cd: {  	v3 =	vadd.s32 v13, v11;
	[tilespmem:s23+$0xFFFFFC00] =	vst v2;
	v12 =	vadd.s32 v4, v7;
	v2 =	vadd.s32 v4, v11  }
0x1ce: {  	s0 =	sand.u32 $0x3F0, s28;
	v11 =	vadd.s32 v13, v7;
	v4 =	vadd.s32 v4, v8;
	v8 =	vadd.s32 v13, v8;
	[tilespmem:s23+$0x400] =	vst v12  }
0x1cf: {  	v5 =	vsub.f32 v5, v10;
	v7 =	vcvt.s32.f32 v6;
	v6 =	vcvt.s32.f32 v9;
	[tilespmem:s0+$0x2400] =	vst v11  }
0x1d0: {  	[tilespmem:s0+$0x3400] =	vst v8  }
0x1d1: {  	[tilespmem:s0+$0x2C00] =	vst v3  }
0x1d2: {  	[tilespmem:s0+$0x3000] =	vst v4  }
0x1d3: {  	[tilespmem:s0+$0x2800] =	vst v2;
	v0 =	vsub.f32 v0, v7  }
0x1d4: {  	v1 =	vsub.f32 v1, v6;
	[tilespmem:s24+$0x400] =	vst v5  }
0x1d5: {  	[tilespmem:s24+$0xFFFFFC00] =	vst v0  }
0x1d6: {  	s26 =	simm.s32 $0x1800;
	s22 =	simm.s32 $0x7000;
	[tilespmem:s24+$0x0] =	vst v1  }
0x1d7: {  	[tilespmem:s22], [sflag:$0x3] =	stream.indirect.gather [hbm4b:s1+s17], $0x1, s26, s17, $0xb8;
	[tilespmem:$0xB400] =	vst v63  }
0x1d8: {  	s28 =	simm.s32 $0x1C00;
	s29 =	simm.s32 $0x7400  }
0x1d9: {  	[tilespmem:s29], [sflag:$0x3] =	stream.indirect.gather [hbm4b:s1+s17], $0x1, s28, s17, $0xb8;
	[tilespmem:$0xB400] =	vst v63  }
0x1da: {  	s30 =	simm.s32 $0x2000;
	s31 =	simm.s32 $0x7800  }
0x1db: {  	[tilespmem:s31], [sflag:$0x3] =	stream.indirect.gather [hbm4b:s1+s17], $0x1, s30, s17, $0xb8;
	[tilespmem:$0xB400] =	vst v63  }
0x1dc: {  	s23 =	simm.s32 $0x7C00;
	s22 =	simm.s32 $0x2400  }
0x1dd: {  	[tilespmem:s23], [sflag:$0x3] =	stream.indirect.gather [hbm4b:s1+s17], $0x1, s22, s17, $0xb8;
	[tilespmem:$0xB400] =	vst v63  }
0x1de: {  	s25 =	simm.s32 $0x8000;
	s24 =	simm.s32 $0x2800  }
0x1df: {  	[tilespmem:s25], [sflag:$0x3] =	stream.indirect.gather [hbm4b:s1+s17], $0x1, s24, s17, $0xb8;
	[tilespmem:$0xB400] =	vst v63  }
0x1e0: {  	s26 =	simm.s32 $0x2C00;
	s28 =	simm.s32 $0x8400  }
0x1e1: {  	[tilespmem:s28], [sflag:$0x3] =	stream.indirect.gather [hbm4b:s1+s17], $0x1, s26, s17, $0xb8;
	[tilespmem:$0xB400] =	vst v63  }
0x1e2: {  	_ = 	snop  }
0x1e3: {  	[tilespmem:s9], [sflag:$0x3] =	stream.indirect.gather [hbm4b:s1+s17], $0x1, s4, s17, $0xb8;
	[tilespmem:$0xB400] =	vst v63  }
0x1e4: {  	_ = 	snop  }
0x1e5: {  	[tilespmem:s11], [sflag:$0x3] =	stream.indirect.gather [hbm4b:s1+s17], $0x1, s10, s17, $0xb8;
	[tilespmem:$0xB400] =	vst v63  }
0x1e6: {  	_ =	swait.ge [sflag:s20], $0x400  }
0x1e7: {  	[sflag:s20] =	ssyncset.done $0x0  }
0x1e8: {  	[sflag:s20] =	ssyncadd.s32 $0xFFFFFC00  }
0x1e9: {  	_ =	swait.ge [sflag:s20], $0x400  }
0x1ea: {  	[sflag:s20] =	ssyncset.done $0x0  }
0x1eb: {  	[sflag:s20] =	ssyncadd.s32 $0xFFFFFC00  }
0x1ec: {  	_ =	swait.ge [sflag:s20], $0x400  }
0x1ed: {  	[sflag:s20] =	ssyncset.done $0x0  }
0x1ee: {  	[sflag:s20] =	ssyncadd.s32 $0xFFFFFC00  }
0x1ef: {  	_ =	swait.ge [sflag:s20], $0x400  }
0x1f0: {  	[sflag:s20] =	ssyncset.done $0x0  }
0x1f1: {  	[sflag:s20] =	ssyncadd.s32 $0xFFFFFC00  }
0x1f2: {  	_ =	swait.ge [sflag:s20], $0x400  }
0x1f3: {  	[sflag:s20] =	ssyncset.done $0x0  }
0x1f4: {  	[sflag:s20] =	ssyncadd.s32 $0xFFFFFC00  }
0x1f5: {  	_ =	swait.ge [sflag:s20], $0x400  }
0x1f6: {  	[sflag:s20] =	ssyncset.done $0x0  }
0x1f7: {  	[sflag:s20] =	ssyncadd.s32 $0xFFFFFC00  }
0x1f8: {  	_ =	swait.ge [sflag:s20], $0x400  }
0x1f9: {  	[sflag:s20] =	ssyncset.done $0x0  }
0x1fa: {  	[sflag:s20] =	ssyncadd.s32 $0xFFFFFC00  }
0x1fb: {  	_ =	swait.ge [sflag:s20], $0x400  }
0x1fc: {  	s29 =	simm.s32 $0x0;
	[sflag:s20] =	ssyncset.done $0x0  }
0x1fd: {  	s0 =	sand.u32 $0x3F0, s29;
	[sflag:s20] =	ssyncadd.s32 $0xFFFFFC00  }
0x1fe: {  	s30 =	simm.s32 $0x9400;
	v0 =	vld [tilespmem:s0+$0xA000]  }
0x1ff: {  	v1 =	vld [tilespmem:s30+$0xFFFFFC00]  }
0x200: {  	v2 =	vld [tilespmem:s30+$0x400]  }
0x201: {  	v3 =	vld [tilespmem:s0+$0xA800]  }
0x202: {  	v4 =	vld [tilespmem:s30+$0x0]  }
0x203: {  	v5 =	vld [tilespmem:s0+$0xA400]  }
0x204: {  	v6 =	vld [tilespmem:s0+$0x9C00]  }
0x205: {  	s22 =	simm.s32 $0x6800;
	v7 =	vld [tilespmem:s0+$0xAC00]  }
0x206: {  	v8 =	vld [tilespmem:s22+$0xFFFFFC00];
	_ =	sdelay $0x2  }
0x207: {  	v0 =	vsub.f32 v0, v1;
	v5 =	vsub.f32 v5, v4  }
0x208: {  	v3 =	vsub.f32 v3, v2;
	v7 =	vsub.f32 v7, v6  }
0x209: {  	v0 =	vmul.f32 v8, v0;
	v5 =	vmul.f32 v8, v5  }
0x20a: {  	v3 =	vmul.f32 v8, v3;
	v7 =	vmul.f32 v8, v7  }
0x20b: {  	v8 =	vld [tilespmem:s22+$0x0];
	v0 =	vadd.f32 v0, v1;
	v1 =	vadd.f32 v5, v4  }
0x20c: {  	v2 =	vadd.f32 v3, v2;
	v3 =	vadd.f32 v7, v6;
	_ =	sdelay $0x1  }
0x20d: {  	v2 =	vsub.f32 v2, v0;
	v3 =	vsub.f32 v3, v1;
	_ =	sdelay $0x1  }
0x20e: {  	v2 =	vmul.f32 v2, v8;
	v3 =	vmul.f32 v3, v8  }
0x20f: {  	v4 =	vld [tilespmem:s22+$0x400]  }
0x210: {  	v0 =	vadd.f32 v2, v0;
	v1 =	vadd.f32 v3, v1;
	_ =	sdelay $0x1  }
0x211: {  	v1 =	vsub.f32 v1, v0;
	_ =	sdelay $0x1  }
0x212: {  	v1 =	vmul.f32 v1, v4;
	_ =	sdelay $0x1  }
0x213: {  	v0 =	vadd.f32 v1, v0  }
0x214: {  	s31 =	simm.s32 $0x10;
	s23 =	simm.s32 $0xB000  }
0x215: {  	s0 =	sand.u32 $0x3F0, s31;
	[tilespmem:s23+$0x0] =	vst v0  }
0x216: {  	s24 =	simm.s32 $0x9410;
	v4 =	vld [tilespmem:s0+$0xA000]  }
0x217: {  	v1 =	vld [tilespmem:s24+$0xFFFFFC00]  }
0x218: {  	v0 =	vld [tilespmem:s24+$0x400]  }
0x219: {  	v5 =	vld [tilespmem:s0+$0xA800]  }
0x21a: {  	v2 =	vld [tilespmem:s24+$0x0]  }
0x21b: {  	v6 =	vld [tilespmem:s0+$0xA400]  }
0x21c: {  	s25 =	simm.s32 $0x20;
	v3 =	vld [tilespmem:s0+$0x9C00]  }
.LBB2_16:
0x21d: {  	p0 =	sne.s32 s25, $0x3F0;
	v7 =	vld [tilespmem:s0+$0xAC00];
	s22 =	sadd.s32 $0x10, s22  }
0x21e: {  	v8 =	vld [tilespmem:s22+$0xFFFFFC00];
	_ =	sdelay $0x2  }
0x21f: {  	v4 =	vsub.f32 v4, v1;
	v6 =	vsub.f32 v6, v2  }
0x220: {  	v5 =	vsub.f32 v5, v0;
	v7 =	vsub.f32 v7, v3  }
0x221: {  	v4 =	vmul.f32 v8, v4;
	v6 =	vmul.f32 v8, v6  }
0x222: {  	v5 =	vmul.f32 v8, v5;
	v7 =	vmul.f32 v8, v7  }
0x223: {  	v8 =	vld [tilespmem:s22+$0x0];
	v1 =	vadd.f32 v4, v1;
	v2 =	vadd.f32 v6, v2  }
0x224: {  	v0 =	vadd.f32 v5, v0;
	v3 =	vadd.f32 v7, v3;
	_ =	sdelay $0x1  }
0x225: {  	v0 =	vsub.f32 v0, v1;
	v3 =	vsub.f32 v3, v2;
	_ =	sdelay $0x1  }
0x226: {  	v0 =	vmul.f32 v0, v8;
	v3 =	vmul.f32 v3, v8  }
0x227: {  	v4 =	vld [tilespmem:s22+$0x400]  }
0x228: {  	v0 =	vadd.f32 v0, v1;
	v1 =	vadd.f32 v3, v2;
	_ =	sdelay $0x1  }
0x229: {  	v1 =	vsub.f32 v1, v0;
	_ =	sdelay $0x1  }
0x22a: {  	v1 =	vmul.f32 v1, v4;
	_ =	sdelay $0x1  }
0x22b: {  	v0 =	vadd.f32 v1, v0  }
0x22c: {  	s23 =	sadd.s32 $0x10, s23  }
0x22d: {  	s0 =	sand.u32 $0x3F0, s25;
	[tilespmem:s23+$0x0] =	vst v0  }
0x22e: {  	s24 =	sadd.s32 $0x10, s24;
	v4 =	vld [tilespmem:s0+$0xA000]  }
0x22f: {  	v1 =	vld [tilespmem:s24+$0xFFFFFC00]  }
.Ltmp7:
0x230: {  	v0 =	vld [tilespmem:s24+$0x400];
	(pc) =	sbr.rel @p0 .LBB2_16-.Ltmp7, $4  }
0x231: {  	v5 =	vld [tilespmem:s0+$0xA800]  }
0x232: {  	v2 =	vld [tilespmem:s24+$0x0]  }
0x233: {  	v6 =	vld [tilespmem:s0+$0xA400]  }
0x234: {  	s25 =	sadd.s32 $0x10, s25;
	v3 =	vld [tilespmem:s0+$0x9C00]  }
0x235: {  	v7 =	vld [tilespmem:s0+$0xAC00];
	s25 =	sadd.s32 $0x10, s22  }
0x236: {  	v8 =	vld [tilespmem:s25+$0xFFFFFC00];
	_ =	sdelay $0x2  }
0x237: {  	v4 =	vsub.f32 v4, v1;
	v6 =	vsub.f32 v6, v2  }
0x238: {  	v5 =	vsub.f32 v5, v0;
	v7 =	vsub.f32 v7, v3  }
0x239: {  	v4 =	vmul.f32 v8, v4;
	v6 =	vmul.f32 v8, v6  }
0x23a: {  	v5 =	vmul.f32 v8, v5;
	v7 =	vmul.f32 v8, v7  }
0x23b: {  	v8 =	vld [tilespmem:s25+$0x0];
	v1 =	vadd.f32 v4, v1;
	v2 =	vadd.f32 v6, v2  }
0x23c: {  	v0 =	vadd.f32 v5, v0;
	v3 =	vadd.f32 v7, v3;
	_ =	sdelay $0x1  }
0x23d: {  	v0 =	vsub.f32 v0, v1;
	v3 =	vsub.f32 v3, v2;
	_ =	sdelay $0x1  }
0x23e: {  	v0 =	vmul.f32 v0, v8;
	v3 =	vmul.f32 v3, v8  }
0x23f: {  	v4 =	vld [tilespmem:s25+$0x400]  }
0x240: {  	v0 =	vadd.f32 v0, v1;
	v1 =	vadd.f32 v3, v2;
	_ =	sdelay $0x1  }
0x241: {  	v1 =	vsub.f32 v1, v0;
	_ =	sdelay $0x1  }
0x242: {  	v1 =	vmul.f32 v1, v4;
	_ =	sdelay $0x1  }
0x243: {  	v0 =	vadd.f32 v1, v0  }
0x244: {  	s26 =	sadd.s32 $0x10, s23  }
0x245: {  	s28 =	simm.s32 $0x0;
	s22 =	simm.s32 $0xB000;
	s29 =	rddreg [dreg:$0x6];
	[tilespmem:s26+$0x0] =	vst v0  }
0x246: {  	[hbm4b:s29+s28] =	stream.linear.scatter [tilespmem:s22], [sflag:$0x5], $0x400, $0x38;
	[tilespmem:$0xB400] =	vst v63  }
0x247: {  	_ =	swait.ge [sflag:s18], $0x400  }
0x248: {  	[sflag:s18] =	ssyncset.done $0x0  }
0x249: {  	[sflag:s18] =	ssyncadd.s32 $0xFFFFFC00  }
0x24a: {  	_ =	swait.ge [sflag:s14], $0x400  }
0x24b: {  	[sflag:s14] =	ssyncset.done $0x0  }
0x24c: {  	[sflag:s14] =	ssyncadd.s32 $0xFFFFFC00  }
0x24d: {  	_ =	swait.ge [sflag:s14], $0x400  }
0x24e: {  	[sflag:s14] =	ssyncset.done $0x0  }
0x24f: {  	[sflag:s14] =	ssyncadd.s32 $0xFFFFFC00  }
0x250: {  	_ =	swait.ge [sflag:s14], $0x400  }
0x251: {  	[sflag:s14] =	ssyncset.done $0x0  }
0x252: {  	[sflag:s14] =	ssyncadd.s32 $0xFFFFFC00  }
0x253: {  	_ =	swait.ge [sflag:s14], $0x400  }
0x254: {  	[sflag:s14] =	ssyncset.done $0x0  }
0x255: {  	[sflag:s14] =	ssyncadd.s32 $0xFFFFFC00  }
0x256: {  	_ =	swait.ge [sflag:s14], $0x400  }
0x257: {  	[sflag:s14] =	ssyncset.done $0x0  }
0x258: {  	[sflag:s14] =	ssyncadd.s32 $0xFFFFFC00  }
0x259: {  	_ =	swait.ge [sflag:s14], $0x400  }
0x25a: {  	[sflag:s14] =	ssyncset.done $0x0  }
0x25b: {  	[sflag:s14] =	ssyncadd.s32 $0xFFFFFC00  }
0x25c: {  	_ =	swait.ge [sflag:s14], $0x400  }
0x25d: {  	[sflag:s14] =	ssyncset.done $0x0  }
0x25e: {  	[sflag:s14] =	ssyncadd.s32 $0xFFFFFC00  }
0x25f: {  	_ =	swait.ge [sflag:s14], $0x400  }
0x260: {  	[sflag:s14] =	ssyncset.done $0x0  }
0x261: {  	s0 =	sand.u32 $0x3F0, s28;
	[sflag:s14] =	ssyncadd.s32 $0xFFFFFC00  }
0x262: {  	s30 =	simm.s32 $0x7400;
	v0 =	vld [tilespmem:s0+$0x8000]  }
0x263: {  	v1 =	vld [tilespmem:s30+$0xFFFFFC00]  }
0x264: {  	v2 =	vld [tilespmem:s30+$0x400]  }
0x265: {  	v3 =	vld [tilespmem:s0+$0x8800]  }
0x266: {  	v4 =	vld [tilespmem:s30+$0x0]  }
0x267: {  	v5 =	vld [tilespmem:s0+$0x8400]  }
0x268: {  	v6 =	vld [tilespmem:s0+$0x7C00]  }
0x269: {  	s23 =	simm.s32 $0x5C00;
	v7 =	vld [tilespmem:s0+$0x8C00]  }
0x26a: {  	v8 =	vld [tilespmem:s23+$0xFFFFFC00];
	_ =	sdelay $0x2  }
0x26b: {  	v0 =	vsub.f32 v0, v1;
	v5 =	vsub.f32 v5, v4  }
0x26c: {  	v3 =	vsub.f32 v3, v2;
	v7 =	vsub.f32 v7, v6  }
0x26d: {  	v0 =	vmul.f32 v8, v0;
	v5 =	vmul.f32 v8, v5  }
0x26e: {  	v3 =	vmul.f32 v8, v3;
	v7 =	vmul.f32 v8, v7  }
0x26f: {  	v8 =	vld [tilespmem:s23+$0x0];
	v0 =	vadd.f32 v0, v1;
	v1 =	vadd.f32 v5, v4  }
0x270: {  	v2 =	vadd.f32 v3, v2;
	v3 =	vadd.f32 v7, v6;
	_ =	sdelay $0x1  }
0x271: {  	v2 =	vsub.f32 v2, v0;
	v3 =	vsub.f32 v3, v1;
	_ =	sdelay $0x1  }
0x272: {  	v2 =	vmul.f32 v2, v8;
	v3 =	vmul.f32 v3, v8  }
0x273: {  	v4 =	vld [tilespmem:s23+$0x400]  }
0x274: {  	v0 =	vadd.f32 v2, v0;
	v1 =	vadd.f32 v3, v1;
	_ =	sdelay $0x1  }
0x275: {  	v1 =	vsub.f32 v1, v0;
	_ =	sdelay $0x1  }
0x276: {  	v1 =	vmul.f32 v1, v4;
	_ =	sdelay $0x1  }
0x277: {  	v0 =	vadd.f32 v1, v0  }
0x278: {  	s31 =	simm.s32 $0x10  }
0x279: {  	s0 =	sand.u32 $0x3F0, s31;
	[tilespmem:s22+$0x0] =	vst v0  }
0x27a: {  	s24 =	simm.s32 $0x7410;
	v4 =	vld [tilespmem:s0+$0x8000]  }
0x27b: {  	v1 =	vld [tilespmem:s24+$0xFFFFFC00]  }
0x27c: {  	v0 =	vld [tilespmem:s24+$0x400]  }
0x27d: {  	v5 =	vld [tilespmem:s0+$0x8800]  }
0x27e: {  	v2 =	vld [tilespmem:s24+$0x0]  }
0x27f: {  	v6 =	vld [tilespmem:s0+$0x8400]  }
0x280: {  	s25 =	simm.s32 $0x20;
	v3 =	vld [tilespmem:s0+$0x7C00]  }
.LBB2_18:
0x281: {  	p0 =	sne.s32 s25, $0x3F0;
	v7 =	vld [tilespmem:s0+$0x8C00];
	s23 =	sadd.s32 $0x10, s23  }
0x282: {  	v8 =	vld [tilespmem:s23+$0xFFFFFC00];
	_ =	sdelay $0x2  }
0x283: {  	v4 =	vsub.f32 v4, v1;
	v6 =	vsub.f32 v6, v2  }
0x284: {  	v5 =	vsub.f32 v5, v0;
	v7 =	vsub.f32 v7, v3  }
0x285: {  	v4 =	vmul.f32 v8, v4;
	v6 =	vmul.f32 v8, v6  }
0x286: {  	v5 =	vmul.f32 v8, v5;
	v7 =	vmul.f32 v8, v7  }
0x287: {  	v8 =	vld [tilespmem:s23+$0x0];
	v1 =	vadd.f32 v4, v1;
	v2 =	vadd.f32 v6, v2  }
0x288: {  	v0 =	vadd.f32 v5, v0;
	v3 =	vadd.f32 v7, v3;
	_ =	sdelay $0x1  }
0x289: {  	v0 =	vsub.f32 v0, v1;
	v3 =	vsub.f32 v3, v2;
	_ =	sdelay $0x1  }
0x28a: {  	v0 =	vmul.f32 v0, v8;
	v3 =	vmul.f32 v3, v8  }
0x28b: {  	v4 =	vld [tilespmem:s23+$0x400]  }
0x28c: {  	v0 =	vadd.f32 v0, v1;
	v1 =	vadd.f32 v3, v2;
	_ =	sdelay $0x1  }
0x28d: {  	v1 =	vsub.f32 v1, v0;
	_ =	sdelay $0x1  }
0x28e: {  	v1 =	vmul.f32 v1, v4;
	_ =	sdelay $0x1  }
0x28f: {  	v0 =	vadd.f32 v1, v0  }
0x290: {  	s22 =	sadd.s32 $0x10, s22  }
0x291: {  	s0 =	sand.u32 $0x3F0, s25;
	[tilespmem:s22+$0x0] =	vst v0  }
0x292: {  	s24 =	sadd.s32 $0x10, s24;
	v4 =	vld [tilespmem:s0+$0x8000]  }
0x293: {  	v1 =	vld [tilespmem:s24+$0xFFFFFC00]  }
.Ltmp8:
0x294: {  	v0 =	vld [tilespmem:s24+$0x400];
	(pc) =	sbr.rel @p0 .LBB2_18-.Ltmp8, $4  }
0x295: {  	v5 =	vld [tilespmem:s0+$0x8800]  }
0x296: {  	v2 =	vld [tilespmem:s24+$0x0]  }
0x297: {  	v6 =	vld [tilespmem:s0+$0x8400]  }
0x298: {  	s25 =	sadd.s32 $0x10, s25;
	v3 =	vld [tilespmem:s0+$0x7C00]  }
0x299: {  	v7 =	vld [tilespmem:s0+$0x8C00];
	s26 =	sadd.s32 $0x10, s23  }
0x29a: {  	v8 =	vld [tilespmem:s26+$0xFFFFFC00];
	_ =	sdelay $0x2  }
0x29b: {  	v4 =	vsub.f32 v4, v1;
	v6 =	vsub.f32 v6, v2  }
0x29c: {  	v5 =	vsub.f32 v5, v0;
	v7 =	vsub.f32 v7, v3  }
0x29d: {  	v4 =	vmul.f32 v8, v4;
	v6 =	vmul.f32 v8, v6  }
0x29e: {  	v5 =	vmul.f32 v8, v5;
	v7 =	vmul.f32 v8, v7  }
0x29f: {  	v57 =	vld [tilespmem:s26+$0x0];
	v58 =	vadd.f32 v4, v1;
	v59 =	vadd.f32 v6, v2  }
0x2a0: {  	v60 =	vadd.f32 v5, v0;
	v61 =	vadd.f32 v7, v3;
	_ =	sdelay $0x1  }
0x2a1: {  	v0 =	vsub.f32 v60, v58;
	v3 =	vsub.f32 v61, v59;
	_ =	sdelay $0x1  }
0x2a2: {  	v0 =	vmul.f32 v0, v57;
	v3 =	vmul.f32 v3, v57  }
0x2a3: {  	v62 =	vld [tilespmem:s26+$0x400]  }
0x2a4: {  	v0 =	vadd.f32 v0, v58;
	v63 =	vadd.f32 v3, v59;
	_ =	sdelay $0x1  }
0x2a5: {  	v1 =	vsub.f32 v63, v0;
	_ =	sdelay $0x1  }
0x2a6: {  	v1 =	vmul.f32 v1, v62;
	_ =	sdelay $0x1  }
0x2a7: {  	v0 =	vadd.f32 v1, v0  }
0x2a8: {  	s28 =	sadd.s32 $0x10, s22  }
0x2a9: {  	s29 =	rddreg [dreg:$0x7];
	[tilespmem:s28+$0x0] =	vst v0  }
0x2aa: {  	[hbm4b:s29+s3] =	stream.linear.scatter [tilespmem:s15], [sflag:$0x5], $0x400, $0x38;
	[tilespmem:$0xB400] =	vst v63  }
0x2ab: {  	_ =	swait.ge [sflag:s18], $0x400  }
0x2ac: {  	s30 =	rddreg [dreg:$0x9]  }
0x2ad: {  	s31 =	rddreg [dreg:$0x8];
	s22 =	sadd.s32 $0x1, s30  }
0x2ae: {  	p0 =	sne.s32 s22, s31  }
.Ltmp9:
0x2af: {  	_ = 	snop;
	(pc) =	sbr.rel @p0 .LBB2_1-.Ltmp9, $3  }
0x2b0: {  	_ =	sdelay $0x1  }
0x2b1: {  	[sflag:s18] =	ssyncset.done $0x0  }
0x2b2: {  	[sflag:s18] =	ssyncadd.s32 $0xFFFFFC00  }
0x2b3: {  	_ =	sfence.sel $0x180000  }
0x2b4: {  	[bflag:$0x0] =	sbarrier.arrive $0xFFFF  }
0x2b5: {  	_ =	strace $0x9000004A  }
0x2b6: {  	s0 =	stileid.u32;
	[bflag:$0x2] =	sbarrier.arrive $0xFFFF  }
0x2b7: {  	p0 =	sne.s32 s0, $0x0;
	s0 =	rddreg [dreg:$0x2]  }
0x2b8: {  	s0 =	sadd.s32 @!p0 $0x100000, s0  }
0x2b9: {  	[sflag:s0] =	ssyncadd.tile.s32 @!p0 $0x1;
	_ =	shalt  }
.Lfunc_end2:
_tile_overlayer_lowered:
.L_overlay_start_2:
0x2ba: {  	(tag) =	ssettag $0x2  }
0x2bb: {  	s0 =	rddreg [dreg:$0x0];
	s2 =	stileid.u32  }
0x2bc: {  	s1 =	rddreg [dreg:$0x1];
	p0 =	sne.s32 s2, $0x0  }
0x2bd: {  	s3 =	rddreg [dreg:$0x2];
	[bflag:$0x3] =	sbarrier.arrive $0xFFFF;
	s2 =	simm.s32 @!p0 $0x1C05  }
0x2be: {  	[timem:s3], [sflag:s2] =	dma.local @!p0 [hbm:s0], s1  }
0x2bf: {  	s0 =	simm.s32 @!p0 $0x5  }
0x2c0: {  	_ =	swait.ge @!p0 [sflag:s0], s1  }
0x2c1: {  	s1 =	ssub.s32 @!p0 $0x0, s1;
	[sflag:s0] =	ssyncset.done @!p0 $0x0  }
0x2c2: {  	[sflag:s0] =	ssyncadd.s32 @!p0 s1  }
0x2c3: {  	[bflag:$0x3] =	sbarrier.arrive $0xFFFF  }
0x2c4: {  	_ =	shalt  }

// kernel: sparse-core-data-format-call.cloned.1.call-start
scs
called_computation_lowered:
.L_overlay_start_0:
0x0: {  	s2 =	sld [smem:$0x3FD9]  }
0x1: {  	s3 =	sld [smem:$0x3FFE];
	_ =	sdelay $0x1  }
0x2: {  	s1 =	srdreg.scid  }
0x3: {  	s0 =	sand.u32 $0x1, s1  }
0x4: {  	s18 =	sshll.u32 s0, $0xA;
	s2 =	sadd.s32 s3, s2  }
0x5: {  	s2 =	sadd.s32 s2, s18  }
0x6: {  	[smem:$0x3FC6] =	sst s2  }
0x7: {  	_ = 	snop  }
0x8: {  	s2 =	sld [smem:$0x3FC8];
	(tm) =	ssettm $0x1  }
0x9: {  	s19 =	sld [smem:$0x3FFB];
	_ =	sdelay $0x3  }
0xa: {  	_ =	strace s19  }
0xb: {  	s3 =	sld [smem:$0x3FFC];
	_ =	sdelay $0x3  }
0xc: {  	_ =	strace s3  }
0xd: {  	s3 =	sld [smem:$0x3FFD];
	_ =	sdelay $0x3  }
0xe: {  	_ =	strace s3  }
0xf: {  	_ =	strace $0x8FFFFFFF  }
0x10: {  	s20 =	sld [smem:$0x3FDB];
	_ =	sdelay $0x1  }
0x11: {  	s4 =	simm.s32 $_scs_section_size  }
0x12: {  	s5 =	simm.s32 $_size__tile_overlayer_lowered;
	s6 =	simm.s32 $_tile_overlayer_lowered  }
0x13: {  	s23 =	simm.s32 $0x1BFF;
	s22 =	sshll.u32 s6, $0x1;
	s3 =	sadd.s32 s4, s20  }
0x14: {  	s7 =	simm.s32 $0x0;
	s21 =	sshll.u32 s5, $0x1;
	s5 =	sadd.s32 s22, s3  }
0x15: {  	[timem:s7], [sflag:s23] =	dma.local [hbm:s5], s21  }
0x16: {  	_ =	swait.ge [sflag:s23], s21  }
0x17: {  	s4 =	ssub.s32 $0x0, s21;
	[sflag:s23] =	ssyncset.done $0x0  }
0x18: {  	[sflag:s23] =	ssyncadd.s32 s4;
	_ =	sdelay $0x1  }
0x19: {  	s24 =	simm.s32 $0x1B8B  }
0x1a: {  	_ =	swait.ge [sflag:s24], $0x1  }
0x1b: {  	[sflag:s24] =	ssyncset.done $0x0  }
0x1c: {  	s26 =	simm.s32 $0x1B8E;
	s25 =	sld [smem:$0x3FFE];
	[sflag:s24] =	ssyncadd.s32 $0xFFFFFFFF  }
0x1d: {  	s27 =	simm.s32 $execute0_lowered;
	[smem:$0x3FD2] =	sst s26  }
0x1e: {  	s5 =	sshll.u32 s27, $0x1;
	_ =	strace $0x80000046;
	[dreg:$0x1] =	wrdreg $0xFFFFFFFF  }
0x1f: {  	s28 =	simm.s32 $_size_execute0_lowered;
	s3 =	sadd.s32 s3, s5;
	[dreg:$0x0] =	wrdreg $0x0  }
0x20: {  	s5 =	sshll.u32 s28, $0x1;
	[dreg:$0x2] =	wrdreg s3  }
0x21: {  	[dreg:$0x3] =	wrdreg s5  }
0x22: {  	[dreg:$0x4] =	wrdreg $0xC0  }
0x23: {  	_ =	task [dreg:s7], $0x5FFFF  }
0x24: {  	[dreg:$0x1] =	wrdreg $0xFFFFFFFF  }
0x25: {  	[dreg:$0x0] =	wrdreg $0x60  }
0x26: {  	[dreg:$0x2] =	wrdreg s2  }
0x27: {  	[dreg:$0x3] =	wrdreg s25  }
0x28: {  	[dreg:$0x4] =	wrdreg $0x9  }
0x29: {  	_ =	task.clear_ibuf [dreg:s7], $0x5FFFF;
	_ =	strace $0x90000046  }
0x2a: {  	s29 =	simm.s32 $0x9;
	_ =	strace $0x80000048  }
0x2b: {  	_ =	swait.ge [sflag:s29], $0x1  }
0x2c: {  	[sflag:s29] =	ssyncadd.s32 $0xFFFFFFFF  }
0x2d: {  	_ =	strace $0x90000048  }
0x2e: {  	_ =	sfence  }
0x2f: {  	s30 =	sld [smem:$0x0];
	_ =	sdelay $0x2  }
0x30: {  	s31 =	sshll.u32 s1, $0xD;
	s1 =	sshrl.u32 s1, $0x2  }
0x31: {  	s3 =	sand.u32 $0x4000, s31;
	s1 =	sadd.s32 s1, s30  }
0x32: {  	s0 =	sor.u32 s3, s0;
	s1 =	sshll.u32 s1, $0x11  }
0x33: {  	s0 =	sor.u32 s1, s0  }
0x34: {  	s0 =	sadd.s32 $0x8F2B, s0  }
0x35: {  	[sflag:s0] =	ssyncadd.remote.s32 $0x1  }
0x36: {  	_ =	sfence.sel $0xFFFF  }
0x37: {  	[dreg:$0x0] =	wrdreg $0xFFFFFFFF;
	(pc) =	sbr.abs _section_cstart, $3  }
0x38: {  	[dreg:$0x1] =	wrdreg $0xFFFFFFFF  }
0x39: {  	_ =	task.clear_ibuf [dreg:s7], $0x2FFFF;
	_ =	strace $0x9FFFFFFF  }
0x3a: {  	(tm) =	ssettm $0x7FFFFFFF  }
0x3b: {  	_ =	shalt  }
tec
execute0_lowered:
.L_overlay_start_1:
0x0: {  	(tag) =	ssettag $0x1  }
0x1: {  	s0 =	srdreg.scid  }
0x2: {  	s1 =	sshll.u32 s0, $0x4  }
0x3: {  	s2 =	rddreg [dreg:$0x0];
	s0 =	stileid.u32;
	s1 =	sand.u32 $0x10, s1  }
0x4: {  	s4 =	rddreg [dreg:$0x1];
	s1 =	sor.u32 s0, s1  }
0x5: {  	s7 =	simm.s32 $0x1;
	s8 =	simm.s32 $0x2;
	s3 =	sshll.u32 s1, $0x3  }
0x6: {  	s9 =	simm.s32 $0x0;
	s12 =	simm.s32 $0x0;
	s6 =	ssub.s32 $0x2000, s3  }
.Ltmp0:
0x7: {  	s11 =	simm.s32 $0x0;
	s5 =	sand.u32 $0xF8, s6;
	(pc) =	sbr.rel .LBB1_1-.Ltmp0, $4  }
0x8: {  	s1 =	rddreg [dreg:$0x2];
	_ =	strace $0x80000047;
	p0 =	sne.s32 s5, $0x0  }
0x9: {  	s6 =	sshrl.u32 s6, $0x8;
	s5 =	simm.s32 $0x1;
	s7 =	simm.s32 @!p0 $0x0  }
0xa: {  	s10 =	smov.u32 s3;
	[sflag:s5] =	ssyncpa.u1 $0x0;
	s6 =	sadd.s32 s7, s6  }
0xb: {  	[sflag:s8] =	ssyncpa.u1 $0x0;
	s8 =	simm.s32 $0x0;
	s7 =	sadd.s32 $0x1, s6  }
.LBB1_9:
0xc: {  	s14 =	sadd.s32 $0x100, s10  }
0xd: {  	p1 =	sgt.s32 s14, $0x1FFF  }
0xe: {  	s14 =	smov.u32 @p1 s3;
	p1 =	sne.s32 s11, s7  }
.Ltmp1:
0xf: {  	p0 =	slt.u32 s11, $0x2;
	(pc) =	sbr.rel @!p1 .LBB1_10-.Ltmp1, $4  }
0x10: {  	s13 =	simm.s32 @!p0 $0x2  }
0x11: {  	s15 =	sadd.s32 $0x1, s11;
	_ =	swait.ge @!p0 [sflag:s13], $0x4000  }
0x12: {  	s12 =	smov.u32 s10;
	s9 =	sadd.s32 $0x4000, s9;
	[sflag:s13] =	ssyncset.done @!p0 $0x0  }
0x13: {  	s11 =	smov.u32 s15;
	s10 =	smov.u32 s14;
	[sflag:s13] =	ssyncadd.s32 @!p0 $0xFFFFC000  }
.LBB1_1:
0x14: {  	p0 =	sge.u32 s11, s6  }
0x15: {  	s13 =	sxor.u32 @!p0 $0xFFFFFFFF, s11  }
0x16: {  	s31 =	sadd.s32 $0xFFFFFFFF, s11;
	s14 =	sshll.u32 @!p0 s10, $0x8;
	s13 =	sshll.u32 @!p0 s13, $0xE  }
0x17: {  	s15 =	simm.s32 @!p0 $0x0;
	s14 =	sadd.s32 @!p0 s2, s14;
	s13 =	sand.u32 @!p0 $0x4000, s13  }
0x18: {  	[tilespmem:s13], [sflag:$0x1] =	stream.linear.gather @!p0 [hbm4b:s14+s15], $0x4000, $0x38;
	[tilespmem:$0x10000] =	vst v63  }
0x19: {  	p0 =	sge.u32 s31, s6  }
.Ltmp2:
0x1a: {  	_ = 	snop;
	(pc) =	sbr.rel @p0 .LBB1_9-.Ltmp2, $1  }
0x1b: {  	_ =	sdelay $0x3  }
0x1c: {  	s13 =	sshll.u32 s9, $0x2;
	_ =	swait.ge [sflag:s5], $0x4000;
	s14 =	sshll.u32 s11, $0xE  }
0x1d: {  	s16 =	simm.s32 $0x0;
	s17 =	simm.s32 $0x0;
	s15 =	sand.u32 $0x10000, s13  }
0x1e: {  	[sflag:s5] =	ssyncset.done $0x0;
	s31 =	sand.u32 $0x4000, s14;
	s14 =	sshrl.u32 s15, $0x2  }
0x1f: {  	[sflag:s5] =	ssyncadd.s32 $0xFFFFC000;
	s13 =	sor.u32 $0x8000, s31;
	s15 =	sor.u32 $0x8000, s14  }
.LBB1_3:
0x20: {  	s18 =	sshra.s32 s16, $0x2  }
0x21: {  	v0 =	vmov s18;
	_ =	sdelay $0x3  }
0x22: {  	p1 =	por $0x1, $0x1;
	s18 =	simm.s32 $0x0  }
.LBB1_4:
0x23: {  	_ = 	snop  }
0x24: {  	s19 =	sshll.u32 s18, $0xA  }
0x25: {  	s19 =	sand.u32 $0x3FFFFC00, s19  }
0x26: {  	s19 =	sadd.s32 s19, s14  }
0x27: {  	v5 =	vld.idx.msk [tilespmem:v0+s19+$0x70 ss:$0x1], $0xffff  }
0x28: {  	v6 =	vld.idx.msk [tilespmem:v0+s19+$0x10 ss:$0x1], $0xffff  }
0x29: {  	v7 =	vld.idx.msk [tilespmem:v0+s19+$0x20 ss:$0x1], $0xffff  }
0x2a: {  	s31 =	sshll.u32 s18, $0x7;
	v1 =	vld.idx.msk [tilespmem:v0+s19+$0x30 ss:$0x1], $0xffff  }
0x2b: {  	s18 =	sand.u32 $0x3FFFFF80, s31;
	v2 =	vld.idx.msk [tilespmem:v0+s19+$0x40 ss:$0x1], $0xffff  }
0x2c: {  	s18 =	sadd.s32 s18, s15;
	v3 =	vld.idx.msk [tilespmem:v0+s19+$0x50 ss:$0x1], $0xffff  }
0x2d: {  	v4 =	vld.idx.msk [tilespmem:v0+s19+$0x60 ss:$0x1], $0xffff;
	[tilespmem:v0+s18+$0x70 ss:$0x1] =	vst.idx.msk $0xffff, v5  }
0x2e: {  	v5 =	vld.idx.msk [tilespmem:v0+s19+$0x0 ss:$0x1], $0xffff;
	[tilespmem:v0+s18+$0x10 ss:$0x1] =	vst.idx.msk $0xffff, v6;
	s19 =	sadd.s32 $0x80, s19  }
0x2f: {  	p0 =	por p1, p1;
	s20 =	simm.s32 $0x6;
	[tilespmem:v0+s18+$0x20 ss:$0x1] =	vst.idx.msk $0xffff, v7;
	v6 =	vld.idx.msk [tilespmem:v0+s19+$0x70 ss:$0x1], $0xffff  }
.LBB1_5:
0x30: {  	p1 =	sne.s32 s20, $0x1;
	v7 =	vld.idx.msk [tilespmem:v0+s19+$0x10 ss:$0x1], $0xffff;
	[tilespmem:v0+s18+$0x30 ss:$0x1] =	vst.idx.msk $0xffff, v1  }
0x31: {  	v8 =	vld.idx.msk [tilespmem:v0+s19+$0x20 ss:$0x1], $0xffff;
	[tilespmem:v0+s18+$0x40 ss:$0x1] =	vst.idx.msk $0xffff, v2  }
0x32: {  	v1 =	vld.idx.msk [tilespmem:v0+s19+$0x30 ss:$0x1], $0xffff;
	[tilespmem:v0+s18+$0x50 ss:$0x1] =	vst.idx.msk $0xffff, v3  }
.Ltmp3:
0x33: {  	v2 =	vld.idx.msk [tilespmem:v0+s19+$0x40 ss:$0x1], $0xffff;
	[tilespmem:v0+s18+$0x60 ss:$0x1] =	vst.idx.msk $0xffff, v4;
	(pc) =	sbr.rel @p1 .LBB1_5-.Ltmp3, $4  }
0x34: {  	v3 =	vld.idx.msk [tilespmem:v0+s19+$0x50 ss:$0x1], $0xffff;
	[tilespmem:v0+s18+$0x0 ss:$0x1] =	vst.idx.msk $0xffff, v5;
	s18 =	sadd.s32 $0x100, s18  }
0x35: {  	v4 =	vld.idx.msk [tilespmem:v0+s19+$0x60 ss:$0x1], $0xffff;
	[tilespmem:v0+s18+$0x70 ss:$0x1] =	vst.idx.msk $0xffff, v6  }
0x36: {  	v5 =	vld.idx.msk [tilespmem:v0+s19+$0x0 ss:$0x1], $0xffff;
	[tilespmem:v0+s18+$0x10 ss:$0x1] =	vst.idx.msk $0xffff, v7;
	s19 =	sadd.s32 $0x80, s19  }
0x37: {  	s20 =	sadd.s32 $0xFFFFFFFF, s20;
	v6 =	vld.idx.msk [tilespmem:v0+s19+$0x70 ss:$0x1], $0xffff;
	[tilespmem:v0+s18+$0x20 ss:$0x1] =	vst.idx.msk $0xffff, v8  }
0x38: {  	_ =	sdelay $0x3  }
0x39: {  	[tilespmem:v0+s18+$0x30 ss:$0x1] =	vst.idx.msk $0xffff, v1  }
0x3a: {  	v1 =	vld.idx.msk [tilespmem:v0+s19+$0x10 ss:$0x1], $0xffff;
	[tilespmem:v0+s18+$0x40 ss:$0x1] =	vst.idx.msk $0xffff, v2  }
0x3b: {  	v2 =	vld.idx.msk [tilespmem:v0+s19+$0x20 ss:$0x1], $0xffff;
	[tilespmem:v0+s18+$0x50 ss:$0x1] =	vst.idx.msk $0xffff, v3  }
0x3c: {  	v61 =	vld.idx.msk [tilespmem:v0+s19+$0x40 ss:$0x1], $0xffff;
	[tilespmem:v0+s18+$0x60 ss:$0x1] =	vst.idx.msk $0xffff, v4  }
0x3d: {  	s31 =	sadd.s32 $0x100, s18;
	v62 =	vld.idx.msk [tilespmem:v0+s19+$0x50 ss:$0x1], $0xffff;
	[tilespmem:v0+s18+$0x0 ss:$0x1] =	vst.idx.msk $0xffff, v5  }
0x3e: {  	v63 =	vld.idx.msk [tilespmem:v0+s19+$0x60 ss:$0x1], $0xffff;
	[tilespmem:v0+s31+$0x70 ss:$0x1] =	vst.idx.msk $0xffff, v6  }
0x3f: {  	v3 =	vld.idx.msk [tilespmem:v0+s19+$0x30 ss:$0x1], $0xffff;
	[tilespmem:v0+s31+$0x10 ss:$0x1] =	vst.idx.msk $0xffff, v1  }
0x40: {  	v1 =	vld.idx.msk [tilespmem:v0+s19+$0x0 ss:$0x1], $0xffff;
	[tilespmem:v0+s31+$0x20 ss:$0x1] =	vst.idx.msk $0xffff, v2  }
.Ltmp4:
0x41: {  	[tilespmem:v0+s31+$0x40 ss:$0x1] =	vst.idx.msk $0xffff, v61;
	(pc) =	sbr.rel @p0 .LBB1_4-.Ltmp4, $4  }
0x42: {  	[tilespmem:v0+s31+$0x50 ss:$0x1] =	vst.idx.msk $0xffff, v62  }
0x43: {  	[tilespmem:v0+s31+$0x60 ss:$0x1] =	vst.idx.msk $0xffff, v63  }
0x44: {  	[tilespmem:v0+s31+$0x30 ss:$0x1] =	vst.idx.msk $0xffff, v3  }
0x45: {  	p1 =	por $0x0, $0x0;
	s18 =	simm.s32 $0x1;
	[tilespmem:v0+s31+$0x0 ss:$0x1] =	vst.idx.msk $0xffff, v1  }
0x46: {  	s17 =	sadd.s32 $0x1, s17  }
0x47: {  	p0 =	sne.s32 s17, $0x8  }
.Ltmp5:
0x48: {  	_ = 	snop;
	(pc) =	sbr.rel @p0 .LBB1_3-.Ltmp5, $2  }
0x49: {  	_ =	sdelay $0x2  }
0x4a: {  	s16 =	sadd.s32 $0x2000, s16  }
.Ltmp6:
0x4b: {  	(pc) =	sbr.rel .LBB1_9-.Ltmp6, $4  }
0x4c: {  	_ = 	snop  }
0x4d: {  	s12 =	sshll.u32 s12, $0x8  }
0x4e: {  	s12 =	sadd.s32 s4, s12  }
0x4f: {  	[hbm4b:s12+s8] =	stream.linear.scatter [tilespmem:s13], [sflag:$0x2], $0x4000, $0x38;
	[tilespmem:$0x10000] =	vst v63  }
.LBB1_10:
0x50: {  	_ =	sfence.sel $0x180000  }
0x51: {  	s2 =	simm.s32 $0x1;
	[bflag:$0x0] =	sbarrier.arrive $0xFFFF  }
0x52: {  	s31 =	simm.s32 $0x2;
	[sflag:s2] =	ssyncpa.u1 $0x1  }
0x53: {  	[sflag:s31] =	ssyncpa.u1 $0x1  }
0x54: {  	p0 =	sne.s32 s0, $0x0;
	_ =	strace $0x90000047  }
0x55: {  	s0 =	sadd.s32 @!p0 $0x100000, s1;
	[bflag:$0x2] =	sbarrier.arrive $0xFFFF  }
0x56: {  	[sflag:s0] =	ssyncadd.tile.s32 @!p0 $0x1;
	_ =	shalt  }
.Lfunc_end1:
_tile_overlayer_lowered:
.L_overlay_start_2:
0x57: {  	(tag) =	ssettag $0x2  }
0x58: {  	s0 =	rddreg [dreg:$0x0];
	s2 =	stileid.u32  }
0x59: {  	s1 =	rddreg [dreg:$0x1];
	p0 =	sne.s32 s2, $0x0  }
0x5a: {  	s3 =	rddreg [dreg:$0x2];
	[bflag:$0x3] =	sbarrier.arrive $0xFFFF;
	s2 =	simm.s32 @!p0 $0x1C01  }
0x5b: {  	[timem:s3], [sflag:s2] =	dma.local @!p0 [hbm:s0], s1  }
0x5c: {  	s0 =	simm.s32 @!p0 $0x1  }
0x5d: {  	_ =	swait.ge @!p0 [sflag:s0], s1  }
0x5e: {  	s1 =	ssub.s32 @!p0 $0x0, s1;
	[sflag:s0] =	ssyncset.done @!p0 $0x0  }
0x5f: {  	[sflag:s0] =	ssyncadd.s32 @!p0 s1  }
0x60: {  	[bflag:$0x3] =	sbarrier.arrive $0xFFFF  }
0x61: {  	_ =	shalt  }

</sc_bundles>
